<compile_context>
chip_gen: v7x
topology: tpu7x:2x2x1
jax: 0.10.2.dev20260603
libtpu: 0.0.44.dev20260713+nightly
codegen_flags: <defaults>
</compile_context>

<pallas_src>
import functools

import jax
import jax.numpy as jnp
from jax import lax
from jax.experimental import pallas as pl
from jax.experimental.pallas import tpu as pltpu
from jax.experimental.pallas import tpu_sc as plsc

N_NODES = 100000
N_EDGES = 3200000
NC = 2
NS = 16
NW = NC * NS
E_PER_W = N_EDGES // NW
CHUNK = 4000
N_CHUNKS = E_PER_W // CHUNK
GROUPS = CHUNK // 16
N_PAD = 784 * 128
NPS = N_PAD // NS
W_GROUPS = NPS // 16
RB = 112
TC_GRID = 784 // RB

_mesh = plsc.VectorSubcoreMesh(core_axis_name="c", subcore_axis_name="s")
_sc_params = pltpu.CompilerParams(needs_layout_passes=False)


def _rsqrt16(b2, iters=2):
    i = plsc.bitcast(b2, jnp.int32)
    i = jnp.int32(0x5F3759DF) - (i >> 1)
    y = plsc.bitcast(i, jnp.float32)
    for _ in range(iters):
        y = y * (1.5 - 0.5 * b2 * y * y)
    return y


def _edge_geom(rx_buf, ry_buf, rz_buf, gi):
    gsl = pl.ds(gi * 16, 16)
    x = rx_buf[gsl]
    y = ry_buf[gsl]
    z = rz_buf[gsl]
    b2 = jnp.maximum(x * x + y * y + z * z, 1e-30)
    rinv = _rsqrt16(b2)
    return x, y, z, b2 * rinv, rinv


@functools.partial(
    pl.kernel,
    out_type=jax.ShapeDtypeStruct((NC, N_PAD), jnp.float32),
    mesh=_mesh,
    compiler_params=_sc_params,
    scratch_types=[
        pltpu.VMEM_SHARED((N_PAD,), jnp.float32),
        pltpu.VMEM((16,), jnp.float32),
    ] + ([pltpu.VMEM((CHUNK,), jnp.float32)] * 3
         + [pltpu.VMEM((CHUNK,), jnp.int32)]
         + [pltpu.VMEM((CHUNK,), jnp.float32)]) * 2
      + [pltpu.SemaphoreType.DMA] * 4,
)
def _sc_density(rx_hbm, ry_hbm, rz_hbm, dst_hbm, par_hbm, zeros_hbm, rho_out,
                rho_sh, par_v,
                rxa, rya, rza, dsta, da,
                rxb, ryb, rzb, dstb, db,
                sin_a, sin_b, ssc_a, ssc_b):
    cid = lax.axis_index("c")
    sid = lax.axis_index("s")
    wid = sid * NC + cid
    sl = pl.ds(sid * NPS, NPS)
    pltpu.sync_copy(zeros_hbm.at[sl], rho_sh.at[sl])
    pltpu.sync_copy(par_hbm, par_v)
    plsc.subcore_barrier()

    pv = par_v[...]
    a_d = pv[0]
    l_d = pv[1]
    e_base = wid * E_PER_W

    bufs_a = (rxa, rya, rza, dsta, da, sin_a, ssc_a)
    bufs_b = (rxb, ryb, rzb, dstb, db, sin_b, ssc_b)

    def start_in(e0, bufs):
        esl = pl.ds(e0, CHUNK)
        pltpu.async_copy(rx_hbm.at[esl], bufs[0], bufs[5])
        pltpu.async_copy(ry_hbm.at[esl], bufs[1], bufs[5])
        pltpu.async_copy(rz_hbm.at[esl], bufs[2], bufs[5])
        pltpu.async_copy(dst_hbm.at[esl], bufs[3], bufs[5])

    def drain_in(bufs):
        esl = pl.ds(0, CHUNK)
        pltpu.make_async_copy(rx_hbm.at[esl], bufs[0], bufs[5]).wait()
        pltpu.make_async_copy(ry_hbm.at[esl], bufs[1], bufs[5]).wait()
        pltpu.make_async_copy(rz_hbm.at[esl], bufs[2], bufs[5]).wait()
        pltpu.make_async_copy(dst_hbm.at[esl], bufs[3], bufs[5]).wait()

    def compute(bufs):
        @plsc.parallel_loop(0, GROUPS, unroll=2)
        def _(gi):
            _, _, _, b, _ = _edge_geom(bufs[0], bufs[1], bufs[2], gi)
            bufs[4][pl.ds(gi * 16, 16)] = a_d * jnp.exp(-l_d * b)

        return pltpu.async_copy(bufs[4], rho_sh.at[bufs[3]], bufs[6],
                                add=True)

    def pair_body(ci, carry):
        e0 = e_base + ci * (2 * CHUNK)
        start_in(e0, bufs_a)
        start_in(e0 + CHUNK, bufs_b)
        drain_in(bufs_a)
        sc_a = compute(bufs_a)
        drain_in(bufs_b)
        sc_b = compute(bufs_b)
        sc_a.wait()
        sc_b.wait()
        return carry

    lax.fori_loop(0, (N_CHUNKS - 1) // 2, pair_body, 0)
    start_in(e_base + (N_CHUNKS - 1) * CHUNK, bufs_a)
    drain_in(bufs_a)
    compute(bufs_a).wait()
    plsc.subcore_barrier()
    pltpu.sync_copy(rho_sh.at[sl], rho_out.at[cid, sl])


@functools.partial(
    pl.kernel,
    out_type=(jax.ShapeDtypeStruct((NC * 3, N_PAD), jnp.float32),
              jax.ShapeDtypeStruct((NW, 16), jnp.float32),
              jax.ShapeDtypeStruct((NW, 16), jnp.float32)),
    mesh=_mesh,
    compiler_params=_sc_params,
    scratch_types=[
        pltpu.VMEM_SHARED((N_PAD,), jnp.float32),
        pltpu.VMEM_SHARED((N_PAD,), jnp.float32),
        pltpu.VMEM_SHARED((N_PAD,), jnp.float32),
        pltpu.VMEM_SHARED((N_PAD,), jnp.float32),
        pltpu.VMEM((NPS,), jnp.float32),
        pltpu.VMEM((NPS,), jnp.float32),
        pltpu.VMEM((16,), jnp.float32),
        pltpu.VMEM((16,), jnp.float32),
        pltpu.VMEM((16,), jnp.float32),
    ] + [pltpu.VMEM((CHUNK,), jnp.float32)] * 3
      + [pltpu.VMEM((CHUNK,), jnp.int32)] * 2
      + [pltpu.VMEM((CHUNK,), jnp.float32)] * 7
      + [pltpu.SemaphoreType.DMA] * 2,
)
def _sc_forces(rx_hbm, ry_hbm, rz_hbm, src_hbm, dst_hbm, rho_hbm, par_hbm,
               zeros_hbm, f_out, rep_out, sq_out,
               w_sh, fx_sh, fy_sh, fz_sh, p0_v, p1_v,
               par_v, acc_buf, sq_buf,
               rx_buf, ry_buf, rz_buf, src_buf, dst_buf,
               wv_buf, pfx, pfy, pfz, nfx, nfy, nfz,
               sem, sem_dst):
    cid = lax.axis_index("c")
    sid = lax.axis_index("s")
    wid = sid * NC + cid
    sl = pl.ds(sid * NPS, NPS)
    pltpu.sync_copy(rho_hbm.at[0, sl], p0_v)
    pltpu.sync_copy(rho_hbm.at[1, sl], p1_v)
    pltpu.sync_copy(zeros_hbm.at[sl], fx_sh.at[sl])
    pltpu.sync_copy(zeros_hbm.at[sl], fy_sh.at[sl])
    pltpu.sync_copy(zeros_hbm.at[sl], fz_sh.at[sl])
    pltpu.sync_copy(par_hbm, par_v)

    def wgrp(gi, acc):
        gsl = pl.ds(gi * 16, 16)
        rho = p0_v[gsl] + p1_v[gsl]
        wv = _rsqrt16(rho, iters=3)
        p0_v[gsl] = wv
        return acc + rho * wv

    sq = lax.fori_loop(0, W_GROUPS, wgrp, jnp.zeros((16,), jnp.float32))
    sq_buf[...] = sq
    pltpu.sync_copy(sq_buf, sq_out.at[wid])
    pltpu.sync_copy(p0_v, w_sh.at[sl])
    plsc.subcore_barrier()

    pv = par_v[...]
    a_d = pv[0]
    l_d = pv[1]
    a_r = pv[2]
    l_r = pv[3]
    k1 = pv[4]
    e_base = wid * E_PER_W

    def chunk_body(ci, acc):
        e0 = e_base + ci * CHUNK
        esl = pl.ds(e0, CHUNK)
        in_dst = pltpu.async_copy(dst_hbm.at[esl], dst_buf, sem_dst)
        ins = [pltpu.async_copy(rx_hbm.at[esl], rx_buf, sem),
               pltpu.async_copy(ry_hbm.at[esl], ry_buf, sem),
               pltpu.async_copy(rz_hbm.at[esl], rz_buf, sem),
               pltpu.async_copy(src_hbm.at[esl], src_buf, sem)]
        in_dst.wait()
        gw = pltpu.async_copy(w_sh.at[dst_buf], wv_buf, sem)
        for c in ins:
            c.wait()
        gw.wait()

        def grp(gi, acc):
            x, y, z, b, rinv = _edge_geom(rx_buf, ry_buf, rz_buf, gi)
            gsl = pl.ds(gi * 16, 16)
            wv = wv_buf[gsl]
            d = a_d * jnp.exp(-l_d * b)
            rep = a_r * jnp.exp(-l_r * b)
            s = (l_r * rep - k1 * d * wv) * rinv
            sx = s * x
            sy = s * y
            sz = s * z
            pfx[gsl] = sx
            pfy[gsl] = sy
            pfz[gsl] = sz
            nfx[gsl] = -sx
            nfy[gsl] = -sy
            nfz[gsl] = -sz
            return acc + rep

        acc = lax.fori_loop(0, GROUPS, grp, acc)
        pltpu.sync_copy(pfx, fx_sh.at[dst_buf], add=True)
        pltpu.sync_copy(pfy, fy_sh.at[dst_buf], add=True)
        pltpu.sync_copy(pfz, fz_sh.at[dst_buf], add=True)
        pltpu.sync_copy(nfx, fx_sh.at[src_buf], add=True)
        pltpu.sync_copy(nfy, fy_sh.at[src_buf], add=True)
        pltpu.sync_copy(nfz, fz_sh.at[src_buf], add=True)
        return acc

    acc = lax.fori_loop(0, N_CHUNKS, chunk_body, jnp.zeros((16,), jnp.float32))
    acc_buf[...] = acc
    pltpu.sync_copy(acc_buf, rep_out.at[wid])
    plsc.subcore_barrier()
    pltpu.sync_copy(fx_sh.at[sl], f_out.at[cid * 3, sl])
    pltpu.sync_copy(fy_sh.at[sl], f_out.at[cid * 3 + 1, sl])
    pltpu.sync_copy(fz_sh.at[sl], f_out.at[cid * 3 + 2, sl])


def _tc_final_body(f_ref, rep_ref, sq_ref, ae_ref, fo_ref, en_ref):
    i = pl.program_id(0)
    fo_ref[...] = f_ref[0] + f_ref[1]

    @pl.when(i == 0)
    def _():
        en_ref[...] = (-ae_ref[...] * 0.5 * jnp.sum(sq_ref[...])
                       + jnp.sum(rep_ref[...]))


def _tc_final(f_part, rep_part, sq_part, ae):
    return pl.pallas_call(
        _tc_final_body,
        grid=(TC_GRID,),
        in_specs=[pl.BlockSpec((NC, 3, RB, 128), lambda i: (0, 0, i, 0)),
                  pl.BlockSpec((NW, 16), lambda i: (0, 0)),
                  pl.BlockSpec((NW, 16), lambda i: (0, 0)),
                  pl.BlockSpec((1, 1), lambda i: (0, 0))],
        out_specs=(pl.BlockSpec((3, RB, 128), lambda i: (0, i, 0)),
                   pl.BlockSpec((1, 1), lambda i: (0, 0))),
        out_shape=(jax.ShapeDtypeStruct((3, 784, 128), jnp.float32),
                   jax.ShapeDtypeStruct((1, 1), jnp.float32)),
    )(f_part, rep_part, sq_part, ae)


def kernel(r, amp_d, ls_d, amp_r, ls_r, amp_e, src, dst):
    sp = lambda v: jnp.logaddexp(v, 0.0)
    a_d = sp(amp_d)
    l_d = sp(ls_d)
    a_r = sp(amp_r)
    l_r = sp(ls_r)
    a_e = sp(amp_e)
    params = jnp.zeros((16,), jnp.float32)
    params = params.at[0].set(a_d).at[1].set(l_d).at[2].set(a_r)
    params = params.at[3].set(l_r).at[4].set(a_e * l_d * 0.5)
    zeros = jnp.zeros((N_PAD,), jnp.float32)

    rt = r.T
    rx = rt[0]
    ry = rt[1]
    rz = rt[2]
    rho_part = _sc_density(rx, ry, rz, dst, params, zeros)
    f_part, rep_part, sq_part = _sc_forces(rx, ry, rz, src, dst,
                                           rho_part, params, zeros)
    fsum, en = _tc_final(f_part.reshape(NC, 3, 784, 128), rep_part, sq_part,
                         a_e.astype(jnp.float32).reshape(1, 1))

    forces = fsum.reshape(3, N_PAD)[:, :N_NODES].T
    return en[0, 0], forces

# --- scband reference (transcript-rebuilt; emitter-appended) ---
"""Pipeline reference for scband-simple-embedded-atom-potential-12128987644536 (READ-ONLY COPY).

The authoritative reference and input builder live on the scoring server;
editing this copy changes nothing except your own understanding.
"""

import jax, jax.numpy as jnp
import numpy as np

N_NODES = 100000
N_EDGES = 3200000

def _inv_softplus(r):
    return r + np.log(-np.expm1(-r))

def _softplus(x):
    return jnp.logaddexp(x, 0.0)

def setup_inputs(seed: int = 0) -> dict:
    key = jax.random.key(seed)
    k1, k2, k3 = jax.random.split(key, 3)
    r = jax.random.normal(k1, (N_EDGES, 3), dtype=jnp.float32) * 1.5
    src = jax.random.randint(k2, (N_EDGES,), 0, N_NODES, dtype=jnp.int32)
    dst = jax.random.randint(k3, (N_EDGES,), 0, N_NODES, dtype=jnp.int32)
    return {
        'r': r,
        'amp_d': jnp.asarray(_inv_softplus(3.0), dtype=jnp.float32),
        'ls_d': jnp.asarray(_inv_softplus(1.5), dtype=jnp.float32),
        'amp_r': jnp.asarray(_inv_softplus(10.0), dtype=jnp.float32),
        'ls_r': jnp.asarray(_inv_softplus(5.0), dtype=jnp.float32),
        'amp_e': jnp.asarray(_inv_softplus(3.0), dtype=jnp.float32),
        'src': src,
        'dst': dst,
    }

def reference(r, amp_d, ls_d, amp_r, ls_r, amp_e, src, dst):
    def energy_fn(rr):
        bondlen = jnp.linalg.norm(rr, axis=1)
        # ExponentialDensity per edge
        density_ij = _softplus(amp_d) * jnp.exp(-_softplus(ls_d) * bondlen)
        # message passing: copy_e + sum -> scatter-add onto destination nodes
        local_density = jax.ops.segment_sum(density_ij, dst, num_segments=N_NODES)
        # SqrtEmbedding per node
        F = -_softplus(amp_e) * jnp.sqrt(local_density)
        # ExponentialRepulsive per edge
        pair_repulsion = _softplus(amp_r) * jnp.exp(-_softplus(ls_r) * bondlen)
        # readout_nodes + readout_edges (single graph in batch)
        return jnp.sum(F) + jnp.sum(pair_repulsion)

    total_energy = energy_fn(r)
    # autograd_forces: dE/dr per edge, then scatter pairwise forces to atoms
    dE_dr = jax.grad(energy_fn)(r)
    pairwise_forces = -dE_dr
    forces = (jax.ops.segment_sum(pairwise_forces, dst, num_segments=N_NODES)
              - jax.ops.segment_sum(pairwise_forces, src, num_segments=N_NODES))
    return total_energy, forces

if __name__ == "__main__":
    import jax
    _d = setup_inputs()
    print(jax.jit(kernel)(*tuple(_d.values())))

</pallas_src>

<mosaic_0001>
#map = affine_map<(d0, d1) -> (0)>
#map1 = affine_map<(d0, d1) -> (0, 0)>
module attributes {stable_mosaic.version = 14 : i64} {
  func.func @_sc_forces(%arg0: i32, %arg1: i32, %arg2: memref<3200000xf32, #tpu.memory_space<hbm>>, %arg3: memref<3200000xf32, #tpu.memory_space<hbm>>, %arg4: memref<3200000xf32, #tpu.memory_space<hbm>>, %arg5: memref<3200000xi32, #tpu.memory_space<hbm>>, %arg6: memref<3200000xi32, #tpu.memory_space<hbm>>, %arg7: memref<2x100352xf32, #tpu.memory_space<hbm>>, %arg8: memref<16xf32, #tpu.memory_space<hbm>>, %arg9: memref<100352xf32, #tpu.memory_space<hbm>>, %arg10: memref<6x100352xf32, #tpu.memory_space<hbm>>, %arg11: memref<32x16xf32, #tpu.memory_space<hbm>>, %arg12: memref<32x16xf32, #tpu.memory_space<hbm>>, %arg13: memref<100352xf32, #tpu.memory_space<vmem_shared>>, %arg14: memref<100352xf32, #tpu.memory_space<vmem_shared>>, %arg15: memref<100352xf32, #tpu.memory_space<vmem_shared>>, %arg16: memref<100352xf32, #tpu.memory_space<vmem_shared>>, %arg17: memref<6272xf32, #tpu.memory_space<vmem>>, %arg18: memref<6272xf32, #tpu.memory_space<vmem>>, %arg19: memref<16xf32, #tpu.memory_space<vmem>>, %arg20: memref<16xf32, #tpu.memory_space<vmem>>, %arg21: memref<16xf32, #tpu.memory_space<vmem>>, %arg22: memref<4000xf32, #tpu.memory_space<vmem>>, %arg23: memref<4000xf32, #tpu.memory_space<vmem>>, %arg24: memref<4000xf32, #tpu.memory_space<vmem>>, %arg25: memref<4000xi32, #tpu.memory_space<vmem>>, %arg26: memref<4000xi32, #tpu.memory_space<vmem>>, %arg27: memref<4000xf32, #tpu.memory_space<vmem>>, %arg28: memref<4000xf32, #tpu.memory_space<vmem>>, %arg29: memref<4000xf32, #tpu.memory_space<vmem>>, %arg30: memref<4000xf32, #tpu.memory_space<vmem>>, %arg31: memref<4000xf32, #tpu.memory_space<vmem>>, %arg32: memref<4000xf32, #tpu.memory_space<vmem>>, %arg33: memref<4000xf32, #tpu.memory_space<vmem>>, %arg34: memref<!tpu.dma_semaphore, #tpu.memory_space<semaphore_mem>>, %arg35: memref<!tpu.dma_semaphore, #tpu.memory_space<semaphore_mem>>) attributes {dimension_semantics = [#tpu.dimension_semantics<core_parallel>, #tpu.dimension_semantics<subcore_parallel>], iteration_bounds = array<i64: 2, 16>, scalar_prefetch = 0 : i64, scratch_operands = 23 : i64, tpu.core_type = #tpu.core_type<sc_vector_subcore>, window_params = [{transform_indices = #map}, {transform_indices = #map}, {transform_indices = #map}, {transform_indices = #map}, {transform_indices = #map}, {transform_indices = #map1}, {transform_indices = #map}, {transform_indices = #map}, {transform_indices = #map1}, {transform_indices = #map1}, {transform_indices = #map1}]} {
    %mul3A = arith.constant 2 : i32
    %mul3A_0 = arith.muli %arg1, %mul3A : i32
    %add3A = arith.addi %mul3A_0, %arg0 : i32
    %mul3A_1 = arith.constant 6272 : i32
    %mul3A_2 = arith.muli %arg1, %mul3A_1 : i32
    %run_scoped3A = arith.constant 0 : i32
    "tpu.region"() ({
      %run_scoped3A_43 = tpu.sem_alloc : memref<!tpu.dma_semaphore, #tpu.memory_space<semaphore_mem>>
      %dma_start3A = tpu.memref_slice %arg7[%run_scoped3A, %mul3A_2] : memref<2x100352xf32, #tpu.memory_space<hbm>> -> memref<1x6272xf32, #tpu.memory_space<hbm>>
      %dma_start3A_44 = tpu.memref_squeeze %dma_start3A : memref<1x6272xf32, #tpu.memory_space<hbm>> -> memref<6272xf32, #tpu.memory_space<hbm>>
      %dma_start3A_45 = tpu.memref_slice %arg7[%run_scoped3A, %mul3A_2] : memref<2x100352xf32, #tpu.memory_space<hbm>> -> memref<1x6272xf32, #tpu.memory_space<hbm>>
      %dma_start3A_46 = tpu.memref_squeeze %dma_start3A_45 : memref<1x6272xf32, #tpu.memory_space<hbm>> -> memref<6272xf32, #tpu.memory_space<hbm>>
      tpu.enqueue_dma source(%dma_start3A_46 : memref<6272xf32, #tpu.memory_space<hbm>>) target(%arg17 : memref<6272xf32, #tpu.memory_space<vmem>>) target_semaphore(%run_scoped3A_43 : memref<!tpu.dma_semaphore, #tpu.memory_space<semaphore_mem>>)
      %dma_wait3A = tpu.memref_slice %arg7[%run_scoped3A, %mul3A_2] : memref<2x100352xf32, #tpu.memory_space<hbm>> -> memref<1x6272xf32, #tpu.memory_space<hbm>>
      %dma_wait3A_47 = tpu.memref_squeeze %dma_wait3A : memref<1x6272xf32, #tpu.memory_space<hbm>> -> memref<6272xf32, #tpu.memory_space<hbm>>
      %dma_wait3A_48 = tpu.memref_slice %arg7[%run_scoped3A, %mul3A_2] : memref<2x100352xf32, #tpu.memory_space<hbm>> -> memref<1x6272xf32, #tpu.memory_space<hbm>>
      %dma_wait3A_49 = tpu.memref_squeeze %dma_wait3A_48 : memref<1x6272xf32, #tpu.memory_space<hbm>> -> memref<6272xf32, #tpu.memory_space<hbm>>
      tpu.wait_dma2 semaphore(%run_scoped3A_43 : memref<!tpu.dma_semaphore, #tpu.memory_space<semaphore_mem>>) src(%dma_wait3A_49 : memref<6272xf32, #tpu.memory_space<hbm>>) dst(%arg17 : memref<6272xf32, #tpu.memory_space<vmem>>)
      tpu.yield
    }) : () -> ()
    %run_scoped3A_3 = arith.constant 1 : i32
    "tpu.region"() ({
      %run_scoped3A_43 = tpu.sem_alloc : memref<!tpu.dma_semaphore, #tpu.memory_space<semaphore_mem>>
      %dma_start3A = tpu.memref_slice %arg7[%run_scoped3A_3, %mul3A_2] : memref<2x100352xf32, #tpu.memory_space<hbm>> -> memref<1x6272xf32, #tpu.memory_space<hbm>>
      %dma_start3A_44 = tpu.memref_squeeze %dma_start3A : memref<1x6272xf32, #tpu.memory_space<hbm>> -> memref<6272xf32, #tpu.memory_space<hbm>>
      %dma_start3A_45 = tpu.memref_slice %arg7[%run_scoped3A_3, %mul3A_2] : memref<2x100352xf32, #tpu.memory_space<hbm>> -> memref<1x6272xf32, #tpu.memory_space<hbm>>
      %dma_start3A_46 = tpu.memref_squeeze %dma_start3A_45 : memref<1x6272xf32, #tpu.memory_space<hbm>> -> memref<6272xf32, #tpu.memory_space<hbm>>
      tpu.enqueue_dma source(%dma_start3A_46 : memref<6272xf32, #tpu.memory_space<hbm>>) target(%arg18 : memref<6272xf32, #tpu.memory_space<vmem>>) target_semaphore(%run_scoped3A_43 : memref<!tpu.dma_semaphore, #tpu.memory_space<semaphore_mem>>)
      %dma_wait3A = tpu.memref_slice %arg7[%run_scoped3A_3, %mul3A_2] : memref<2x100352xf32, #tpu.memory_space<hbm>> -> memref<1x6272xf32, #tpu.memory_space<hbm>>
      %dma_wait3A_47 = tpu.memref_squeeze %dma_wait3A : memref<1x6272xf32, #tpu.memory_space<hbm>> -> memref<6272xf32, #tpu.memory_space<hbm>>
      %dma_wait3A_48 = tpu.memref_slice %arg7[%run_scoped3A_3, %mul3A_2] : memref<2x100352xf32, #tpu.memory_space<hbm>> -> memref<1x6272xf32, #tpu.memory_space<hbm>>
      %dma_wait3A_49 = tpu.memref_squeeze %dma_wait3A_48 : memref<1x6272xf32, #tpu.memory_space<hbm>> -> memref<6272xf32, #tpu.memory_space<hbm>>
      tpu.wait_dma2 semaphore(%run_scoped3A_43 : memref<!tpu.dma_semaphore, #tpu.memory_space<semaphore_mem>>) src(%dma_wait3A_49 : memref<6272xf32, #tpu.memory_space<hbm>>) dst(%arg18 : memref<6272xf32, #tpu.memory_space<vmem>>)
      tpu.yield
    }) : () -> ()
    "tpu.region"() ({
      %run_scoped3A_43 = tpu.sem_alloc : memref<!tpu.dma_semaphore, #tpu.memory_space<semaphore_mem>>
      %dma_start3A = tpu.memref_slice %arg14[%mul3A_2] : memref<100352xf32, #tpu.memory_space<vmem_shared>> -> memref<6272xf32, #tpu.memory_space<vmem_shared>>
      %dma_start3A_44 = tpu.memref_slice %arg9[%mul3A_2] : memref<100352xf32, #tpu.memory_space<hbm>> -> memref<6272xf32, #tpu.memory_space<hbm>>
      tpu.enqueue_dma source(%dma_start3A_44 : memref<6272xf32, #tpu.memory_space<hbm>>) target(%dma_start3A : memref<6272xf32, #tpu.memory_space<vmem_shared>>) target_semaphore(%run_scoped3A_43 : memref<!tpu.dma_semaphore, #tpu.memory_space<semaphore_mem>>)
      %dma_wait3A = tpu.memref_slice %arg14[%mul3A_2] : memref<100352xf32, #tpu.memory_space<vmem_shared>> -> memref<6272xf32, #tpu.memory_space<vmem_shared>>
      %dma_wait3A_45 = tpu.memref_slice %arg9[%mul3A_2] : memref<100352xf32, #tpu.memory_space<hbm>> -> memref<6272xf32, #tpu.memory_space<hbm>>
      tpu.wait_dma2 semaphore(%run_scoped3A_43 : memref<!tpu.dma_semaphore, #tpu.memory_space<semaphore_mem>>) src(%dma_wait3A_45 : memref<6272xf32, #tpu.memory_space<hbm>>) dst(%dma_wait3A : memref<6272xf32, #tpu.memory_space<vmem_shared>>)
      tpu.yield
    }) : () -> ()
    "tpu.region"() ({
      %run_scoped3A_43 = tpu.sem_alloc : memref<!tpu.dma_semaphore, #tpu.memory_space<semaphore_mem>>
      %dma_start3A = tpu.memref_slice %arg15[%mul3A_2] : memref<100352xf32, #tpu.memory_space<vmem_shared>> -> memref<6272xf32, #tpu.memory_space<vmem_shared>>
      %dma_start3A_44 = tpu.memref_slice %arg9[%mul3A_2] : memref<100352xf32, #tpu.memory_space<hbm>> -> memref<6272xf32, #tpu.memory_space<hbm>>
      tpu.enqueue_dma source(%dma_start3A_44 : memref<6272xf32, #tpu.memory_space<hbm>>) target(%dma_start3A : memref<6272xf32, #tpu.memory_space<vmem_shared>>) target_semaphore(%run_scoped3A_43 : memref<!tpu.dma_semaphore, #tpu.memory_space<semaphore_mem>>)
      %dma_wait3A = tpu.memref_slice %arg15[%mul3A_2] : memref<100352xf32, #tpu.memory_space<vmem_shared>> -> memref<6272xf32, #tpu.memory_space<vmem_shared>>
      %dma_wait3A_45 = tpu.memref_slice %arg9[%mul3A_2] : memref<100352xf32, #tpu.memory_space<hbm>> -> memref<6272xf32, #tpu.memory_space<hbm>>
      tpu.wait_dma2 semaphore(%run_scoped3A_43 : memref<!tpu.dma_semaphore, #tpu.memory_space<semaphore_mem>>) src(%dma_wait3A_45 : memref<6272xf32, #tpu.memory_space<hbm>>) dst(%dma_wait3A : memref<6272xf32, #tpu.memory_space<vmem_shared>>)
      tpu.yield
    }) : () -> ()
    "tpu.region"() ({
      %run_scoped3A_43 = tpu.sem_alloc : memref<!tpu.dma_semaphore, #tpu.memory_space<semaphore_mem>>
      %dma_start3A = tpu.memref_slice %arg16[%mul3A_2] : memref<100352xf32, #tpu.memory_space<vmem_shared>> -> memref<6272xf32, #tpu.memory_space<vmem_shared>>
      %dma_start3A_44 = tpu.memref_slice %arg9[%mul3A_2] : memref<100352xf32, #tpu.memory_space<hbm>> -> memref<6272xf32, #tpu.memory_space<hbm>>
      tpu.enqueue_dma source(%dma_start3A_44 : memref<6272xf32, #tpu.memory_space<hbm>>) target(%dma_start3A : memref<6272xf32, #tpu.memory_space<vmem_shared>>) target_semaphore(%run_scoped3A_43 : memref<!tpu.dma_semaphore, #tpu.memory_space<semaphore_mem>>)
      %dma_wait3A = tpu.memref_slice %arg16[%mul3A_2] : memref<100352xf32, #tpu.memory_space<vmem_shared>> -> memref<6272xf32, #tpu.memory_space<vmem_shared>>
      %dma_wait3A_45 = tpu.memref_slice %arg9[%mul3A_2] : memref<100352xf32, #tpu.memory_space<hbm>> -> memref<6272xf32, #tpu.memory_space<hbm>>
      tpu.wait_dma2 semaphore(%run_scoped3A_43 : memref<!tpu.dma_semaphore, #tpu.memory_space<semaphore_mem>>) src(%dma_wait3A_45 : memref<6272xf32, #tpu.memory_space<hbm>>) dst(%dma_wait3A : memref<6272xf32, #tpu.memory_space<vmem_shared>>)
      tpu.yield
    }) : () -> ()
    "tpu.region"() ({
      %run_scoped3A_43 = tpu.sem_alloc : memref<!tpu.dma_semaphore, #tpu.memory_space<semaphore_mem>>
      tpu.enqueue_dma source(%arg8 : memref<16xf32, #tpu.memory_space<hbm>>) target(%arg19 : memref<16xf32, #tpu.memory_space<vmem>>) target_semaphore(%run_scoped3A_43 : memref<!tpu.dma_semaphore, #tpu.memory_space<semaphore_mem>>)
      tpu.wait_dma2 semaphore(%run_scoped3A_43 : memref<!tpu.dma_semaphore, #tpu.memory_space<semaphore_mem>>) src(%arg8 : memref<16xf32, #tpu.memory_space<hbm>>) dst(%arg19 : memref<16xf32, #tpu.memory_space<vmem>>)
      tpu.yield
    }) : () -> ()
    %broadcast_in_dim3A = arith.constant 0.000000e+00 : f32
    %broadcast_in_dim3A_4 = vector.broadcast %broadcast_in_dim3A : f32 to vector<16xf32>
    %scan3A = arith.constant 0 : i32
    %scan3A_5 = arith.constant 392 : i32
    %scan3A_6 = arith.addi %scan3A, %scan3A_5 : i32
    %scan3A_7 = arith.constant 1 : i32
    %scan3A_8 = scf.for %scan3A_43 = %scan3A to %scan3A_6 step %scan3A_7 iter_args(%scan3A_44 = %broadcast_in_dim3A_4) -> (vector<16xf32>)  : i32 {
      %mul3A_45 = arith.constant 16 : i32
      %mul3A_46 = arith.muli %scan3A_43, %mul3A_45 : i32
      %get3A_47 = arith.index_cast %mul3A_46 : i32 to index
      %get3A_48 = tpu.vector_load %arg17[%get3A_47] {strides = array<i32>} : memref<6272xf32, #tpu.memory_space<vmem>>, vector<16xf32>,
      %get3A_49 = arith.index_cast %mul3A_46 : i32 to index
      %get3A_50 = tpu.vector_load %arg18[%get3A_49] {strides = array<i32>} : memref<6272xf32, #tpu.memory_space<vmem>>, vector<16xf32>,
      %add3A_51 = arith.addf %get3A_48, %get3A_50 : vector<16xf32>
      %bitcast3A = vector.bitcast %add3A_51 : vector<16xf32> to vector<16xi32>
      %shift_right_arithmetic3A = arith.constant 1 : i32
      %shift_right_arithmetic3A_52 = vector.broadcast %shift_right_arithmetic3A : i32 to vector<16xi32>
      %shift_right_arithmetic3A_53 = arith.shrsi %bitcast3A, %shift_right_arithmetic3A_52 : vector<16xi32>
      %sub3A = arith.constant 1597463007 : i32
      %sub3A_54 = vector.broadcast %sub3A : i32 to vector<16xi32>
      %sub3A_55 = arith.subi %sub3A_54, %shift_right_arithmetic3A_53 : vector<16xi32>
      %bitcast3A_56 = vector.bitcast %sub3A_55 : vector<16xi32> to vector<16xf32>
      %mul3A_57 = arith.constant 5.000000e-01 : f32
      %mul3A_58 = vector.broadcast %mul3A_57 : f32 to vector<16xf32>
      %mul3A_59 = arith.mulf %mul3A_58, %add3A_51 : vector<16xf32>
      %mul3A_60 = arith.mulf %mul3A_59, %bitcast3A_56 : vector<16xf32>
      %mul3A_61 = arith.mulf %mul3A_60, %bitcast3A_56 : vector<16xf32>
      %sub3A_62 = arith.constant 1.500000e+00 : f32
      %sub3A_63 = vector.broadcast %sub3A_62 : f32 to vector<16xf32>
      %sub3A_64 = arith.subf %sub3A_63, %mul3A_61 : vector<16xf32>
      %mul3A_65 = arith.mulf %bitcast3A_56, %sub3A_64 : vector<16xf32>
      %mul3A_66 = arith.constant 5.000000e-01 : f32
      %mul3A_67 = vector.broadcast %mul3A_66 : f32 to vector<16xf32>
      %mul3A_68 = arith.mulf %mul3A_67, %add3A_51 : vector<16xf32>
      %mul3A_69 = arith.mulf %mul3A_68, %mul3A_65 : vector<16xf32>
      %mul3A_70 = arith.mulf %mul3A_69, %mul3A_65 : vector<16xf32>
      %sub3A_71 = arith.constant 1.500000e+00 : f32
      %sub3A_72 = vector.broadcast %sub3A_71 : f32 to vector<16xf32>
      %sub3A_73 = arith.subf %sub3A_72, %mul3A_70 : vector<16xf32>
      %mul3A_74 = arith.mulf %mul3A_65, %sub3A_73 : vector<16xf32>
      %mul3A_75 = arith.constant 5.000000e-01 : f32
      %mul3A_76 = vector.broadcast %mul3A_75 : f32 to vector<16xf32>
      %mul3A_77 = arith.mulf %mul3A_76, %add3A_51 : vector<16xf32>
      %mul3A_78 = arith.mulf %mul3A_77, %mul3A_74 : vector<16xf32>
      %mul3A_79 = arith.mulf %mul3A_78, %mul3A_74 : vector<16xf32>
      %sub3A_80 = arith.constant 1.500000e+00 : f32
      %sub3A_81 = vector.broadcast %sub3A_80 : f32 to vector<16xf32>
      %sub3A_82 = arith.subf %sub3A_81, %mul3A_79 : vector<16xf32>
      %mul3A_83 = arith.mulf %mul3A_74, %sub3A_82 : vector<16xf32>
      %swap3A_84 = arith.index_cast %mul3A_46 : i32 to index
      %swap3A_85 = tpu.vector_load %arg17[%swap3A_84] {strides = array<i32>} : memref<6272xf32, #tpu.memory_space<vmem>>, vector<16xf32>,
      tpu.vector_store %arg17[%swap3A_84], %mul3A_83 {strides = array<i32>} : memref<6272xf32, #tpu.memory_space<vmem>>, vector<16xf32>,
      %mul3A_86 = arith.mulf %add3A_51, %mul3A_83 : vector<16xf32>
      %add3A_87 = arith.addf %scan3A_44, %mul3A_86 : vector<16xf32>
      scf.yield %add3A_87 : vector<16xf32>
    }
    %scan3A_9 = arith.constant 392 : i32
    %swap3A = arith.constant 0 : index
    %swap3A_10 = tpu.vector_load %arg21[%swap3A] {strides = array<i32>} : memref<16xf32, #tpu.memory_space<vmem>>, vector<16xf32>,
    tpu.vector_store %arg21[%swap3A], %scan3A_8 {strides = array<i32>} : memref<16xf32, #tpu.memory_space<vmem>>, vector<16xf32>,
    "tpu.region"() ({
      %run_scoped3A_43 = tpu.sem_alloc : memref<!tpu.dma_semaphore, #tpu.memory_space<semaphore_mem>>
      %dma_start3A = arith.constant 0 : i32
      %dma_start3A_44 = tpu.memref_slice %arg12[%add3A, %dma_start3A] : memref<32x16xf32, #tpu.memory_space<hbm>> -> memref<1x16xf32, #tpu.memory_space<hbm>>
      %dma_start3A_45 = tpu.memref_squeeze %dma_start3A_44 : memref<1x16xf32, #tpu.memory_space<hbm>> -> memref<16xf32, #tpu.memory_space<hbm>>
      %dma_start3A_46 = arith.constant 0 : i32
      %dma_start3A_47 = tpu.memref_slice %arg12[%add3A, %dma_start3A_46] : memref<32x16xf32, #tpu.memory_space<hbm>> -> memref<1x16xf32, #tpu.memory_space<hbm>>
      %dma_start3A_48 = tpu.memref_squeeze %dma_start3A_47 : memref<1x16xf32, #tpu.memory_space<hbm>> -> memref<16xf32, #tpu.memory_space<hbm>>
      tpu.enqueue_dma source(%arg21 : memref<16xf32, #tpu.memory_space<vmem>>) target(%dma_start3A_48 : memref<16xf32, #tpu.memory_space<hbm>>) target_semaphore(%run_scoped3A_43 : memref<!tpu.dma_semaphore, #tpu.memory_space<semaphore_mem>>)
      %dma_wait3A = arith.constant 0 : i32
      %dma_wait3A_49 = tpu.memref_slice %arg12[%add3A, %dma_wait3A] : memref<32x16xf32, #tpu.memory_space<hbm>> -> memref<1x16xf32, #tpu.memory_space<hbm>>
      %dma_wait3A_50 = tpu.memref_squeeze %dma_wait3A_49 : memref<1x16xf32, #tpu.memory_space<hbm>> -> memref<16xf32, #tpu.memory_space<hbm>>
      %dma_wait3A_51 = arith.constant 0 : i32
      %dma_wait3A_52 = tpu.memref_slice %arg12[%add3A, %dma_wait3A_51] : memref<32x16xf32, #tpu.memory_space<hbm>> -> memref<1x16xf32, #tpu.memory_space<hbm>>
      %dma_wait3A_53 = tpu.memref_squeeze %dma_wait3A_52 : memref<1x16xf32, #tpu.memory_space<hbm>> -> memref<16xf32, #tpu.memory_space<hbm>>
      tpu.wait_dma2 semaphore(%run_scoped3A_43 : memref<!tpu.dma_semaphore, #tpu.memory_space<semaphore_mem>>) src(%arg21 : memref<16xf32, #tpu.memory_space<vmem>>) dst(%dma_wait3A_53 : memref<16xf32, #tpu.memory_space<hbm>>)
      tpu.yield
    }) : () -> ()
    "tpu.region"() ({
      %run_scoped3A_43 = tpu.sem_alloc : memref<!tpu.dma_semaphore, #tpu.memory_space<semaphore_mem>>
      %dma_start3A = tpu.memref_slice %arg13[%mul3A_2] : memref<100352xf32, #tpu.memory_space<vmem_shared>> -> memref<6272xf32, #tpu.memory_space<vmem_shared>>
      %dma_start3A_44 = tpu.memref_slice %arg13[%mul3A_2] : memref<100352xf32, #tpu.memory_space<vmem_shared>> -> memref<6272xf32, #tpu.memory_space<vmem_shared>>
      tpu.enqueue_dma source(%arg17 : memref<6272xf32, #tpu.memory_space<vmem>>) target(%dma_start3A_44 : memref<6272xf32, #tpu.memory_space<vmem_shared>>) target_semaphore(%run_scoped3A_43 : memref<!tpu.dma_semaphore, #tpu.memory_space<semaphore_mem>>)
      %dma_wait3A = tpu.memref_slice %arg13[%mul3A_2] : memref<100352xf32, #tpu.memory_space<vmem_shared>> -> memref<6272xf32, #tpu.memory_space<vmem_shared>>
      %dma_wait3A_45 = tpu.memref_slice %arg13[%mul3A_2] : memref<100352xf32, #tpu.memory_space<vmem_shared>> -> memref<6272xf32, #tpu.memory_space<vmem_shared>>
      tpu.wait_dma2 semaphore(%run_scoped3A_43 : memref<!tpu.dma_semaphore, #tpu.memory_space<semaphore_mem>>) src(%arg17 : memref<6272xf32, #tpu.memory_space<vmem>>) dst(%dma_wait3A_45 : memref<6272xf32, #tpu.memory_space<vmem_shared>>)
      tpu.yield
    }) : () -> ()
    %barrier3A = arith.constant 0 : index
    tpu.barrier barrier_id(%barrier3A)
    %get3A = arith.constant 0 : index
    %get3A_11 = tpu.vector_load %arg19[%get3A] {strides = array<i32>} : memref<16xf32, #tpu.memory_space<vmem>>, vector<16xf32>,
    %slice3A = vector.extract_strided_slice %get3A_11 {offsets = [0], sizes = [1], strides = [1]} : vector<16xf32> to vector<1xf32>
    %squeeze3A = vector.extract %slice3A[0] : f32 from vector<1xf32>
    %slice3A_12 = vector.extract_strided_slice %get3A_11 {offsets = [1], sizes = [1], strides = [1]} : vector<16xf32> to vector<1xf32>
    %squeeze3A_13 = vector.extract %slice3A_12[0] : f32 from vector<1xf32>
    %slice3A_14 = vector.extract_strided_slice %get3A_11 {offsets = [2], sizes = [1], strides = [1]} : vector<16xf32> to vector<1xf32>
    %squeeze3A_15 = vector.extract %slice3A_14[0] : f32 from vector<1xf32>
    %slice3A_16 = vector.extract_strided_slice %get3A_11 {offsets = [3], sizes = [1], strides = [1]} : vector<16xf32> to vector<1xf32>
    %squeeze3A_17 = vector.extract %slice3A_16[0] : f32 from vector<1xf32>
    %slice3A_18 = vector.extract_strided_slice %get3A_11 {offsets = [4], sizes = [1], strides = [1]} : vector<16xf32> to vector<1xf32>
    %squeeze3A_19 = vector.extract %slice3A_18[0] : f32 from vector<1xf32>
    %mul3A_20 = arith.constant 100000 : i32
    %mul3A_21 = arith.muli %add3A, %mul3A_20 : i32
    %broadcast_in_dim3A_22 = arith.constant 0.000000e+00 : f32
    %broadcast_in_dim3A_23 = vector.broadcast %broadcast_in_dim3A_22 : f32 to vector<16xf32>
    %scan3A_24 = arith.constant 0 : i32
    %scan3A_25 = arith.constant 25 : i32
    %scan3A_26 = arith.addi %scan3A_24, %scan3A_25 : i32
    %scan3A_27 = arith.constant 1 : i32
    %scan3A_28 = scf.for %scan3A_43 = %scan3A_24 to %scan3A_26 step %scan3A_27 iter_args(%scan3A_44 = %broadcast_in_dim3A_23) -> (vector<16xf32>)  : i32 {
      %mul3A_45 = arith.constant 4000 : i32
      %mul3A_46 = arith.muli %scan3A_43, %mul3A_45 : i32
      %add3A_47 = arith.addi %mul3A_21, %mul3A_46 : i32
      %dma_start3A = tpu.memref_slice %arg6[%add3A_47] : memref<3200000xi32, #tpu.memory_space<hbm>> -> memref<4000xi32, #tpu.memory_space<hbm>>
      %dma_start3A_48 = tpu.memref_slice %arg6[%add3A_47] : memref<3200000xi32, #tpu.memory_space<hbm>> -> memref<4000xi32, #tpu.memory_space<hbm>>
      tpu.enqueue_dma source(%dma_start3A_48 : memref<4000xi32, #tpu.memory_space<hbm>>) target(%arg26 : memref<4000xi32, #tpu.memory_space<vmem>>) target_semaphore(%arg35 : memref<!tpu.dma_semaphore, #tpu.memory_space<semaphore_mem>>)
      %dma_start3A_49 = tpu.memref_slice %arg2[%add3A_47] : memref<3200000xf32, #tpu.memory_space<hbm>> -> memref<4000xf32, #tpu.memory_space<hbm>>
      %dma_start3A_50 = tpu.memref_slice %arg2[%add3A_47] : memref<3200000xf32, #tpu.memory_space<hbm>> -> memref<4000xf32, #tpu.memory_space<hbm>>
      tpu.enqueue_dma source(%dma_start3A_50 : memref<4000xf32, #tpu.memory_space<hbm>>) target(%arg22 : memref<4000xf32, #tpu.memory_space<vmem>>) target_semaphore(%arg34 : memref<!tpu.dma_semaphore, #tpu.memory_space<semaphore_mem>>)
      %dma_start3A_51 = tpu.memref_slice %arg3[%add3A_47] : memref<3200000xf32, #tpu.memory_space<hbm>> -> memref<4000xf32, #tpu.memory_space<hbm>>
      %dma_start3A_52 = tpu.memref_slice %arg3[%add3A_47] : memref<3200000xf32, #tpu.memory_space<hbm>> -> memref<4000xf32, #tpu.memory_space<hbm>>
      tpu.enqueue_dma source(%dma_start3A_52 : memref<4000xf32, #tpu.memory_space<hbm>>) target(%arg23 : memref<4000xf32, #tpu.memory_space<vmem>>) target_semaphore(%arg34 : memref<!tpu.dma_semaphore, #tpu.memory_space<semaphore_mem>>)
      %dma_start3A_53 = tpu.memref_slice %arg4[%add3A_47] : memref<3200000xf32, #tpu.memory_space<hbm>> -> memref<4000xf32, #tpu.memory_space<hbm>>
      %dma_start3A_54 = tpu.memref_slice %arg4[%add3A_47] : memref<3200000xf32, #tpu.memory_space<hbm>> -> memref<4000xf32, #tpu.memory_space<hbm>>
      tpu.enqueue_dma source(%dma_start3A_54 : memref<4000xf32, #tpu.memory_space<hbm>>) target(%arg24 : memref<4000xf32, #tpu.memory_space<vmem>>) target_semaphore(%arg34 : memref<!tpu.dma_semaphore, #tpu.memory_space<semaphore_mem>>)
      %dma_start3A_55 = tpu.memref_slice %arg5[%add3A_47] : memref<3200000xi32, #tpu.memory_space<hbm>> -> memref<4000xi32, #tpu.memory_space<hbm>>
      %dma_start3A_56 = tpu.memref_slice %arg5[%add3A_47] : memref<3200000xi32, #tpu.memory_space<hbm>> -> memref<4000xi32, #tpu.memory_space<hbm>>
      tpu.enqueue_dma source(%dma_start3A_56 : memref<4000xi32, #tpu.memory_space<hbm>>) target(%arg25 : memref<4000xi32, #tpu.memory_space<vmem>>) target_semaphore(%arg34 : memref<!tpu.dma_semaphore, #tpu.memory_space<semaphore_mem>>)
      %dma_wait3A = tpu.memref_slice %arg6[%add3A_47] : memref<3200000xi32, #tpu.memory_space<hbm>> -> memref<4000xi32, #tpu.memory_space<hbm>>
      %dma_wait3A_57 = tpu.memref_slice %arg6[%add3A_47] : memref<3200000xi32, #tpu.memory_space<hbm>> -> memref<4000xi32, #tpu.memory_space<hbm>>
      tpu.wait_dma2 semaphore(%arg35 : memref<!tpu.dma_semaphore, #tpu.memory_space<semaphore_mem>>) src(%dma_wait3A_57 : memref<4000xi32, #tpu.memory_space<hbm>>) dst(%arg26 : memref<4000xi32, #tpu.memory_space<vmem>>)
      %dma_start3A_58 = arith.constant 0 : i32
      %dma_start3A_59 = tpu.memref_slice %arg13[%dma_start3A_58] : memref<100352xf32, #tpu.memory_space<vmem_shared>> -> memref<100352xf32, #tpu.memory_space<vmem_shared>>
      tpu.enqueue_indirect_dma source(%dma_start3A_59 : memref<100352xf32, #tpu.memory_space<vmem_shared>>) target(%arg27 : memref<4000xf32, #tpu.memory_space<vmem>>) offsets(%arg26 : memref<4000xi32, #tpu.memory_space<vmem>>) semaphore(%arg34 : memref<!tpu.dma_semaphore, #tpu.memory_space<semaphore_mem>>)
      %dma_wait3A_60 = tpu.memref_slice %arg2[%add3A_47] : memref<3200000xf32, #tpu.memory_space<hbm>> -> memref<4000xf32, #tpu.memory_space<hbm>>
      %dma_wait3A_61 = tpu.memref_slice %arg2[%add3A_47] : memref<3200000xf32, #tpu.memory_space<hbm>> -> memref<4000xf32, #tpu.memory_space<hbm>>
      tpu.wait_dma2 semaphore(%arg34 : memref<!tpu.dma_semaphore, #tpu.memory_space<semaphore_mem>>) src(%dma_wait3A_61 : memref<4000xf32, #tpu.memory_space<hbm>>) dst(%arg22 : memref<4000xf32, #tpu.memory_space<vmem>>)
      %dma_wait3A_62 = tpu.memref_slice %arg3[%add3A_47] : memref<3200000xf32, #tpu.memory_space<hbm>> -> memref<4000xf32, #tpu.memory_space<hbm>>
      %dma_wait3A_63 = tpu.memref_slice %arg3[%add3A_47] : memref<3200000xf32, #tpu.memory_space<hbm>> -> memref<4000xf32, #tpu.memory_space<hbm>>
      tpu.wait_dma2 semaphore(%arg34 : memref<!tpu.dma_semaphore, #tpu.memory_space<semaphore_mem>>) src(%dma_wait3A_63 : memref<4000xf32, #tpu.memory_space<hbm>>) dst(%arg23 : memref<4000xf32, #tpu.memory_space<vmem>>)
      %dma_wait3A_64 = tpu.memref_slice %arg4[%add3A_47] : memref<3200000xf32, #tpu.memory_space<hbm>> -> memref<4000xf32, #tpu.memory_space<hbm>>
      %dma_wait3A_65 = tpu.memref_slice %arg4[%add3A_47] : memref<3200000xf32, #tpu.memory_space<hbm>> -> memref<4000xf32, #tpu.memory_space<hbm>>
      tpu.wait_dma2 semaphore(%arg34 : memref<!tpu.dma_semaphore, #tpu.memory_space<semaphore_mem>>) src(%dma_wait3A_65 : memref<4000xf32, #tpu.memory_space<hbm>>) dst(%arg24 : memref<4000xf32, #tpu.memory_space<vmem>>)
      %dma_wait3A_66 = tpu.memref_slice %arg5[%add3A_47] : memref<3200000xi32, #tpu.memory_space<hbm>> -> memref<4000xi32, #tpu.memory_space<hbm>>
      %dma_wait3A_67 = tpu.memref_slice %arg5[%add3A_47] : memref<3200000xi32, #tpu.memory_space<hbm>> -> memref<4000xi32, #tpu.memory_space<hbm>>
      tpu.wait_dma2 semaphore(%arg34 : memref<!tpu.dma_semaphore, #tpu.memory_space<semaphore_mem>>) src(%dma_wait3A_67 : memref<4000xi32, #tpu.memory_space<hbm>>) dst(%arg25 : memref<4000xi32, #tpu.memory_space<vmem>>)
      %dma_wait3A_68 = arith.constant 0 : i32
      %dma_wait3A_69 = tpu.memref_slice %arg13[%dma_wait3A_68] : memref<100352xf32, #tpu.memory_space<vmem_shared>> -> memref<100352xf32, #tpu.memory_space<vmem_shared>>
      tpu.wait_indirect_dma semaphore(%arg34 : memref<!tpu.dma_semaphore, #tpu.memory_space<semaphore_mem>>) src(%dma_wait3A_69 : memref<100352xf32, #tpu.memory_space<vmem_shared>>) dst(%arg27 : memref<4000xf32, #tpu.memory_space<vmem>>)
      %scan3A_70 = arith.constant 0 : i32
      %scan3A_71 = arith.constant 250 : i32
      %scan3A_72 = arith.addi %scan3A_70, %scan3A_71 : i32
      %scan3A_73 = arith.constant 1 : i32
      %scan3A_74 = scf.for %scan3A_76 = %scan3A_70 to %scan3A_72 step %scan3A_73 iter_args(%scan3A_77 = %scan3A_44) -> (vector<16xf32>)  : i32 {
        %mul3A_78 = arith.constant 16 : i32
        %mul3A_79 = arith.muli %scan3A_76, %mul3A_78 : i32
        %get3A_80 = arith.index_cast %mul3A_79 : i32 to index
        %get3A_81 = tpu.vector_load %arg22[%get3A_80] {strides = array<i32>} : memref<4000xf32, #tpu.memory_space<vmem>>, vector<16xf32>,
        %get3A_82 = arith.index_cast %mul3A_79 : i32 to index
        %get3A_83 = tpu.vector_load %arg23[%get3A_82] {strides = array<i32>} : memref<4000xf32, #tpu.memory_space<vmem>>, vector<16xf32>,
        %get3A_84 = arith.index_cast %mul3A_79 : i32 to index
        %get3A_85 = tpu.vector_load %arg24[%get3A_84] {strides = array<i32>} : memref<4000xf32, #tpu.memory_space<vmem>>, vector<16xf32>,
        %mul3A_86 = arith.mulf %get3A_81, %get3A_81 : vector<16xf32>
        %mul3A_87 = arith.mulf %get3A_83, %get3A_83 : vector<16xf32>
        %add3A_88 = arith.addf %mul3A_86, %mul3A_87 : vector<16xf32>
        %mul3A_89 = arith.mulf %get3A_85, %get3A_85 : vector<16xf32>
        %add3A_90 = arith.addf %add3A_88, %mul3A_89 : vector<16xf32>
        %max3A = arith.constant 1.000000e-30 : f32
        %max3A_91 = vector.broadcast %max3A : f32 to vector<16xf32>
        %max3A_92 = arith.maximumf %add3A_90, %max3A_91 : vector<16xf32>
        %bitcast3A = vector.bitcast %max3A_92 : vector<16xf32> to vector<16xi32>
        %shift_right_arithmetic3A = arith.constant 1 : i32
        %shift_right_arithmetic3A_93 = vector.broadcast %shift_right_arithmetic3A : i32 to vector<16xi32>
        %shift_right_arithmetic3A_94 = arith.shrsi %bitcast3A, %shift_right_arithmetic3A_93 : vector<16xi32>
        %sub3A = arith.constant 1597463007 : i32
        %sub3A_95 = vector.broadcast %sub3A : i32 to vector<16xi32>
        %sub3A_96 = arith.subi %sub3A_95, %shift_right_arithmetic3A_94 : vector<16xi32>
        %bitcast3A_97 = vector.bitcast %sub3A_96 : vector<16xi32> to vector<16xf32>
        %mul3A_98 = arith.constant 5.000000e-01 : f32
        %mul3A_99 = vector.broadcast %mul3A_98 : f32 to vector<16xf32>
        %mul3A_100 = arith.mulf %mul3A_99, %max3A_92 : vector<16xf32>
        %mul3A_101 = arith.mulf %mul3A_100, %bitcast3A_97 : vector<16xf32>
        %mul3A_102 = arith.mulf %mul3A_101, %bitcast3A_97 : vector<16xf32>
        %sub3A_103 = arith.constant 1.500000e+00 : f32
        %sub3A_104 = vector.broadcast %sub3A_103 : f32 to vector<16xf32>
        %sub3A_105 = arith.subf %sub3A_104, %mul3A_102 : vector<16xf32>
        %mul3A_106 = arith.mulf %bitcast3A_97, %sub3A_105 : vector<16xf32>
        %mul3A_107 = arith.constant 5.000000e-01 : f32
        %mul3A_108 = vector.broadcast %mul3A_107 : f32 to vector<16xf32>
        %mul3A_109 = arith.mulf %mul3A_108, %max3A_92 : vector<16xf32>
        %mul3A_110 = arith.mulf %mul3A_109, %mul3A_106 : vector<16xf32>
        %mul3A_111 = arith.mulf %mul3A_110, %mul3A_106 : vector<16xf32>
        %sub3A_112 = arith.constant 1.500000e+00 : f32
        %sub3A_113 = vector.broadcast %sub3A_112 : f32 to vector<16xf32>
        %sub3A_114 = arith.subf %sub3A_113, %mul3A_111 : vector<16xf32>
        %mul3A_115 = arith.mulf %mul3A_106, %sub3A_114 : vector<16xf32>
        %mul3A_116 = arith.mulf %max3A_92, %mul3A_115 : vector<16xf32>
        %mul3A_117 = arith.constant 16 : i32
        %mul3A_118 = arith.muli %scan3A_76, %mul3A_117 : i32
        %get3A_119 = arith.index_cast %mul3A_118 : i32 to index
        %get3A_120 = tpu.vector_load %arg27[%get3A_119] {strides = array<i32>} : memref<4000xf32, #tpu.memory_space<vmem>>, vector<16xf32>,
        %neg3A = arith.constant 0.000000e+00 : f32
        %neg3A_121 = arith.subf %neg3A, %squeeze3A_13 : f32
        %mul3A_122 = vector.broadcast %neg3A_121 : f32 to vector<16xf32>
        %mul3A_123 = arith.mulf %mul3A_122, %mul3A_116 : vector<16xf32>
        %exp3A = math.exp %mul3A_123 : vector<16xf32>
        %mul3A_124 = vector.broadcast %squeeze3A : f32 to vector<16xf32>
        %mul3A_125 = arith.mulf %mul3A_124, %exp3A : vector<16xf32>
        %neg3A_126 = arith.constant 0.000000e+00 : f32
        %neg3A_127 = arith.subf %neg3A_126, %squeeze3A_17 : f32
        %mul3A_128 = vector.broadcast %neg3A_127 : f32 to vector<16xf32>
        %mul3A_129 = arith.mulf %mul3A_128, %mul3A_116 : vector<16xf32>
        %exp3A_130 = math.exp %mul3A_129 : vector<16xf32>
        %mul3A_131 = vector.broadcast %squeeze3A_15 : f32 to vector<16xf32>
        %mul3A_132 = arith.mulf %mul3A_131, %exp3A_130 : vector<16xf32>
        %mul3A_133 = vector.broadcast %squeeze3A_17 : f32 to vector<16xf32>
        %mul3A_134 = arith.mulf %mul3A_133, %mul3A_132 : vector<16xf32>
        %mul3A_135 = vector.broadcast %squeeze3A_19 : f32 to vector<16xf32>
        %mul3A_136 = arith.mulf %mul3A_135, %mul3A_125 : vector<16xf32>
        %mul3A_137 = arith.mulf %mul3A_136, %get3A_120 : vector<16xf32>
        %sub3A_138 = arith.subf %mul3A_134, %mul3A_137 : vector<16xf32>
        %mul3A_139 = arith.mulf %sub3A_138, %mul3A_115 : vector<16xf32>
        %mul3A_140 = arith.mulf %mul3A_139, %get3A_81 : vector<16xf32>
        %mul3A_141 = arith.mulf %mul3A_139, %get3A_83 : vector<16xf32>
        %mul3A_142 = arith.mulf %mul3A_139, %get3A_85 : vector<16xf32>
        %swap3A_143 = arith.index_cast %mul3A_118 : i32 to index
        %swap3A_144 = tpu.vector_load %arg28[%swap3A_143] {strides = array<i32>} : memref<4000xf32, #tpu.memory_space<vmem>>, vector<16xf32>,
        tpu.vector_store %arg28[%swap3A_143], %mul3A_140 {strides = array<i32>} : memref<4000xf32, #tpu.memory_space<vmem>>, vector<16xf32>,
        %swap3A_145 = arith.index_cast %mul3A_118 : i32 to index
        %swap3A_146 = tpu.vector_load %arg29[%swap3A_145] {strides = array<i32>} : memref<4000xf32, #tpu.memory_space<vmem>>, vector<16xf32>,
        tpu.vector_store %arg29[%swap3A_145], %mul3A_141 {strides = array<i32>} : memref<4000xf32, #tpu.memory_space<vmem>>, vector<16xf32>,
        %swap3A_147 = arith.index_cast %mul3A_118 : i32 to index
        %swap3A_148 = tpu.vector_load %arg30[%swap3A_147] {strides = array<i32>} : memref<4000xf32, #tpu.memory_space<vmem>>, vector<16xf32>,
        tpu.vector_store %arg30[%swap3A_147], %mul3A_142 {strides = array<i32>} : memref<4000xf32, #tpu.memory_space<vmem>>, vector<16xf32>,
        %neg3A_149 = arith.constant 0.000000e+00 : f32
        %neg3A_150 = vector.broadcast %neg3A_149 : f32 to vector<16xf32>
        %neg3A_151 = arith.subf %neg3A_150, %mul3A_140 : vector<16xf32>
        %swap3A_152 = arith.index_cast %mul3A_118 : i32 to index
        %swap3A_153 = tpu.vector_load %arg31[%swap3A_152] {strides = array<i32>} : memref<4000xf32, #tpu.memory_space<vmem>>, vector<16xf32>,
        tpu.vector_store %arg31[%swap3A_152], %neg3A_151 {strides = array<i32>} : memref<4000xf32, #tpu.memory_space<vmem>>, vector<16xf32>,
        %neg3A_154 = arith.constant 0.000000e+00 : f32
        %neg3A_155 = vector.broadcast %neg3A_154 : f32 to vector<16xf32>
        %neg3A_156 = arith.subf %neg3A_155, %mul3A_141 : vector<16xf32>
        %swap3A_157 = arith.index_cast %mul3A_118 : i32 to index
        %swap3A_158 = tpu.vector_load %arg32[%swap3A_157] {strides = array<i32>} : memref<4000xf32, #tpu.memory_space<vmem>>, vector<16xf32>,
        tpu.vector_store %arg32[%swap3A_157], %neg3A_156 {strides = array<i32>} : memref<4000xf32, #tpu.memory_space<vmem>>, vector<16xf32>,
        %neg3A_159 = arith.constant 0.000000e+00 : f32
        %neg3A_160 = vector.broadcast %neg3A_159 : f32 to vector<16xf32>
        %neg3A_161 = arith.subf %neg3A_160, %mul3A_142 : vector<16xf32>
        %swap3A_162 = arith.index_cast %mul3A_118 : i32 to index
        %swap3A_163 = tpu.vector_load %arg33[%swap3A_162] {strides = array<i32>} : memref<4000xf32, #tpu.memory_space<vmem>>, vector<16xf32>,
        tpu.vector_store %arg33[%swap3A_162], %neg3A_161 {strides = array<i32>} : memref<4000xf32, #tpu.memory_space<vmem>>, vector<16xf32>,
        %add3A_164 = arith.addf %scan3A_77, %mul3A_132 : vector<16xf32>
        scf.yield %add3A_164 : vector<16xf32>
      }
      %scan3A_75 = arith.constant 250 : i32
      "tpu.region"() ({
        %run_scoped3A_76 = tpu.sem_alloc : memref<!tpu.dma_semaphore, #tpu.memory_space<semaphore_mem>>
        %dma_start3A_77 = arith.constant 0 : i32
        %dma_start3A_78 = tpu.memref_slice %arg14[%dma_start3A_77] : memref<100352xf32, #tpu.memory_space<vmem_shared>> -> memref<100352xf32, #tpu.memory_space<vmem_shared>>
        tpu.enqueue_indirect_dma source(%arg28 : memref<4000xf32, #tpu.memory_space<vmem>>) target(%dma_start3A_78 : memref<100352xf32, #tpu.memory_space<vmem_shared>>) offsets(%arg26 : memref<4000xi32, #tpu.memory_space<vmem>>) semaphore(%run_scoped3A_76 : memref<!tpu.dma_semaphore, #tpu.memory_space<semaphore_mem>>) {add = true}
        %dma_wait3A_79 = arith.constant 0 : i32
        %dma_wait3A_80 = tpu.memref_slice %arg14[%dma_wait3A_79] : memref<100352xf32, #tpu.memory_space<vmem_shared>> -> memref<100352xf32, #tpu.memory_space<vmem_shared>>
        tpu.wait_indirect_dma semaphore(%run_scoped3A_76 : memref<!tpu.dma_semaphore, #tpu.memory_space<semaphore_mem>>) src(%arg28 : memref<4000xf32, #tpu.memory_space<vmem>>) dst(%dma_wait3A_80 : memref<100352xf32, #tpu.memory_space<vmem_shared>>)
        tpu.yield
      }) : () -> ()
      "tpu.region"() ({
        %run_scoped3A_76 = tpu.sem_alloc : memref<!tpu.dma_semaphore, #tpu.memory_space<semaphore_mem>>
        %dma_start3A_77 = arith.constant 0 : i32
        %dma_start3A_78 = tpu.memref_slice %arg15[%dma_start3A_77] : memref<100352xf32, #tpu.memory_space<vmem_shared>> -> memref<100352xf32, #tpu.memory_space<vmem_shared>>
        tpu.enqueue_indirect_dma source(%arg29 : memref<4000xf32, #tpu.memory_space<vmem>>) target(%dma_start3A_78 : memref<100352xf32, #tpu.memory_space<vmem_shared>>) offsets(%arg26 : memref<4000xi32, #tpu.memory_space<vmem>>) semaphore(%run_scoped3A_76 : memref<!tpu.dma_semaphore, #tpu.memory_space<semaphore_mem>>) {add = true}
        %dma_wait3A_79 = arith.constant 0 : i32
        %dma_wait3A_80 = tpu.memref_slice %arg15[%dma_wait3A_79] : memref<100352xf32, #tpu.memory_space<vmem_shared>> -> memref<100352xf32, #tpu.memory_space<vmem_shared>>
        tpu.wait_indirect_dma semaphore(%run_scoped3A_76 : memref<!tpu.dma_semaphore, #tpu.memory_space<semaphore_mem>>) src(%arg29 : memref<4000xf32, #tpu.memory_space<vmem>>) dst(%dma_wait3A_80 : memref<100352xf32, #tpu.memory_space<vmem_shared>>)
        tpu.yield
      }) : () -> ()
      "tpu.region"() ({
        %run_scoped3A_76 = tpu.sem_alloc : memref<!tpu.dma_semaphore, #tpu.memory_space<semaphore_mem>>
        %dma_start3A_77 = arith.constant 0 : i32
        %dma_start3A_78 = tpu.memref_slice %arg16[%dma_start3A_77] : memref<100352xf32, #tpu.memory_space<vmem_shared>> -> memref<100352xf32, #tpu.memory_space<vmem_shared>>
        tpu.enqueue_indirect_dma source(%arg30 : memref<4000xf32, #tpu.memory_space<vmem>>) target(%dma_start3A_78 : memref<100352xf32, #tpu.memory_space<vmem_shared>>) offsets(%arg26 : memref<4000xi32, #tpu.memory_space<vmem>>) semaphore(%run_scoped3A_76 : memref<!tpu.dma_semaphore, #tpu.memory_space<semaphore_mem>>) {add = true}
        %dma_wait3A_79 = arith.constant 0 : i32
        %dma_wait3A_80 = tpu.memref_slice %arg16[%dma_wait3A_79] : memref<100352xf32, #tpu.memory_space<vmem_shared>> -> memref<100352xf32, #tpu.memory_space<vmem_shared>>
        tpu.wait_indirect_dma semaphore(%run_scoped3A_76 : memref<!tpu.dma_semaphore, #tpu.memory_space<semaphore_mem>>) src(%arg30 : memref<4000xf32, #tpu.memory_space<vmem>>) dst(%dma_wait3A_80 : memref<100352xf32, #tpu.memory_space<vmem_shared>>)
        tpu.yield
      }) : () -> ()
      "tpu.region"() ({
        %run_scoped3A_76 = tpu.sem_alloc : memref<!tpu.dma_semaphore, #tpu.memory_space<semaphore_mem>>
        %dma_start3A_77 = arith.constant 0 : i32
        %dma_start3A_78 = tpu.memref_slice %arg14[%dma_start3A_77] : memref<100352xf32, #tpu.memory_space<vmem_shared>> -> memref<100352xf32, #tpu.memory_space<vmem_shared>>
        tpu.enqueue_indirect_dma source(%arg31 : memref<4000xf32, #tpu.memory_space<vmem>>) target(%dma_start3A_78 : memref<100352xf32, #tpu.memory_space<vmem_shared>>) offsets(%arg25 : memref<4000xi32, #tpu.memory_space<vmem>>) semaphore(%run_scoped3A_76 : memref<!tpu.dma_semaphore, #tpu.memory_space<semaphore_mem>>) {add = true}
        %dma_wait3A_79 = arith.constant 0 : i32
        %dma_wait3A_80 = tpu.memref_slice %arg14[%dma_wait3A_79] : memref<100352xf32, #tpu.memory_space<vmem_shared>> -> memref<100352xf32, #tpu.memory_space<vmem_shared>>
        tpu.wait_indirect_dma semaphore(%run_scoped3A_76 : memref<!tpu.dma_semaphore, #tpu.memory_space<semaphore_mem>>) src(%arg31 : memref<4000xf32, #tpu.memory_space<vmem>>) dst(%dma_wait3A_80 : memref<100352xf32, #tpu.memory_space<vmem_shared>>)
        tpu.yield
      }) : () -> ()
      "tpu.region"() ({
        %run_scoped3A_76 = tpu.sem_alloc : memref<!tpu.dma_semaphore, #tpu.memory_space<semaphore_mem>>
        %dma_start3A_77 = arith.constant 0 : i32
        %dma_start3A_78 = tpu.memref_slice %arg15[%dma_start3A_77] : memref<100352xf32, #tpu.memory_space<vmem_shared>> -> memref<100352xf32, #tpu.memory_space<vmem_shared>>
        tpu.enqueue_indirect_dma source(%arg32 : memref<4000xf32, #tpu.memory_space<vmem>>) target(%dma_start3A_78 : memref<100352xf32, #tpu.memory_space<vmem_shared>>) offsets(%arg25 : memref<4000xi32, #tpu.memory_space<vmem>>) semaphore(%run_scoped3A_76 : memref<!tpu.dma_semaphore, #tpu.memory_space<semaphore_mem>>) {add = true}
        %dma_wait3A_79 = arith.constant 0 : i32
        %dma_wait3A_80 = tpu.memref_slice %arg15[%dma_wait3A_79] : memref<100352xf32, #tpu.memory_space<vmem_shared>> -> memref<100352xf32, #tpu.memory_space<vmem_shared>>
        tpu.wait_indirect_dma semaphore(%run_scoped3A_76 : memref<!tpu.dma_semaphore, #tpu.memory_space<semaphore_mem>>) src(%arg32 : memref<4000xf32, #tpu.memory_space<vmem>>) dst(%dma_wait3A_80 : memref<100352xf32, #tpu.memory_space<vmem_shared>>)
        tpu.yield
      }) : () -> ()
      "tpu.region"() ({
        %run_scoped3A_76 = tpu.sem_alloc : memref<!tpu.dma_semaphore, #tpu.memory_space<semaphore_mem>>
        %dma_start3A_77 = arith.constant 0 : i32
        %dma_start3A_78 = tpu.memref_slice %arg16[%dma_start3A_77] : memref<100352xf32, #tpu.memory_space<vmem_shared>> -> memref<100352xf32, #tpu.memory_space<vmem_shared>>
        tpu.enqueue_indirect_dma source(%arg33 : memref<4000xf32, #tpu.memory_space<vmem>>) target(%dma_start3A_78 : memref<100352xf32, #tpu.memory_space<vmem_shared>>) offsets(%arg25 : memref<4000xi32, #tpu.memory_space<vmem>>) semaphore(%run_scoped3A_76 : memref<!tpu.dma_semaphore, #tpu.memory_space<semaphore_mem>>) {add = true}
        %dma_wait3A_79 = arith.constant 0 : i32
        %dma_wait3A_80 = tpu.memref_slice %arg16[%dma_wait3A_79] : memref<100352xf32, #tpu.memory_space<vmem_shared>> -> memref<100352xf32, #tpu.memory_space<vmem_shared>>
        tpu.wait_indirect_dma semaphore(%run_scoped3A_76 : memref<!tpu.dma_semaphore, #tpu.memory_space<semaphore_mem>>) src(%arg33 : memref<4000xf32, #tpu.memory_space<vmem>>) dst(%dma_wait3A_80 : memref<100352xf32, #tpu.memory_space<vmem_shared>>)
        tpu.yield
      }) : () -> ()
      scf.yield %scan3A_74 : vector<16xf32>
    }
    %scan3A_29 = arith.constant 25 : i32
    %swap3A_30 = arith.constant 0 : index
    %swap3A_31 = tpu.vector_load %arg20[%swap3A_30] {strides = array<i32>} : memref<16xf32, #tpu.memory_space<vmem>>, vector<16xf32>,
    tpu.vector_store %arg20[%swap3A_30], %scan3A_28 {strides = array<i32>} : memref<16xf32, #tpu.memory_space<vmem>>, vector<16xf32>,
    "tpu.region"() ({
      %run_scoped3A_43 = tpu.sem_alloc : memref<!tpu.dma_semaphore, #tpu.memory_space<semaphore_mem>>
      %dma_start3A = arith.constant 0 : i32
      %dma_start3A_44 = tpu.memref_slice %arg11[%add3A, %dma_start3A] : memref<32x16xf32, #tpu.memory_space<hbm>> -> memref<1x16xf32, #tpu.memory_space<hbm>>
      %dma_start3A_45 = tpu.memref_squeeze %dma_start3A_44 : memref<1x16xf32, #tpu.memory_space<hbm>> -> memref<16xf32, #tpu.memory_space<hbm>>
      %dma_start3A_46 = arith.constant 0 : i32
      %dma_start3A_47 = tpu.memref_slice %arg11[%add3A, %dma_start3A_46] : memref<32x16xf32, #tpu.memory_space<hbm>> -> memref<1x16xf32, #tpu.memory_space<hbm>>
      %dma_start3A_48 = tpu.memref_squeeze %dma_start3A_47 : memref<1x16xf32, #tpu.memory_space<hbm>> -> memref<16xf32, #tpu.memory_space<hbm>>
      tpu.enqueue_dma source(%arg20 : memref<16xf32, #tpu.memory_space<vmem>>) target(%dma_start3A_48 : memref<16xf32, #tpu.memory_space<hbm>>) target_semaphore(%run_scoped3A_43 : memref<!tpu.dma_semaphore, #tpu.memory_space<semaphore_mem>>)
      %dma_wait3A = arith.constant 0 : i32
      %dma_wait3A_49 = tpu.memref_slice %arg11[%add3A, %dma_wait3A] : memref<32x16xf32, #tpu.memory_space<hbm>> -> memref<1x16xf32, #tpu.memory_space<hbm>>
      %dma_wait3A_50 = tpu.memref_squeeze %dma_wait3A_49 : memref<1x16xf32, #tpu.memory_space<hbm>> -> memref<16xf32, #tpu.memory_space<hbm>>
      %dma_wait3A_51 = arith.constant 0 : i32
      %dma_wait3A_52 = tpu.memref_slice %arg11[%add3A, %dma_wait3A_51] : memref<32x16xf32, #tpu.memory_space<hbm>> -> memref<1x16xf32, #tpu.memory_space<hbm>>
      %dma_wait3A_53 = tpu.memref_squeeze %dma_wait3A_52 : memref<1x16xf32, #tpu.memory_space<hbm>> -> memref<16xf32, #tpu.memory_space<hbm>>
      tpu.wait_dma2 semaphore(%run_scoped3A_43 : memref<!tpu.dma_semaphore, #tpu.memory_space<semaphore_mem>>) src(%arg20 : memref<16xf32, #tpu.memory_space<vmem>>) dst(%dma_wait3A_53 : memref<16xf32, #tpu.memory_space<hbm>>)
      tpu.yield
    }) : () -> ()
    %barrier3A_32 = arith.constant 0 : index
    tpu.barrier barrier_id(%barrier3A_32)
    %mul3A_33 = arith.constant 3 : i32
    %mul3A_34 = arith.muli %arg0, %mul3A_33 : i32
    "tpu.region"() ({
      %run_scoped3A_43 = tpu.sem_alloc : memref<!tpu.dma_semaphore, #tpu.memory_space<semaphore_mem>>
      %dma_start3A = tpu.memref_slice %arg10[%mul3A_34, %mul3A_2] : memref<6x100352xf32, #tpu.memory_space<hbm>> -> memref<1x6272xf32, #tpu.memory_space<hbm>>
      %dma_start3A_44 = tpu.memref_squeeze %dma_start3A : memref<1x6272xf32, #tpu.memory_space<hbm>> -> memref<6272xf32, #tpu.memory_space<hbm>>
      %dma_start3A_45 = tpu.memref_slice %arg14[%mul3A_2] : memref<100352xf32, #tpu.memory_space<vmem_shared>> -> memref<6272xf32, #tpu.memory_space<vmem_shared>>
      tpu.enqueue_dma source(%dma_start3A_45 : memref<6272xf32, #tpu.memory_space<vmem_shared>>) target(%dma_start3A_44 : memref<6272xf32, #tpu.memory_space<hbm>>) target_semaphore(%run_scoped3A_43 : memref<!tpu.dma_semaphore, #tpu.memory_space<semaphore_mem>>)
      %dma_wait3A = tpu.memref_slice %arg10[%mul3A_34, %mul3A_2] : memref<6x100352xf32, #tpu.memory_space<hbm>> -> memref<1x6272xf32, #tpu.memory_space<hbm>>
      %dma_wait3A_46 = tpu.memref_squeeze %dma_wait3A : memref<1x6272xf32, #tpu.memory_space<hbm>> -> memref<6272xf32, #tpu.memory_space<hbm>>
      %dma_wait3A_47 = tpu.memref_slice %arg14[%mul3A_2] : memref<100352xf32, #tpu.memory_space<vmem_shared>> -> memref<6272xf32, #tpu.memory_space<vmem_shared>>
      tpu.wait_dma2 semaphore(%run_scoped3A_43 : memref<!tpu.dma_semaphore, #tpu.memory_space<semaphore_mem>>) src(%dma_wait3A_47 : memref<6272xf32, #tpu.memory_space<vmem_shared>>) dst(%dma_wait3A_46 : memref<6272xf32, #tpu.memory_space<hbm>>)
      tpu.yield
    }) : () -> ()
    %mul3A_35 = arith.constant 3 : i32
    %mul3A_36 = arith.muli %arg0, %mul3A_35 : i32
    %add3A_37 = arith.constant 1 : i32
    %add3A_38 = arith.addi %mul3A_36, %add3A_37 : i32
    "tpu.region"() ({
      %run_scoped3A_43 = tpu.sem_alloc : memref<!tpu.dma_semaphore, #tpu.memory_space<semaphore_mem>>
      %dma_start3A = tpu.memref_slice %arg10[%add3A_38, %mul3A_2] : memref<6x100352xf32, #tpu.memory_space<hbm>> -> memref<1x6272xf32, #tpu.memory_space<hbm>>
      %dma_start3A_44 = tpu.memref_squeeze %dma_start3A : memref<1x6272xf32, #tpu.memory_space<hbm>> -> memref<6272xf32, #tpu.memory_space<hbm>>
      %dma_start3A_45 = tpu.memref_slice %arg15[%mul3A_2] : memref<100352xf32, #tpu.memory_space<vmem_shared>> -> memref<6272xf32, #tpu.memory_space<vmem_shared>>
      tpu.enqueue_dma source(%dma_start3A_45 : memref<6272xf32, #tpu.memory_space<vmem_shared>>) target(%dma_start3A_44 : memref<6272xf32, #tpu.memory_space<hbm>>) target_semaphore(%run_scoped3A_43 : memref<!tpu.dma_semaphore, #tpu.memory_space<semaphore_mem>>)
      %dma_wait3A = tpu.memref_slice %arg10[%add3A_38, %mul3A_2] : memref<6x100352xf32, #tpu.memory_space<hbm>> -> memref<1x6272xf32, #tpu.memory_space<hbm>>
      %dma_wait3A_46 = tpu.memref_squeeze %dma_wait3A : memref<1x6272xf32, #tpu.memory_space<hbm>> -> memref<6272xf32, #tpu.memory_space<hbm>>
      %dma_wait3A_47 = tpu.memref_slice %arg15[%mul3A_2] : memref<100352xf32, #tpu.memory_space<vmem_shared>> -> memref<6272xf32, #tpu.memory_space<vmem_shared>>
      tpu.wait_dma2 semaphore(%run_scoped3A_43 : memref<!tpu.dma_semaphore, #tpu.memory_space<semaphore_mem>>) src(%dma_wait3A_47 : memref<6272xf32, #tpu.memory_space<vmem_shared>>) dst(%dma_wait3A_46 : memref<6272xf32, #tpu.memory_space<hbm>>)
      tpu.yield
    }) : () -> ()
    %mul3A_39 = arith.constant 3 : i32
    %mul3A_40 = arith.muli %arg0, %mul3A_39 : i32
    %add3A_41 = arith.constant 2 : i32
    %add3A_42 = arith.addi %mul3A_40, %add3A_41 : i32
    "tpu.region"() ({
      %run_scoped3A_43 = tpu.sem_alloc : memref<!tpu.dma_semaphore, #tpu.memory_space<semaphore_mem>>
      %dma_start3A = tpu.memref_slice %arg10[%add3A_42, %mul3A_2] : memref<6x100352xf32, #tpu.memory_space<hbm>> -> memref<1x6272xf32, #tpu.memory_space<hbm>>
      %dma_start3A_44 = tpu.memref_squeeze %dma_start3A : memref<1x6272xf32, #tpu.memory_space<hbm>> -> memref<6272xf32, #tpu.memory_space<hbm>>
      %dma_start3A_45 = tpu.memref_slice %arg16[%mul3A_2] : memref<100352xf32, #tpu.memory_space<vmem_shared>> -> memref<6272xf32, #tpu.memory_space<vmem_shared>>
      tpu.enqueue_dma source(%dma_start3A_45 : memref<6272xf32, #tpu.memory_space<vmem_shared>>) target(%dma_start3A_44 : memref<6272xf32, #tpu.memory_space<hbm>>) target_semaphore(%run_scoped3A_43 : memref<!tpu.dma_semaphore, #tpu.memory_space<semaphore_mem>>)
      %dma_wait3A = tpu.memref_slice %arg10[%add3A_42, %mul3A_2] : memref<6x100352xf32, #tpu.memory_space<hbm>> -> memref<1x6272xf32, #tpu.memory_space<hbm>>
      %dma_wait3A_46 = tpu.memref_squeeze %dma_wait3A : memref<1x6272xf32, #tpu.memory_space<hbm>> -> memref<6272xf32, #tpu.memory_space<hbm>>
      %dma_wait3A_47 = tpu.memref_slice %arg16[%mul3A_2] : memref<100352xf32, #tpu.memory_space<vmem_shared>> -> memref<6272xf32, #tpu.memory_space<vmem_shared>>
      tpu.wait_dma2 semaphore(%run_scoped3A_43 : memref<!tpu.dma_semaphore, #tpu.memory_space<semaphore_mem>>) src(%dma_wait3A_47 : memref<6272xf32, #tpu.memory_space<vmem_shared>>) dst(%dma_wait3A_46 : memref<6272xf32, #tpu.memory_space<hbm>>)
      tpu.yield
    }) : () -> ()
    return
  }
}

#map = affine_map<(d0, d1) -> (0)>
#map1 = affine_map<(d0, d1) -> (0, 0)>
module attributes {stable_mosaic.version = 14 : i64} {
  func.func @_sc_density(%arg0: i32, %arg1: i32, %arg2: memref<3200000xf32, #tpu.memory_space<hbm>>, %arg3: memref<3200000xf32, #tpu.memory_space<hbm>>, %arg4: memref<3200000xf32, #tpu.memory_space<hbm>>, %arg5: memref<3200000xi32, #tpu.memory_space<hbm>>, %arg6: memref<16xf32, #tpu.memory_space<hbm>>, %arg7: memref<100352xf32, #tpu.memory_space<hbm>>, %arg8: memref<2x100352xf32, #tpu.memory_space<hbm>>, %arg9: memref<100352xf32, #tpu.memory_space<vmem_shared>>, %arg10: memref<16xf32, #tpu.memory_space<vmem>>, %arg11: memref<4000xf32, #tpu.memory_space<vmem>>, %arg12: memref<4000xf32, #tpu.memory_space<vmem>>, %arg13: memref<4000xf32, #tpu.memory_space<vmem>>, %arg14: memref<4000xi32, #tpu.memory_space<vmem>>, %arg15: memref<4000xf32, #tpu.memory_space<vmem>>, %arg16: memref<4000xf32, #tpu.memory_space<vmem>>, %arg17: memref<4000xf32, #tpu.memory_space<vmem>>, %arg18: memref<4000xf32, #tpu.memory_space<vmem>>, %arg19: memref<4000xi32, #tpu.memory_space<vmem>>, %arg20: memref<4000xf32, #tpu.memory_space<vmem>>, %arg21: memref<!tpu.dma_semaphore, #tpu.memory_space<semaphore_mem>>, %arg22: memref<!tpu.dma_semaphore, #tpu.memory_space<semaphore_mem>>, %arg23: memref<!tpu.dma_semaphore, #tpu.memory_space<semaphore_mem>>, %arg24: memref<!tpu.dma_semaphore, #tpu.memory_space<semaphore_mem>>) attributes {dimension_semantics = [#tpu.dimension_semantics<core_parallel>, #tpu.dimension_semantics<subcore_parallel>], iteration_bounds = array<i64: 2, 16>, scalar_prefetch = 0 : i64, scratch_operands = 16 : i64, tpu.core_type = #tpu.core_type<sc_vector_subcore>, window_params = [{transform_indices = #map}, {transform_indices = #map}, {transform_indices = #map}, {transform_indices = #map}, {transform_indices = #map}, {transform_indices = #map}, {transform_indices = #map1}]} {
    %mul3A = arith.constant 2 : i32
    %mul3A_0 = arith.muli %arg1, %mul3A : i32
    %add3A = arith.addi %mul3A_0, %arg0 : i32
    %mul3A_1 = arith.constant 6272 : i32
    %mul3A_2 = arith.muli %arg1, %mul3A_1 : i32
    "tpu.region"() ({
      %run_scoped3A = tpu.sem_alloc : memref<!tpu.dma_semaphore, #tpu.memory_space<semaphore_mem>>
      %dma_start3A_44 = tpu.memref_slice %arg9[%mul3A_2] : memref<100352xf32, #tpu.memory_space<vmem_shared>> -> memref<6272xf32, #tpu.memory_space<vmem_shared>>
      %dma_start3A_45 = tpu.memref_slice %arg7[%mul3A_2] : memref<100352xf32, #tpu.memory_space<hbm>> -> memref<6272xf32, #tpu.memory_space<hbm>>
      tpu.enqueue_dma source(%dma_start3A_45 : memref<6272xf32, #tpu.memory_space<hbm>>) target(%dma_start3A_44 : memref<6272xf32, #tpu.memory_space<vmem_shared>>) target_semaphore(%run_scoped3A : memref<!tpu.dma_semaphore, #tpu.memory_space<semaphore_mem>>)
      %dma_wait3A_46 = tpu.memref_slice %arg9[%mul3A_2] : memref<100352xf32, #tpu.memory_space<vmem_shared>> -> memref<6272xf32, #tpu.memory_space<vmem_shared>>
      %dma_wait3A_47 = tpu.memref_slice %arg7[%mul3A_2] : memref<100352xf32, #tpu.memory_space<hbm>> -> memref<6272xf32, #tpu.memory_space<hbm>>
      tpu.wait_dma2 semaphore(%run_scoped3A : memref<!tpu.dma_semaphore, #tpu.memory_space<semaphore_mem>>) src(%dma_wait3A_47 : memref<6272xf32, #tpu.memory_space<hbm>>) dst(%dma_wait3A_46 : memref<6272xf32, #tpu.memory_space<vmem_shared>>)
      tpu.yield
    }) : () -> ()
    "tpu.region"() ({
      %run_scoped3A = tpu.sem_alloc : memref<!tpu.dma_semaphore, #tpu.memory_space<semaphore_mem>>
      tpu.enqueue_dma source(%arg6 : memref<16xf32, #tpu.memory_space<hbm>>) target(%arg10 : memref<16xf32, #tpu.memory_space<vmem>>) target_semaphore(%run_scoped3A : memref<!tpu.dma_semaphore, #tpu.memory_space<semaphore_mem>>)
      tpu.wait_dma2 semaphore(%run_scoped3A : memref<!tpu.dma_semaphore, #tpu.memory_space<semaphore_mem>>) src(%arg6 : memref<16xf32, #tpu.memory_space<hbm>>) dst(%arg10 : memref<16xf32, #tpu.memory_space<vmem>>)
      tpu.yield
    }) : () -> ()
    %barrier3A = arith.constant 0 : index
    tpu.barrier barrier_id(%barrier3A)
    %get3A = arith.constant 0 : index
    %get3A_3 = tpu.vector_load %arg10[%get3A] {strides = array<i32>} : memref<16xf32, #tpu.memory_space<vmem>>, vector<16xf32>,
    %slice3A = vector.extract_strided_slice %get3A_3 {offsets = [0], sizes = [1], strides = [1]} : vector<16xf32> to vector<1xf32>
    %squeeze3A = vector.extract %slice3A[0] : f32 from vector<1xf32>
    %slice3A_4 = vector.extract_strided_slice %get3A_3 {offsets = [1], sizes = [1], strides = [1]} : vector<16xf32> to vector<1xf32>
    %squeeze3A_5 = vector.extract %slice3A_4[0] : f32 from vector<1xf32>
    %mul3A_6 = arith.constant 100000 : i32
    %mul3A_7 = arith.muli %add3A, %mul3A_6 : i32
    %scan3A = arith.constant 0 : i32
    %scan3A_8 = arith.constant 0 : i32
    %scan3A_9 = arith.constant 12 : i32
    %scan3A_10 = arith.addi %scan3A_8, %scan3A_9 : i32
    %scan3A_11 = arith.constant 1 : i32
    scf.for %scan3A_44 = %scan3A_8 to %scan3A_10 step %scan3A_11  : i32 {
      %mul3A_45 = arith.constant 8000 : i32
      %mul3A_46 = arith.muli %scan3A_44, %mul3A_45 : i32
      %add3A_47 = arith.addi %mul3A_7, %mul3A_46 : i32
      %dma_start3A_48 = tpu.memref_slice %arg2[%add3A_47] : memref<3200000xf32, #tpu.memory_space<hbm>> -> memref<4000xf32, #tpu.memory_space<hbm>>
      %dma_start3A_49 = tpu.memref_slice %arg2[%add3A_47] : memref<3200000xf32, #tpu.memory_space<hbm>> -> memref<4000xf32, #tpu.memory_space<hbm>>
      tpu.enqueue_dma source(%dma_start3A_49 : memref<4000xf32, #tpu.memory_space<hbm>>) target(%arg11 : memref<4000xf32, #tpu.memory_space<vmem>>) target_semaphore(%arg21 : memref<!tpu.dma_semaphore, #tpu.memory_space<semaphore_mem>>)
      %dma_start3A_50 = tpu.memref_slice %arg3[%add3A_47] : memref<3200000xf32, #tpu.memory_space<hbm>> -> memref<4000xf32, #tpu.memory_space<hbm>>
      %dma_start3A_51 = tpu.memref_slice %arg3[%add3A_47] : memref<3200000xf32, #tpu.memory_space<hbm>> -> memref<4000xf32, #tpu.memory_space<hbm>>
      tpu.enqueue_dma source(%dma_start3A_51 : memref<4000xf32, #tpu.memory_space<hbm>>) target(%arg12 : memref<4000xf32, #tpu.memory_space<vmem>>) target_semaphore(%arg21 : memref<!tpu.dma_semaphore, #tpu.memory_space<semaphore_mem>>)
      %dma_start3A_52 = tpu.memref_slice %arg4[%add3A_47] : memref<3200000xf32, #tpu.memory_space<hbm>> -> memref<4000xf32, #tpu.memory_space<hbm>>
      %dma_start3A_53 = tpu.memref_slice %arg4[%add3A_47] : memref<3200000xf32, #tpu.memory_space<hbm>> -> memref<4000xf32, #tpu.memory_space<hbm>>
      tpu.enqueue_dma source(%dma_start3A_53 : memref<4000xf32, #tpu.memory_space<hbm>>) target(%arg13 : memref<4000xf32, #tpu.memory_space<vmem>>) target_semaphore(%arg21 : memref<!tpu.dma_semaphore, #tpu.memory_space<semaphore_mem>>)
      %dma_start3A_54 = tpu.memref_slice %arg5[%add3A_47] : memref<3200000xi32, #tpu.memory_space<hbm>> -> memref<4000xi32, #tpu.memory_space<hbm>>
      %dma_start3A_55 = tpu.memref_slice %arg5[%add3A_47] : memref<3200000xi32, #tpu.memory_space<hbm>> -> memref<4000xi32, #tpu.memory_space<hbm>>
      tpu.enqueue_dma source(%dma_start3A_55 : memref<4000xi32, #tpu.memory_space<hbm>>) target(%arg14 : memref<4000xi32, #tpu.memory_space<vmem>>) target_semaphore(%arg21 : memref<!tpu.dma_semaphore, #tpu.memory_space<semaphore_mem>>)
      %add3A_56 = arith.constant 4000 : i32
      %add3A_57 = arith.addi %add3A_47, %add3A_56 : i32
      %dma_start3A_58 = tpu.memref_slice %arg2[%add3A_57] : memref<3200000xf32, #tpu.memory_space<hbm>> -> memref<4000xf32, #tpu.memory_space<hbm>>
      %dma_start3A_59 = tpu.memref_slice %arg2[%add3A_57] : memref<3200000xf32, #tpu.memory_space<hbm>> -> memref<4000xf32, #tpu.memory_space<hbm>>
      tpu.enqueue_dma source(%dma_start3A_59 : memref<4000xf32, #tpu.memory_space<hbm>>) target(%arg16 : memref<4000xf32, #tpu.memory_space<vmem>>) target_semaphore(%arg22 : memref<!tpu.dma_semaphore, #tpu.memory_space<semaphore_mem>>)
      %dma_start3A_60 = tpu.memref_slice %arg3[%add3A_57] : memref<3200000xf32, #tpu.memory_space<hbm>> -> memref<4000xf32, #tpu.memory_space<hbm>>
      %dma_start3A_61 = tpu.memref_slice %arg3[%add3A_57] : memref<3200000xf32, #tpu.memory_space<hbm>> -> memref<4000xf32, #tpu.memory_space<hbm>>
      tpu.enqueue_dma source(%dma_start3A_61 : memref<4000xf32, #tpu.memory_space<hbm>>) target(%arg17 : memref<4000xf32, #tpu.memory_space<vmem>>) target_semaphore(%arg22 : memref<!tpu.dma_semaphore, #tpu.memory_space<semaphore_mem>>)
      %dma_start3A_62 = tpu.memref_slice %arg4[%add3A_57] : memref<3200000xf32, #tpu.memory_space<hbm>> -> memref<4000xf32, #tpu.memory_space<hbm>>
      %dma_start3A_63 = tpu.memref_slice %arg4[%add3A_57] : memref<3200000xf32, #tpu.memory_space<hbm>> -> memref<4000xf32, #tpu.memory_space<hbm>>
      tpu.enqueue_dma source(%dma_start3A_63 : memref<4000xf32, #tpu.memory_space<hbm>>) target(%arg18 : memref<4000xf32, #tpu.memory_space<vmem>>) target_semaphore(%arg22 : memref<!tpu.dma_semaphore, #tpu.memory_space<semaphore_mem>>)
      %dma_start3A_64 = tpu.memref_slice %arg5[%add3A_57] : memref<3200000xi32, #tpu.memory_space<hbm>> -> memref<4000xi32, #tpu.memory_space<hbm>>
      %dma_start3A_65 = tpu.memref_slice %arg5[%add3A_57] : memref<3200000xi32, #tpu.memory_space<hbm>> -> memref<4000xi32, #tpu.memory_space<hbm>>
      tpu.enqueue_dma source(%dma_start3A_65 : memref<4000xi32, #tpu.memory_space<hbm>>) target(%arg19 : memref<4000xi32, #tpu.memory_space<vmem>>) target_semaphore(%arg22 : memref<!tpu.dma_semaphore, #tpu.memory_space<semaphore_mem>>)
      %dma_wait3A_66 = arith.constant 0 : i32
      %dma_wait3A_67 = tpu.memref_slice %arg2[%dma_wait3A_66] : memref<3200000xf32, #tpu.memory_space<hbm>> -> memref<4000xf32, #tpu.memory_space<hbm>>
      %dma_wait3A_68 = arith.constant 0 : i32
      %dma_wait3A_69 = tpu.memref_slice %arg2[%dma_wait3A_68] : memref<3200000xf32, #tpu.memory_space<hbm>> -> memref<4000xf32, #tpu.memory_space<hbm>>
      tpu.wait_dma2 semaphore(%arg21 : memref<!tpu.dma_semaphore, #tpu.memory_space<semaphore_mem>>) src(%dma_wait3A_69 : memref<4000xf32, #tpu.memory_space<hbm>>) dst(%arg11 : memref<4000xf32, #tpu.memory_space<vmem>>)
      %dma_wait3A_70 = arith.constant 0 : i32
      %dma_wait3A_71 = tpu.memref_slice %arg3[%dma_wait3A_70] : memref<3200000xf32, #tpu.memory_space<hbm>> -> memref<4000xf32, #tpu.memory_space<hbm>>
      %dma_wait3A_72 = arith.constant 0 : i32
      %dma_wait3A_73 = tpu.memref_slice %arg3[%dma_wait3A_72] : memref<3200000xf32, #tpu.memory_space<hbm>> -> memref<4000xf32, #tpu.memory_space<hbm>>
      tpu.wait_dma2 semaphore(%arg21 : memref<!tpu.dma_semaphore, #tpu.memory_space<semaphore_mem>>) src(%dma_wait3A_73 : memref<4000xf32, #tpu.memory_space<hbm>>) dst(%arg12 : memref<4000xf32, #tpu.memory_space<vmem>>)
      %dma_wait3A_74 = arith.constant 0 : i32
      %dma_wait3A_75 = tpu.memref_slice %arg4[%dma_wait3A_74] : memref<3200000xf32, #tpu.memory_space<hbm>> -> memref<4000xf32, #tpu.memory_space<hbm>>
      %dma_wait3A_76 = arith.constant 0 : i32
      %dma_wait3A_77 = tpu.memref_slice %arg4[%dma_wait3A_76] : memref<3200000xf32, #tpu.memory_space<hbm>> -> memref<4000xf32, #tpu.memory_space<hbm>>
      tpu.wait_dma2 semaphore(%arg21 : memref<!tpu.dma_semaphore, #tpu.memory_space<semaphore_mem>>) src(%dma_wait3A_77 : memref<4000xf32, #tpu.memory_space<hbm>>) dst(%arg13 : memref<4000xf32, #tpu.memory_space<vmem>>)
      %dma_wait3A_78 = arith.constant 0 : i32
      %dma_wait3A_79 = tpu.memref_slice %arg5[%dma_wait3A_78] : memref<3200000xi32, #tpu.memory_space<hbm>> -> memref<4000xi32, #tpu.memory_space<hbm>>
      %dma_wait3A_80 = arith.constant 0 : i32
      %dma_wait3A_81 = tpu.memref_slice %arg5[%dma_wait3A_80] : memref<3200000xi32, #tpu.memory_space<hbm>> -> memref<4000xi32, #tpu.memory_space<hbm>>
      tpu.wait_dma2 semaphore(%arg21 : memref<!tpu.dma_semaphore, #tpu.memory_space<semaphore_mem>>) src(%dma_wait3A_81 : memref<4000xi32, #tpu.memory_space<hbm>>) dst(%arg14 : memref<4000xi32, #tpu.memory_space<vmem>>)
      %parallel_loop3A_82 = arith.constant 0 : i32
      %parallel_loop3A_83 = arith.constant 250 : i32
      %parallel_loop3A_84 = arith.constant 1 : i32
      scf.for %parallel_loop3A_112 = %parallel_loop3A_82 to %parallel_loop3A_83 step %parallel_loop3A_84  : i32 {
        %parallel_loop3A_113 = arith.constant 16 : i32
        %parallel_loop3A_114 = arith.muli %parallel_loop3A_112, %parallel_loop3A_113 : i32
        %parallel_loop3A_115 = arith.index_cast %parallel_loop3A_114 : i32 to index
        %parallel_loop3A_116 = tpu.vector_load %arg11[%parallel_loop3A_115] {strides = array<i32>} : memref<4000xf32, #tpu.memory_space<vmem>>, vector<16xf32>,
        %parallel_loop3A_117 = arith.index_cast %parallel_loop3A_114 : i32 to index
        %parallel_loop3A_118 = tpu.vector_load %arg12[%parallel_loop3A_117] {strides = array<i32>} : memref<4000xf32, #tpu.memory_space<vmem>>, vector<16xf32>,
        %parallel_loop3A_119 = arith.index_cast %parallel_loop3A_114 : i32 to index
        %parallel_loop3A_120 = tpu.vector_load %arg13[%parallel_loop3A_119] {strides = array<i32>} : memref<4000xf32, #tpu.memory_space<vmem>>, vector<16xf32>,
        %parallel_loop3A_121 = arith.mulf %parallel_loop3A_116, %parallel_loop3A_116 : vector<16xf32>
        %parallel_loop3A_122 = arith.mulf %parallel_loop3A_118, %parallel_loop3A_118 : vector<16xf32>
        %parallel_loop3A_123 = arith.addf %parallel_loop3A_121, %parallel_loop3A_122 : vector<16xf32>
        %parallel_loop3A_124 = arith.mulf %parallel_loop3A_120, %parallel_loop3A_120 : vector<16xf32>
        %parallel_loop3A_125 = arith.addf %parallel_loop3A_123, %parallel_loop3A_124 : vector<16xf32>
        %parallel_loop3A_126 = arith.constant 1.000000e-30 : f32
        %parallel_loop3A_127 = vector.broadcast %parallel_loop3A_126 : f32 to vector<16xf32>
        %parallel_loop3A_128 = arith.maximumf %parallel_loop3A_125, %parallel_loop3A_127 : vector<16xf32>
        %parallel_loop3A_129 = vector.bitcast %parallel_loop3A_128 : vector<16xf32> to vector<16xi32>
        %parallel_loop3A_130 = arith.constant 1 : i32
        %parallel_loop3A_131 = vector.broadcast %parallel_loop3A_130 : i32 to vector<16xi32>
        %parallel_loop3A_132 = arith.shrsi %parallel_loop3A_129, %parallel_loop3A_131 : vector<16xi32>
        %parallel_loop3A_133 = arith.constant 1597463007 : i32
        %parallel_loop3A_134 = vector.broadcast %parallel_loop3A_133 : i32 to vector<16xi32>
        %parallel_loop3A_135 = arith.subi %parallel_loop3A_134, %parallel_loop3A_132 : vector<16xi32>
        %parallel_loop3A_136 = vector.bitcast %parallel_loop3A_135 : vector<16xi32> to vector<16xf32>
        %parallel_loop3A_137 = arith.constant 5.000000e-01 : f32
        %parallel_loop3A_138 = vector.broadcast %parallel_loop3A_137 : f32 to vector<16xf32>
        %parallel_loop3A_139 = arith.mulf %parallel_loop3A_138, %parallel_loop3A_128 : vector<16xf32>
        %parallel_loop3A_140 = arith.mulf %parallel_loop3A_139, %parallel_loop3A_136 : vector<16xf32>
        %parallel_loop3A_141 = arith.mulf %parallel_loop3A_140, %parallel_loop3A_136 : vector<16xf32>
        %parallel_loop3A_142 = arith.constant 1.500000e+00 : f32
        %parallel_loop3A_143 = vector.broadcast %parallel_loop3A_142 : f32 to vector<16xf32>
        %parallel_loop3A_144 = arith.subf %parallel_loop3A_143, %parallel_loop3A_141 : vector<16xf32>
        %parallel_loop3A_145 = arith.mulf %parallel_loop3A_136, %parallel_loop3A_144 : vector<16xf32>
        %parallel_loop3A_146 = arith.constant 5.000000e-01 : f32
        %parallel_loop3A_147 = vector.broadcast %parallel_loop3A_146 : f32 to vector<16xf32>
        %parallel_loop3A_148 = arith.mulf %parallel_loop3A_147, %parallel_loop3A_128 : vector<16xf32>
        %parallel_loop3A_149 = arith.mulf %parallel_loop3A_148, %parallel_loop3A_145 : vector<16xf32>
        %parallel_loop3A_150 = arith.mulf %parallel_loop3A_149, %parallel_loop3A_145 : vector<16xf32>
        %parallel_loop3A_151 = arith.constant 1.500000e+00 : f32
        %parallel_loop3A_152 = vector.broadcast %parallel_loop3A_151 : f32 to vector<16xf32>
        %parallel_loop3A_153 = arith.subf %parallel_loop3A_152, %parallel_loop3A_150 : vector<16xf32>
        %parallel_loop3A_154 = arith.mulf %parallel_loop3A_145, %parallel_loop3A_153 : vector<16xf32>
        %parallel_loop3A_155 = arith.mulf %parallel_loop3A_128, %parallel_loop3A_154 : vector<16xf32>
        %parallel_loop3A_156 = arith.constant 0.000000e+00 : f32
        %parallel_loop3A_157 = arith.subf %parallel_loop3A_156, %squeeze3A_5 : f32
        %parallel_loop3A_158 = vector.broadcast %parallel_loop3A_157 : f32 to vector<16xf32>
        %parallel_loop3A_159 = arith.mulf %parallel_loop3A_158, %parallel_loop3A_155 : vector<16xf32>
        %parallel_loop3A_160 = math.exp %parallel_loop3A_159 : vector<16xf32>
        %parallel_loop3A_161 = vector.broadcast %squeeze3A : f32 to vector<16xf32>
        %parallel_loop3A_162 = arith.mulf %parallel_loop3A_161, %parallel_loop3A_160 : vector<16xf32>
        %parallel_loop3A_163 = arith.constant 16 : i32
        %parallel_loop3A_164 = arith.muli %parallel_loop3A_112, %parallel_loop3A_163 : i32
        %parallel_loop3A_165 = arith.index_cast %parallel_loop3A_164 : i32 to index
        %parallel_loop3A_166 = tpu.vector_load %arg15[%parallel_loop3A_165] {strides = array<i32>} : memref<4000xf32, #tpu.memory_space<vmem>>, vector<16xf32>,
        tpu.vector_store %arg15[%parallel_loop3A_165], %parallel_loop3A_162 {strides = array<i32>} : memref<4000xf32, #tpu.memory_space<vmem>>, vector<16xf32>,
      } {sc.loop_unroll_factor = 2 : i64, sc.parallel_access}
      %dma_start3A_85 = arith.constant 0 : i32
      %dma_start3A_86 = tpu.memref_slice %arg9[%dma_start3A_85] : memref<100352xf32, #tpu.memory_space<vmem_shared>> -> memref<100352xf32, #tpu.memory_space<vmem_shared>>
      tpu.enqueue_indirect_dma source(%arg15 : memref<4000xf32, #tpu.memory_space<vmem>>) target(%dma_start3A_86 : memref<100352xf32, #tpu.memory_space<vmem_shared>>) offsets(%arg14 : memref<4000xi32, #tpu.memory_space<vmem>>) semaphore(%arg23 : memref<!tpu.dma_semaphore, #tpu.memory_space<semaphore_mem>>) {add = true}
      %dma_wait3A_87 = arith.constant 0 : i32
      %dma_wait3A_88 = tpu.memref_slice %arg2[%dma_wait3A_87] : memref<3200000xf32, #tpu.memory_space<hbm>> -> memref<4000xf32, #tpu.memory_space<hbm>>
      %dma_wait3A_89 = arith.constant 0 : i32
      %dma_wait3A_90 = tpu.memref_slice %arg2[%dma_wait3A_89] : memref<3200000xf32, #tpu.memory_space<hbm>> -> memref<4000xf32, #tpu.memory_space<hbm>>
      tpu.wait_dma2 semaphore(%arg22 : memref<!tpu.dma_semaphore, #tpu.memory_space<semaphore_mem>>) src(%dma_wait3A_90 : memref<4000xf32, #tpu.memory_space<hbm>>) dst(%arg16 : memref<4000xf32, #tpu.memory_space<vmem>>)
      %dma_wait3A_91 = arith.constant 0 : i32
      %dma_wait3A_92 = tpu.memref_slice %arg3[%dma_wait3A_91] : memref<3200000xf32, #tpu.memory_space<hbm>> -> memref<4000xf32, #tpu.memory_space<hbm>>
      %dma_wait3A_93 = arith.constant 0 : i32
      %dma_wait3A_94 = tpu.memref_slice %arg3[%dma_wait3A_93] : memref<3200000xf32, #tpu.memory_space<hbm>> -> memref<4000xf32, #tpu.memory_space<hbm>>
      tpu.wait_dma2 semaphore(%arg22 : memref<!tpu.dma_semaphore, #tpu.memory_space<semaphore_mem>>) src(%dma_wait3A_94 : memref<4000xf32, #tpu.memory_space<hbm>>) dst(%arg17 : memref<4000xf32, #tpu.memory_space<vmem>>)
      %dma_wait3A_95 = arith.constant 0 : i32
      %dma_wait3A_96 = tpu.memref_slice %arg4[%dma_wait3A_95] : memref<3200000xf32, #tpu.memory_space<hbm>> -> memref<4000xf32, #tpu.memory_space<hbm>>
      %dma_wait3A_97 = arith.constant 0 : i32
      %dma_wait3A_98 = tpu.memref_slice %arg4[%dma_wait3A_97] : memref<3200000xf32, #tpu.memory_space<hbm>> -> memref<4000xf32, #tpu.memory_space<hbm>>
      tpu.wait_dma2 semaphore(%arg22 : memref<!tpu.dma_semaphore, #tpu.memory_space<semaphore_mem>>) src(%dma_wait3A_98 : memref<4000xf32, #tpu.memory_space<hbm>>) dst(%arg18 : memref<4000xf32, #tpu.memory_space<vmem>>)
      %dma_wait3A_99 = arith.constant 0 : i32
      %dma_wait3A_100 = tpu.memref_slice %arg5[%dma_wait3A_99] : memref<3200000xi32, #tpu.memory_space<hbm>> -> memref<4000xi32, #tpu.memory_space<hbm>>
      %dma_wait3A_101 = arith.constant 0 : i32
      %dma_wait3A_102 = tpu.memref_slice %arg5[%dma_wait3A_101] : memref<3200000xi32, #tpu.memory_space<hbm>> -> memref<4000xi32, #tpu.memory_space<hbm>>
      tpu.wait_dma2 semaphore(%arg22 : memref<!tpu.dma_semaphore, #tpu.memory_space<semaphore_mem>>) src(%dma_wait3A_102 : memref<4000xi32, #tpu.memory_space<hbm>>) dst(%arg19 : memref<4000xi32, #tpu.memory_space<vmem>>)
      %parallel_loop3A_103 = arith.constant 0 : i32
      %parallel_loop3A_104 = arith.constant 250 : i32
      %parallel_loop3A_105 = arith.constant 1 : i32
      scf.for %parallel_loop3A_112 = %parallel_loop3A_103 to %parallel_loop3A_104 step %parallel_loop3A_105  : i32 {
        %parallel_loop3A_113 = arith.constant 16 : i32
        %parallel_loop3A_114 = arith.muli %parallel_loop3A_112, %parallel_loop3A_113 : i32
        %parallel_loop3A_115 = arith.index_cast %parallel_loop3A_114 : i32 to index
        %parallel_loop3A_116 = tpu.vector_load %arg16[%parallel_loop3A_115] {strides = array<i32>} : memref<4000xf32, #tpu.memory_space<vmem>>, vector<16xf32>,
        %parallel_loop3A_117 = arith.index_cast %parallel_loop3A_114 : i32 to index
        %parallel_loop3A_118 = tpu.vector_load %arg17[%parallel_loop3A_117] {strides = array<i32>} : memref<4000xf32, #tpu.memory_space<vmem>>, vector<16xf32>,
        %parallel_loop3A_119 = arith.index_cast %parallel_loop3A_114 : i32 to index
        %parallel_loop3A_120 = tpu.vector_load %arg18[%parallel_loop3A_119] {strides = array<i32>} : memref<4000xf32, #tpu.memory_space<vmem>>, vector<16xf32>,
        %parallel_loop3A_121 = arith.mulf %parallel_loop3A_116, %parallel_loop3A_116 : vector<16xf32>
        %parallel_loop3A_122 = arith.mulf %parallel_loop3A_118, %parallel_loop3A_118 : vector<16xf32>
        %parallel_loop3A_123 = arith.addf %parallel_loop3A_121, %parallel_loop3A_122 : vector<16xf32>
        %parallel_loop3A_124 = arith.mulf %parallel_loop3A_120, %parallel_loop3A_120 : vector<16xf32>
        %parallel_loop3A_125 = arith.addf %parallel_loop3A_123, %parallel_loop3A_124 : vector<16xf32>
        %parallel_loop3A_126 = arith.constant 1.000000e-30 : f32
        %parallel_loop3A_127 = vector.broadcast %parallel_loop3A_126 : f32 to vector<16xf32>
        %parallel_loop3A_128 = arith.maximumf %parallel_loop3A_125, %parallel_loop3A_127 : vector<16xf32>
        %parallel_loop3A_129 = vector.bitcast %parallel_loop3A_128 : vector<16xf32> to vector<16xi32>
        %parallel_loop3A_130 = arith.constant 1 : i32
        %parallel_loop3A_131 = vector.broadcast %parallel_loop3A_130 : i32 to vector<16xi32>
        %parallel_loop3A_132 = arith.shrsi %parallel_loop3A_129, %parallel_loop3A_131 : vector<16xi32>
        %parallel_loop3A_133 = arith.constant 1597463007 : i32
        %parallel_loop3A_134 = vector.broadcast %parallel_loop3A_133 : i32 to vector<16xi32>
        %parallel_loop3A_135 = arith.subi %parallel_loop3A_134, %parallel_loop3A_132 : vector<16xi32>
        %parallel_loop3A_136 = vector.bitcast %parallel_loop3A_135 : vector<16xi32> to vector<16xf32>
        %parallel_loop3A_137 = arith.constant 5.000000e-01 : f32
        %parallel_loop3A_138 = vector.broadcast %parallel_loop3A_137 : f32 to vector<16xf32>
        %parallel_loop3A_139 = arith.mulf %parallel_loop3A_138, %parallel_loop3A_128 : vector<16xf32>
        %parallel_loop3A_140 = arith.mulf %parallel_loop3A_139, %parallel_loop3A_136 : vector<16xf32>
        %parallel_loop3A_141 = arith.mulf %parallel_loop3A_140, %parallel_loop3A_136 : vector<16xf32>
        %parallel_loop3A_142 = arith.constant 1.500000e+00 : f32
        %parallel_loop3A_143 = vector.broadcast %parallel_loop3A_142 : f32 to vector<16xf32>
        %parallel_loop3A_144 = arith.subf %parallel_loop3A_143, %parallel_loop3A_141 : vector<16xf32>
        %parallel_loop3A_145 = arith.mulf %parallel_loop3A_136, %parallel_loop3A_144 : vector<16xf32>
        %parallel_loop3A_146 = arith.constant 5.000000e-01 : f32
        %parallel_loop3A_147 = vector.broadcast %parallel_loop3A_146 : f32 to vector<16xf32>
        %parallel_loop3A_148 = arith.mulf %parallel_loop3A_147, %parallel_loop3A_128 : vector<16xf32>
        %parallel_loop3A_149 = arith.mulf %parallel_loop3A_148, %parallel_loop3A_145 : vector<16xf32>
        %parallel_loop3A_150 = arith.mulf %parallel_loop3A_149, %parallel_loop3A_145 : vector<16xf32>
        %parallel_loop3A_151 = arith.constant 1.500000e+00 : f32
        %parallel_loop3A_152 = vector.broadcast %parallel_loop3A_151 : f32 to vector<16xf32>
        %parallel_loop3A_153 = arith.subf %parallel_loop3A_152, %parallel_loop3A_150 : vector<16xf32>
        %parallel_loop3A_154 = arith.mulf %parallel_loop3A_145, %parallel_loop3A_153 : vector<16xf32>
        %parallel_loop3A_155 = arith.mulf %parallel_loop3A_128, %parallel_loop3A_154 : vector<16xf32>
        %parallel_loop3A_156 = arith.constant 0.000000e+00 : f32
        %parallel_loop3A_157 = arith.subf %parallel_loop3A_156, %squeeze3A_5 : f32
        %parallel_loop3A_158 = vector.broadcast %parallel_loop3A_157 : f32 to vector<16xf32>
        %parallel_loop3A_159 = arith.mulf %parallel_loop3A_158, %parallel_loop3A_155 : vector<16xf32>
        %parallel_loop3A_160 = math.exp %parallel_loop3A_159 : vector<16xf32>
        %parallel_loop3A_161 = vector.broadcast %squeeze3A : f32 to vector<16xf32>
        %parallel_loop3A_162 = arith.mulf %parallel_loop3A_161, %parallel_loop3A_160 : vector<16xf32>
        %parallel_loop3A_163 = arith.constant 16 : i32
        %parallel_loop3A_164 = arith.muli %parallel_loop3A_112, %parallel_loop3A_163 : i32
        %parallel_loop3A_165 = arith.index_cast %parallel_loop3A_164 : i32 to index
        %parallel_loop3A_166 = tpu.vector_load %arg20[%parallel_loop3A_165] {strides = array<i32>} : memref<4000xf32, #tpu.memory_space<vmem>>, vector<16xf32>,
        tpu.vector_store %arg20[%parallel_loop3A_165], %parallel_loop3A_162 {strides = array<i32>} : memref<4000xf32, #tpu.memory_space<vmem>>, vector<16xf32>,
      } {sc.loop_unroll_factor = 2 : i64, sc.parallel_access}
      %dma_start3A_106 = arith.constant 0 : i32
      %dma_start3A_107 = tpu.memref_slice %arg9[%dma_start3A_106] : memref<100352xf32, #tpu.memory_space<vmem_shared>> -> memref<100352xf32, #tpu.memory_space<vmem_shared>>
      tpu.enqueue_indirect_dma source(%arg20 : memref<4000xf32, #tpu.memory_space<vmem>>) target(%dma_start3A_107 : memref<100352xf32, #tpu.memory_space<vmem_shared>>) offsets(%arg19 : memref<4000xi32, #tpu.memory_space<vmem>>) semaphore(%arg24 : memref<!tpu.dma_semaphore, #tpu.memory_space<semaphore_mem>>) {add = true}
      %dma_wait3A_108 = arith.constant 0 : i32
      %dma_wait3A_109 = tpu.memref_slice %arg9[%dma_wait3A_108] : memref<100352xf32, #tpu.memory_space<vmem_shared>> -> memref<100352xf32, #tpu.memory_space<vmem_shared>>
      tpu.wait_indirect_dma semaphore(%arg23 : memref<!tpu.dma_semaphore, #tpu.memory_space<semaphore_mem>>) src(%arg15 : memref<4000xf32, #tpu.memory_space<vmem>>) dst(%dma_wait3A_109 : memref<100352xf32, #tpu.memory_space<vmem_shared>>)
      %dma_wait3A_110 = arith.constant 0 : i32
      %dma_wait3A_111 = tpu.memref_slice %arg9[%dma_wait3A_110] : memref<100352xf32, #tpu.memory_space<vmem_shared>> -> memref<100352xf32, #tpu.memory_space<vmem_shared>>
      tpu.wait_indirect_dma semaphore(%arg24 : memref<!tpu.dma_semaphore, #tpu.memory_space<semaphore_mem>>) src(%arg20 : memref<4000xf32, #tpu.memory_space<vmem>>) dst(%dma_wait3A_111 : memref<100352xf32, #tpu.memory_space<vmem_shared>>)
    }
    %scan3A_12 = arith.constant 12 : i32
    %add3A_13 = arith.constant 96000 : i32
    %add3A_14 = arith.addi %mul3A_7, %add3A_13 : i32
    %dma_start3A = tpu.memref_slice %arg2[%add3A_14] : memref<3200000xf32, #tpu.memory_space<hbm>> -> memref<4000xf32, #tpu.memory_space<hbm>>
    %dma_start3A_15 = tpu.memref_slice %arg2[%add3A_14] : memref<3200000xf32, #tpu.memory_space<hbm>> -> memref<4000xf32, #tpu.memory_space<hbm>>
    tpu.enqueue_dma source(%dma_start3A_15 : memref<4000xf32, #tpu.memory_space<hbm>>) target(%arg11 : memref<4000xf32, #tpu.memory_space<vmem>>) target_semaphore(%arg21 : memref<!tpu.dma_semaphore, #tpu.memory_space<semaphore_mem>>)
    %dma_start3A_16 = tpu.memref_slice %arg3[%add3A_14] : memref<3200000xf32, #tpu.memory_space<hbm>> -> memref<4000xf32, #tpu.memory_space<hbm>>
    %dma_start3A_17 = tpu.memref_slice %arg3[%add3A_14] : memref<3200000xf32, #tpu.memory_space<hbm>> -> memref<4000xf32, #tpu.memory_space<hbm>>
    tpu.enqueue_dma source(%dma_start3A_17 : memref<4000xf32, #tpu.memory_space<hbm>>) target(%arg12 : memref<4000xf32, #tpu.memory_space<vmem>>) target_semaphore(%arg21 : memref<!tpu.dma_semaphore, #tpu.memory_space<semaphore_mem>>)
    %dma_start3A_18 = tpu.memref_slice %arg4[%add3A_14] : memref<3200000xf32, #tpu.memory_space<hbm>> -> memref<4000xf32, #tpu.memory_space<hbm>>
    %dma_start3A_19 = tpu.memref_slice %arg4[%add3A_14] : memref<3200000xf32, #tpu.memory_space<hbm>> -> memref<4000xf32, #tpu.memory_space<hbm>>
    tpu.enqueue_dma source(%dma_start3A_19 : memref<4000xf32, #tpu.memory_space<hbm>>) target(%arg13 : memref<4000xf32, #tpu.memory_space<vmem>>) target_semaphore(%arg21 : memref<!tpu.dma_semaphore, #tpu.memory_space<semaphore_mem>>)
    %dma_start3A_20 = tpu.memref_slice %arg5[%add3A_14] : memref<3200000xi32, #tpu.memory_space<hbm>> -> memref<4000xi32, #tpu.memory_space<hbm>>
    %dma_start3A_21 = tpu.memref_slice %arg5[%add3A_14] : memref<3200000xi32, #tpu.memory_space<hbm>> -> memref<4000xi32, #tpu.memory_space<hbm>>
    tpu.enqueue_dma source(%dma_start3A_21 : memref<4000xi32, #tpu.memory_space<hbm>>) target(%arg14 : memref<4000xi32, #tpu.memory_space<vmem>>) target_semaphore(%arg21 : memref<!tpu.dma_semaphore, #tpu.memory_space<semaphore_mem>>)
    %dma_wait3A = arith.constant 0 : i32
    %dma_wait3A_22 = tpu.memref_slice %arg2[%dma_wait3A] : memref<3200000xf32, #tpu.memory_space<hbm>> -> memref<4000xf32, #tpu.memory_space<hbm>>
    %dma_wait3A_23 = arith.constant 0 : i32
    %dma_wait3A_24 = tpu.memref_slice %arg2[%dma_wait3A_23] : memref<3200000xf32, #tpu.memory_space<hbm>> -> memref<4000xf32, #tpu.memory_space<hbm>>
    tpu.wait_dma2 semaphore(%arg21 : memref<!tpu.dma_semaphore, #tpu.memory_space<semaphore_mem>>) src(%dma_wait3A_24 : memref<4000xf32, #tpu.memory_space<hbm>>) dst(%arg11 : memref<4000xf32, #tpu.memory_space<vmem>>)
    %dma_wait3A_25 = arith.constant 0 : i32
    %dma_wait3A_26 = tpu.memref_slice %arg3[%dma_wait3A_25] : memref<3200000xf32, #tpu.memory_space<hbm>> -> memref<4000xf32, #tpu.memory_space<hbm>>
    %dma_wait3A_27 = arith.constant 0 : i32
    %dma_wait3A_28 = tpu.memref_slice %arg3[%dma_wait3A_27] : memref<3200000xf32, #tpu.memory_space<hbm>> -> memref<4000xf32, #tpu.memory_space<hbm>>
    tpu.wait_dma2 semaphore(%arg21 : memref<!tpu.dma_semaphore, #tpu.memory_space<semaphore_mem>>) src(%dma_wait3A_28 : memref<4000xf32, #tpu.memory_space<hbm>>) dst(%arg12 : memref<4000xf32, #tpu.memory_space<vmem>>)
    %dma_wait3A_29 = arith.constant 0 : i32
    %dma_wait3A_30 = tpu.memref_slice %arg4[%dma_wait3A_29] : memref<3200000xf32, #tpu.memory_space<hbm>> -> memref<4000xf32, #tpu.memory_space<hbm>>
    %dma_wait3A_31 = arith.constant 0 : i32
    %dma_wait3A_32 = tpu.memref_slice %arg4[%dma_wait3A_31] : memref<3200000xf32, #tpu.memory_space<hbm>> -> memref<4000xf32, #tpu.memory_space<hbm>>
    tpu.wait_dma2 semaphore(%arg21 : memref<!tpu.dma_semaphore, #tpu.memory_space<semaphore_mem>>) src(%dma_wait3A_32 : memref<4000xf32, #tpu.memory_space<hbm>>) dst(%arg13 : memref<4000xf32, #tpu.memory_space<vmem>>)
    %dma_wait3A_33 = arith.constant 0 : i32
    %dma_wait3A_34 = tpu.memref_slice %arg5[%dma_wait3A_33] : memref<3200000xi32, #tpu.memory_space<hbm>> -> memref<4000xi32, #tpu.memory_space<hbm>>
    %dma_wait3A_35 = arith.constant 0 : i32
    %dma_wait3A_36 = tpu.memref_slice %arg5[%dma_wait3A_35] : memref<3200000xi32, #tpu.memory_space<hbm>> -> memref<4000xi32, #tpu.memory_space<hbm>>
    tpu.wait_dma2 semaphore(%arg21 : memref<!tpu.dma_semaphore, #tpu.memory_space<semaphore_mem>>) src(%dma_wait3A_36 : memref<4000xi32, #tpu.memory_space<hbm>>) dst(%arg14 : memref<4000xi32, #tpu.memory_space<vmem>>)
    %parallel_loop3A = arith.constant 0 : i32
    %parallel_loop3A_37 = arith.constant 250 : i32
    %parallel_loop3A_38 = arith.constant 1 : i32
    scf.for %parallel_loop3A_44 = %parallel_loop3A to %parallel_loop3A_37 step %parallel_loop3A_38  : i32 {
      %parallel_loop3A_45 = arith.constant 16 : i32
      %parallel_loop3A_46 = arith.muli %parallel_loop3A_44, %parallel_loop3A_45 : i32
      %parallel_loop3A_47 = arith.index_cast %parallel_loop3A_46 : i32 to index
      %parallel_loop3A_48 = tpu.vector_load %arg11[%parallel_loop3A_47] {strides = array<i32>} : memref<4000xf32, #tpu.memory_space<vmem>>, vector<16xf32>,
      %parallel_loop3A_49 = arith.index_cast %parallel_loop3A_46 : i32 to index
      %parallel_loop3A_50 = tpu.vector_load %arg12[%parallel_loop3A_49] {strides = array<i32>} : memref<4000xf32, #tpu.memory_space<vmem>>, vector<16xf32>,
      %parallel_loop3A_51 = arith.index_cast %parallel_loop3A_46 : i32 to index
      %parallel_loop3A_52 = tpu.vector_load %arg13[%parallel_loop3A_51] {strides = array<i32>} : memref<4000xf32, #tpu.memory_space<vmem>>, vector<16xf32>,
      %parallel_loop3A_53 = arith.mulf %parallel_loop3A_48, %parallel_loop3A_48 : vector<16xf32>
      %parallel_loop3A_54 = arith.mulf %parallel_loop3A_50, %parallel_loop3A_50 : vector<16xf32>
      %parallel_loop3A_55 = arith.addf %parallel_loop3A_53, %parallel_loop3A_54 : vector<16xf32>
      %parallel_loop3A_56 = arith.mulf %parallel_loop3A_52, %parallel_loop3A_52 : vector<16xf32>
      %parallel_loop3A_57 = arith.addf %parallel_loop3A_55, %parallel_loop3A_56 : vector<16xf32>
      %parallel_loop3A_58 = arith.constant 1.000000e-30 : f32
      %parallel_loop3A_59 = vector.broadcast %parallel_loop3A_58 : f32 to vector<16xf32>
      %parallel_loop3A_60 = arith.maximumf %parallel_loop3A_57, %parallel_loop3A_59 : vector<16xf32>
      %parallel_loop3A_61 = vector.bitcast %parallel_loop3A_60 : vector<16xf32> to vector<16xi32>
      %parallel_loop3A_62 = arith.constant 1 : i32
      %parallel_loop3A_63 = vector.broadcast %parallel_loop3A_62 : i32 to vector<16xi32>
      %parallel_loop3A_64 = arith.shrsi %parallel_loop3A_61, %parallel_loop3A_63 : vector<16xi32>
      %parallel_loop3A_65 = arith.constant 1597463007 : i32
      %parallel_loop3A_66 = vector.broadcast %parallel_loop3A_65 : i32 to vector<16xi32>
      %parallel_loop3A_67 = arith.subi %parallel_loop3A_66, %parallel_loop3A_64 : vector<16xi32>
      %parallel_loop3A_68 = vector.bitcast %parallel_loop3A_67 : vector<16xi32> to vector<16xf32>
      %parallel_loop3A_69 = arith.constant 5.000000e-01 : f32
      %parallel_loop3A_70 = vector.broadcast %parallel_loop3A_69 : f32 to vector<16xf32>
      %parallel_loop3A_71 = arith.mulf %parallel_loop3A_70, %parallel_loop3A_60 : vector<16xf32>
      %parallel_loop3A_72 = arith.mulf %parallel_loop3A_71, %parallel_loop3A_68 : vector<16xf32>
      %parallel_loop3A_73 = arith.mulf %parallel_loop3A_72, %parallel_loop3A_68 : vector<16xf32>
      %parallel_loop3A_74 = arith.constant 1.500000e+00 : f32
      %parallel_loop3A_75 = vector.broadcast %parallel_loop3A_74 : f32 to vector<16xf32>
      %parallel_loop3A_76 = arith.subf %parallel_loop3A_75, %parallel_loop3A_73 : vector<16xf32>
      %parallel_loop3A_77 = arith.mulf %parallel_loop3A_68, %parallel_loop3A_76 : vector<16xf32>
      %parallel_loop3A_78 = arith.constant 5.000000e-01 : f32
      %parallel_loop3A_79 = vector.broadcast %parallel_loop3A_78 : f32 to vector<16xf32>
      %parallel_loop3A_80 = arith.mulf %parallel_loop3A_79, %parallel_loop3A_60 : vector<16xf32>
      %parallel_loop3A_81 = arith.mulf %parallel_loop3A_80, %parallel_loop3A_77 : vector<16xf32>
      %parallel_loop3A_82 = arith.mulf %parallel_loop3A_81, %parallel_loop3A_77 : vector<16xf32>
      %parallel_loop3A_83 = arith.constant 1.500000e+00 : f32
      %parallel_loop3A_84 = vector.broadcast %parallel_loop3A_83 : f32 to vector<16xf32>
      %parallel_loop3A_85 = arith.subf %parallel_loop3A_84, %parallel_loop3A_82 : vector<16xf32>
      %parallel_loop3A_86 = arith.mulf %parallel_loop3A_77, %parallel_loop3A_85 : vector<16xf32>
      %parallel_loop3A_87 = arith.mulf %parallel_loop3A_60, %parallel_loop3A_86 : vector<16xf32>
      %parallel_loop3A_88 = arith.constant 0.000000e+00 : f32
      %parallel_loop3A_89 = arith.subf %parallel_loop3A_88, %squeeze3A_5 : f32
      %parallel_loop3A_90 = vector.broadcast %parallel_loop3A_89 : f32 to vector<16xf32>
      %parallel_loop3A_91 = arith.mulf %parallel_loop3A_90, %parallel_loop3A_87 : vector<16xf32>
      %parallel_loop3A_92 = math.exp %parallel_loop3A_91 : vector<16xf32>
      %parallel_loop3A_93 = vector.broadcast %squeeze3A : f32 to vector<16xf32>
      %parallel_loop3A_94 = arith.mulf %parallel_loop3A_93, %parallel_loop3A_92 : vector<16xf32>
      %parallel_loop3A_95 = arith.constant 16 : i32
      %parallel_loop3A_96 = arith.muli %parallel_loop3A_44, %parallel_loop3A_95 : i32
      %parallel_loop3A_97 = arith.index_cast %parallel_loop3A_96 : i32 to index
      %parallel_loop3A_98 = tpu.vector_load %arg15[%parallel_loop3A_97] {strides = array<i32>} : memref<4000xf32, #tpu.memory_space<vmem>>, vector<16xf32>,
      tpu.vector_store %arg15[%parallel_loop3A_97], %parallel_loop3A_94 {strides = array<i32>} : memref<4000xf32, #tpu.memory_space<vmem>>, vector<16xf32>,
    } {sc.loop_unroll_factor = 2 : i64, sc.parallel_access}
    %dma_start3A_39 = arith.constant 0 : i32
    %dma_start3A_40 = tpu.memref_slice %arg9[%dma_start3A_39] : memref<100352xf32, #tpu.memory_space<vmem_shared>> -> memref<100352xf32, #tpu.memory_space<vmem_shared>>
    tpu.enqueue_indirect_dma source(%arg15 : memref<4000xf32, #tpu.memory_space<vmem>>) target(%dma_start3A_40 : memref<100352xf32, #tpu.memory_space<vmem_shared>>) offsets(%arg14 : memref<4000xi32, #tpu.memory_space<vmem>>) semaphore(%arg23 : memref<!tpu.dma_semaphore, #tpu.memory_space<semaphore_mem>>) {add = true}
    %dma_wait3A_41 = arith.constant 0 : i32
    %dma_wait3A_42 = tpu.memref_slice %arg9[%dma_wait3A_41] : memref<100352xf32, #tpu.memory_space<vmem_shared>> -> memref<100352xf32, #tpu.memory_space<vmem_shared>>
    tpu.wait_indirect_dma semaphore(%arg23 : memref<!tpu.dma_semaphore, #tpu.memory_space<semaphore_mem>>) src(%arg15 : memref<4000xf32, #tpu.memory_space<vmem>>) dst(%dma_wait3A_42 : memref<100352xf32, #tpu.memory_space<vmem_shared>>)
    %barrier3A_43 = arith.constant 0 : index
    tpu.barrier barrier_id(%barrier3A_43)
    "tpu.region"() ({
      %run_scoped3A = tpu.sem_alloc : memref<!tpu.dma_semaphore, #tpu.memory_space<semaphore_mem>>
      %dma_start3A_44 = tpu.memref_slice %arg8[%arg0, %mul3A_2] : memref<2x100352xf32, #tpu.memory_space<hbm>> -> memref<1x6272xf32, #tpu.memory_space<hbm>>
      %dma_start3A_45 = tpu.memref_squeeze %dma_start3A_44 : memref<1x6272xf32, #tpu.memory_space<hbm>> -> memref<6272xf32, #tpu.memory_space<hbm>>
      %dma_start3A_46 = tpu.memref_slice %arg9[%mul3A_2] : memref<100352xf32, #tpu.memory_space<vmem_shared>> -> memref<6272xf32, #tpu.memory_space<vmem_shared>>
      tpu.enqueue_dma source(%dma_start3A_46 : memref<6272xf32, #tpu.memory_space<vmem_shared>>) target(%dma_start3A_45 : memref<6272xf32, #tpu.memory_space<hbm>>) target_semaphore(%run_scoped3A : memref<!tpu.dma_semaphore, #tpu.memory_space<semaphore_mem>>)
      %dma_wait3A_47 = tpu.memref_slice %arg8[%arg0, %mul3A_2] : memref<2x100352xf32, #tpu.memory_space<hbm>> -> memref<1x6272xf32, #tpu.memory_space<hbm>>
      %dma_wait3A_48 = tpu.memref_squeeze %dma_wait3A_47 : memref<1x6272xf32, #tpu.memory_space<hbm>> -> memref<6272xf32, #tpu.memory_space<hbm>>
      %dma_wait3A_49 = tpu.memref_slice %arg9[%mul3A_2] : memref<100352xf32, #tpu.memory_space<vmem_shared>> -> memref<6272xf32, #tpu.memory_space<vmem_shared>>
      tpu.wait_dma2 semaphore(%run_scoped3A : memref<!tpu.dma_semaphore, #tpu.memory_space<semaphore_mem>>) src(%dma_wait3A_49 : memref<6272xf32, #tpu.memory_space<vmem_shared>>) dst(%dma_wait3A_48 : memref<6272xf32, #tpu.memory_space<hbm>>)
      tpu.yield
    }) : () -> ()
    return
  }
}

module attributes {stable_mosaic.version = 14 : i64} {
  func.func @_tc_final_body(%arg0: i32, %arg1: memref<2x3x112x128xf32, #tpu.memory_space<vmem>>, %arg2: memref<32x16xf32, #tpu.memory_space<vmem>>, %arg3: memref<32x16xf32, #tpu.memory_space<vmem>>, %arg4: memref<1x1xf32, #tpu.memory_space<vmem>>, %arg5: memref<3x112x128xf32, #tpu.memory_space<vmem>>, %arg6: memref<1x1xf32, #tpu.memory_space<vmem>>) attributes {dimension_semantics = [#tpu.dimension_semantics<arbitrary>], iteration_bounds = array<i64: 7>, scalar_prefetch = 0 : i64, scratch_operands = 0 : i64, tpu.core_type = #tpu.core_type<tc>, window_params = [{transform_indices = @transform_0, window_bounds = array<i64: 2, 3, 112, 128>}, {pipeline_mode = #tpu.pipeline_mode<synchronous>, transform_indices = @transform_1, window_bounds = array<i64: 32, 16>}, {pipeline_mode = #tpu.pipeline_mode<synchronous>, transform_indices = @transform_2, window_bounds = array<i64: 32, 16>}, {pipeline_mode = #tpu.pipeline_mode<synchronous>, transform_indices = @transform_3, window_bounds = array<i64: 1, 1>}, {transform_indices = @transform_4, window_bounds = array<i64: 3, 112, 128>}, {pipeline_mode = #tpu.pipeline_mode<synchronous>, transform_indices = @transform_5, window_bounds = array<i64: 1, 1>}]} {
    %get3A = arith.constant 0 : index
    %get3A_0 = arith.constant 0 : index
    %get3A_1 = arith.constant 0 : index
    %get3A_2 = arith.constant 0 : index
    %get3A_3 = vector.load %arg1[%get3A, %get3A_0, %get3A_1, %get3A_2] : memref<2x3x112x128xf32, #tpu.memory_space<vmem>>, vector<1x3x112x128xf32>
    %get3A_4 = vector.shape_cast %get3A_3 : vector<1x3x112x128xf32> to vector<3x112x128xf32>
    %get3A_5 = arith.constant 1 : index
    %get3A_6 = arith.constant 0 : index
    %get3A_7 = arith.constant 0 : index
    %get3A_8 = arith.constant 0 : index
    %get3A_9 = vector.load %arg1[%get3A_5, %get3A_6, %get3A_7, %get3A_8] : memref<2x3x112x128xf32, #tpu.memory_space<vmem>>, vector<1x3x112x128xf32>
    %get3A_10 = vector.shape_cast %get3A_9 : vector<1x3x112x128xf32> to vector<3x112x128xf32>
    %add3A = arith.addf %get3A_4, %get3A_10 : vector<3x112x128xf32>
    %swap3A = arith.constant 0 : index
    %swap3A_11 = arith.constant 0 : index
    %swap3A_12 = arith.constant 0 : index
    %swap3A_13 = vector.load %arg5[%swap3A, %swap3A_11, %swap3A_12] : memref<3x112x128xf32, #tpu.memory_space<vmem>>, vector<3x112x128xf32>
    tpu.vector_store %arg5[%swap3A, %swap3A_11, %swap3A_12], %add3A {strides = array<i32>} : memref<3x112x128xf32, #tpu.memory_space<vmem>>, vector<3x112x128xf32>,
    %eq3A = arith.constant 0 : i32
    %eq3A_14 = arith.cmpi eq, %arg0, %eq3A : i32
    %convert_element_type3A = arith.extui %eq3A_14 : i1 to i32
    %cond3A = arith.constant 0 : i32
    %cond3A_15 = arith.cmpi ne, %convert_element_type3A, %cond3A : i32
    scf.if %cond3A_15 {
      %get3A_16 = arith.constant 0 : index
      %get3A_17 = arith.constant 0 : index
      %get3A_18 = vector.load %arg4[%get3A_16, %get3A_17] : memref<1x1xf32, #tpu.memory_space<vmem>>, vector<1x1xf32>
      %neg3A = arith.constant 0.000000e+00 : f32
      %neg3A_19 = vector.broadcast %neg3A : f32 to vector<1x1xf32>
      %neg3A_20 = arith.subf %neg3A_19, %get3A_18 : vector<1x1xf32>
      %mul3A = arith.constant 5.000000e-01 : f32
      %mul3A_21 = vector.broadcast %mul3A : f32 to vector<1x1xf32>
      %mul3A_22 = arith.mulf %neg3A_20, %mul3A_21 : vector<1x1xf32>
      %get3A_23 = arith.constant 0 : index
      %get3A_24 = arith.constant 0 : index
      %get3A_25 = vector.load %arg3[%get3A_23, %get3A_24] : memref<32x16xf32, #tpu.memory_space<vmem>>, vector<32x16xf32>
      %reduce_sum3A = vector.shape_cast %get3A_25 : vector<32x16xf32> to vector<1x32x16xf32>
      %reduce_sum3A_26 = arith.constant dense<0.000000e+00> : vector<1xf32>
      %reduce_sum3A_27 = vector.multi_reduction <add>, %reduce_sum3A, %reduce_sum3A_26 [1, 2] : vector<1x32x16xf32> to vector<1xf32>
      %reduce_sum3A_28 = vector.shape_cast %reduce_sum3A_27 : vector<1xf32> to vector<1x1x1xf32>
      %reduce_sum3A_29 = vector.extract %reduce_sum3A_28[0, 0, 0] : f32 from vector<1x1x1xf32>
      %mul3A_30 = vector.broadcast %reduce_sum3A_29 : f32 to vector<1x1xf32>
      %mul3A_31 = arith.mulf %mul3A_22, %mul3A_30 : vector<1x1xf32>
      %get3A_32 = arith.constant 0 : index
      %get3A_33 = arith.constant 0 : index
      %get3A_34 = vector.load %arg2[%get3A_32, %get3A_33] : memref<32x16xf32, #tpu.memory_space<vmem>>, vector<32x16xf32>
      %reduce_sum3A_35 = vector.shape_cast %get3A_34 : vector<32x16xf32> to vector<1x32x16xf32>
      %reduce_sum3A_36 = arith.constant dense<0.000000e+00> : vector<1xf32>
      %reduce_sum3A_37 = vector.multi_reduction <add>, %reduce_sum3A_35, %reduce_sum3A_36 [1, 2] : vector<1x32x16xf32> to vector<1xf32>
      %reduce_sum3A_38 = vector.shape_cast %reduce_sum3A_37 : vector<1xf32> to vector<1x1x1xf32>
      %reduce_sum3A_39 = vector.extract %reduce_sum3A_38[0, 0, 0] : f32 from vector<1x1x1xf32>
      %add3A_40 = vector.broadcast %reduce_sum3A_39 : f32 to vector<1x1xf32>
      %add3A_41 = arith.addf %mul3A_31, %add3A_40 : vector<1x1xf32>
      %swap3A_42 = arith.constant 0 : index
      %swap3A_43 = arith.constant 0 : index
      %swap3A_44 = vector.load %arg6[%swap3A_42, %swap3A_43] : memref<1x1xf32, #tpu.memory_space<vmem>>, vector<1x1xf32>
      tpu.vector_store %arg6[%swap3A_42, %swap3A_43], %add3A_41 {strides = array<i32>} : memref<1x1xf32, #tpu.memory_space<vmem>>, vector<1x1xf32>,
    } else {
    }
    return
  }
  func.func @transform_0(%arg0: i32) -> (i32, i32, i32, i32) {
    %c0_i32 = arith.constant 0 : i32
    %c0_i32_0 = arith.constant 0 : i32
    %c0_i32_1 = arith.constant 0 : i32
    %c0_i32_2 = arith.constant 0 : i32
    return %c0_i32, %c0_i32_0, %arg0, %c0_i32_1 : i32, i32, i32, i32
  }
  func.func @transform_1(%arg0: i32) -> (i32, i32) {
    %c0_i32 = arith.constant 0 : i32
    %c0_i32_0 = arith.constant 0 : i32
    %c0_i32_1 = arith.constant 0 : i32
    return %c0_i32, %c0_i32_0 : i32, i32
  }
  func.func @transform_2(%arg0: i32) -> (i32, i32) {
    %c0_i32 = arith.constant 0 : i32
    %c0_i32_0 = arith.constant 0 : i32
    %c0_i32_1 = arith.constant 0 : i32
    return %c0_i32, %c0_i32_0 : i32, i32
  }
  func.func @transform_3(%arg0: i32) -> (i32, i32) {
    %c0_i32 = arith.constant 0 : i32
    %c0_i32_0 = arith.constant 0 : i32
    %c0_i32_1 = arith.constant 0 : i32
    return %c0_i32, %c0_i32_0 : i32, i32
  }
  func.func @transform_4(%arg0: i32) -> (i32, i32, i32) {
    %c0_i32 = arith.constant 0 : i32
    %c0_i32_0 = arith.constant 0 : i32
    %c0_i32_1 = arith.constant 0 : i32
    return %c0_i32, %arg0, %c0_i32_0 : i32, i32, i32
  }
  func.func @transform_5(%arg0: i32) -> (i32, i32) {
    %c0_i32 = arith.constant 0 : i32
    %c0_i32_0 = arith.constant 0 : i32
    %c0_i32_1 = arith.constant 0 : i32
    return %c0_i32, %c0_i32_0 : i32, i32
  }
}

</mosaic_0001>

<sc_bundles>
// kernel: kernel.5.cloned.1.call-start
scs
__scs_entry_jumppad:
0x0: {  	(pc) =	sbr.rel $0x88, $3  }
0x1: {  	(tag) =	ssettag $0x0;
	lr =	simm.s32 $0x1  }
0x2: {  	[smem:$0x3F99] =	sst lr;
	_ =	strace $0xD0000000  }
0x3: {  	_ = 	snop  }
0x4: {  	_ = 	snop  }
0x5: {  	_ = 	snop  }
0x6: {  	_ = 	snop  }
0x7: {  	_ = 	snop  }
__scs_overlays_trampoline_lowered:
0x8: {  	[smem:$0x3FA8] =	sst s0  }
0x9: {  	[smem:$0x3FA9] =	sst s1  }
0xa: {  	[smem:$0x3FAA] =	sst s2  }
0xb: {  	[smem:$0x3FAB] =	sst s3  }
0xc: {  	[smem:$0x3FAC] =	sst s4  }
0xd: {  	[smem:$0x3FAD] =	sst s5  }
0xe: {  	[smem:$0x3FAE] =	sst s6  }
0xf: {  	[smem:$0x3FAF] =	sst s7  }
0x10: {  	[smem:$0x3FB0] =	sst s8  }
0x11: {  	[smem:$0x3FB1] =	sst s9;
	s0 =	simm.s32 @!p0 $0x0  }
0x12: {  	s1 =	sld [smem:$0x3F97];
	s0 =	simm.s32 @p0 $0x1  }
0x13: {  	[smem:$0x3FB2] =	sst s0;
	s0 =	simm.s32 @!p1 $0x0  }
0x14: {  	s2 =	sld [smem:$0x3F96];
	s0 =	simm.s32 @p1 $0x1  }
0x15: {  	[smem:$0x3FB3] =	sst s0;
	s0 =	simm.s32 @!p2 $0x0  }
0x16: {  	s3 =	sld [smem:$0x3FDB];
	s0 =	simm.s32 @p2 $0x1  }
0x17: {  	s4 =	simm.s32 $0x1BF5;
	[smem:$0x3FB5] =	sst s0  }
0x18: {  	s0 =	sld [smem:$0x3F98];
	_ =	swait.ge [sflag:s4], $0x0  }
0x19: {  	s7 =	sld [smem:$0x3F99]  }
0x1a: {  	s8 =	sadd.s32 $0xFFFFE003, lr  }
0x1b: {  	s9 =	sadd.s32 $0xFFFFFEF7, lr;
	s5 =	simm.s32 $0xFFFFFFFF;
	p2 =	slt.u32 s8, $0xFFFFF086  }
0x1c: {  	p1 =	slt.u32 s9, $0xF7A;
	s5 =	simm.s32 @!p2 $0x0  }
0x1d: {  	s5 =	simm.s32 @p1 $0x1;
	p0 =	seq.s32 s7, s2  }
0x1e: {  	s7 =	smul.u32 @!p0 $0xF7A, s2;
	p2 =	seq.s32 @!p0 s5, $0x0  }
0x1f: {  	s9 =	smul.u32 $0xF7A, s1;
	s8 =	simm.s32 @!p0 $0x1BF5;
	p2 =	por !p2, p0  }
0x20: {  	[sflag:s8] =	ssyncset.s32 @!p0 $0xFFFFF086;
	s6 =	sadd.s32 @!p0 s3, s7;
	s7 =	simm.s32 @!p0 $0x108  }
0x21: {  	s3 =	sadd.s32 s3, s9;
	s6 =	sadd.s32 @!p0 $0x88, s6;
	s7 =	simm.s32 @p2 $0x1082  }
0x22: {  	[simem:s7], [sflag:s8] =	dma.local @!p0 [hbm:s6], $0xF7A  }
0x23: {  	s9 =	sor.u32 $0xD0000000, s2;
	s6 =	simm.s32 $0x108;
	_ =	swait.ge @!p0 [sflag:s8], $0x0  }
0x24: {  	s3 =	sadd.s32 $0x88, s3;
	s6 =	simm.s32 @!p1 $0x1082;
	[sflag:s4] =	ssyncset.s32 $0xFFFFF086  }
0x25: {  	[simem:s6], [sflag:s4] =	dma.local [hbm:s3], $0xF7A  }
0x26: {  	[smem:$0x3F99] =	sst s1;
	(tag) =	ssettag s2;
	_ =	strace s9  }
0x27: {  	s1 =	sld [smem:$0x3FA9]  }
0x28: {  	s2 =	sld [smem:$0x3FAA]  }
0x29: {  	s4 =	sld [smem:$0x3FAC]  }
0x2a: {  	p0 =	seq.s32 s5, $0x0;
	s5 =	sld [smem:$0x3FAD]  }
0x2b: {  	s6 =	sld [smem:$0x3FAE]  }
0x2c: {  	s7 =	sld [smem:$0x3FAF]  }
0x2d: {  	s3 =	simm.s32 $0x108;
	s8 =	sld [smem:$0x3FB0]  }
0x2e: {  	s3 =	simm.s32 @!p0 $0x1082;
	s9 =	sld [smem:$0x3FB1]  }
0x2f: {  	lr =	sadd.s32 s0, s3;
	s0 =	sld [smem:$0x3FA8]  }
0x30: {  	s3 =	sld [smem:$0x3FAB]  }
0x31: {  	[smem:$0x3FB4] =	sst s10  }
0x32: {  	s10 =	sld [smem:$0x3FB2];
	_ =	sdelay $0x3  }
0x33: {  	p0 =	seq.s32 s10, $0x1;
	s10 =	sld [smem:$0x3FB4];
	_ =	sdelay $0x3  }
0x34: {  	[smem:$0x3FB4] =	sst s10  }
0x35: {  	s10 =	sld [smem:$0x3FB3];
	_ =	sdelay $0x3  }
0x36: {  	p1 =	seq.s32 s10, $0x1;
	s10 =	sld [smem:$0x3FB4];
	_ =	sdelay $0x3  }
0x37: {  	[smem:$0x3FB4] =	sst s10  }
0x38: {  	s10 =	sld [smem:$0x3FB5]  }
0x39: {  	_ = 	snop;
	(pc) =	sbr.ind lr, $3  }
0x3a: {  	_ = 	snop  }
0x3b: {  	_ = 	snop  }
0x3c: {  	p2 =	seq.s32 s10, $0x1;
	s10 =	sld [smem:$0x3FB4]  }
0x3d: {  	_ =	shalt  }
0x3e: {  	_ =	shalt  }
0x3f: {  	_ =	shalt  }
0x40: {  	_ =	shalt  }
0x41: {  	_ =	shalt  }
0x42: {  	_ =	shalt  }
0x43: {  	_ =	shalt  }
0x44: {  	_ =	shalt  }
0x45: {  	_ =	shalt  }
0x46: {  	_ =	shalt  }
0x47: {  	_ =	shalt  }
0x48: {  	_ =	shalt  }
0x49: {  	_ =	shalt  }
0x4a: {  	_ =	shalt  }
0x4b: {  	_ =	shalt  }
0x4c: {  	_ =	shalt  }
0x4d: {  	_ =	shalt  }
0x4e: {  	_ =	shalt  }
0x4f: {  	_ =	shalt  }
0x50: {  	_ =	shalt  }
0x51: {  	_ =	shalt  }
0x52: {  	_ =	shalt  }
0x53: {  	_ =	shalt  }
0x54: {  	_ =	shalt  }
0x55: {  	_ =	shalt  }
0x56: {  	_ =	shalt  }
0x57: {  	_ =	shalt  }
0x58: {  	_ =	shalt  }
0x59: {  	_ =	shalt  }
0x5a: {  	_ =	shalt  }
0x5b: {  	_ =	shalt  }
0x5c: {  	_ =	shalt  }
0x5d: {  	_ =	shalt  }
0x5e: {  	_ =	shalt  }
0x5f: {  	_ =	shalt  }
0x60: {  	_ =	shalt  }
0x61: {  	_ =	shalt  }
0x62: {  	_ =	shalt  }
0x63: {  	_ =	shalt  }
0x64: {  	_ =	shalt  }
0x65: {  	_ =	shalt  }
0x66: {  	_ =	shalt  }
0x67: {  	_ =	shalt  }
0x68: {  	_ =	shalt  }
0x69: {  	_ =	shalt  }
0x6a: {  	_ =	shalt  }
0x6b: {  	_ =	shalt  }
0x6c: {  	_ =	shalt  }
0x6d: {  	_ =	shalt  }
0x6e: {  	_ =	shalt  }
0x6f: {  	_ =	shalt  }
0x70: {  	_ =	shalt  }
0x71: {  	_ =	shalt  }
0x72: {  	_ =	shalt  }
0x73: {  	_ =	shalt  }
0x74: {  	_ =	shalt  }
0x75: {  	_ =	shalt  }
0x76: {  	_ =	shalt  }
0x77: {  	_ =	shalt  }
0x78: {  	_ =	shalt  }
0x79: {  	_ =	shalt  }
0x7a: {  	_ =	shalt  }
0x7b: {  	_ =	shalt  }
0x7c: {  	_ =	shalt  }
0x7d: {  	_ =	shalt  }
0x7e: {  	_ =	shalt  }
0x7f: {  	_ =	shalt  }
0x80: {  	_ =	shalt  }
0x81: {  	_ =	shalt  }
0x82: {  	_ =	shalt  }
0x83: {  	_ =	shalt  }
0x84: {  	_ =	shalt  }
0x85: {  	_ =	shalt  }
0x86: {  	_ =	shalt  }
0x87: {  	_ =	shalt  }
.Lfunc_end0:
.L_simem_size_0:
called_computation_lowered:
.L_overlay_start_0:
0x88: {  	s2 =	sld [smem:$0x3FD9]  }
0x89: {  	s3 =	sld [smem:$0x3FFE];
	_ =	sdelay $0x1  }
0x8a: {  	s1 =	srdreg.scid  }
0x8b: {  	s0 =	sand.u32 $0x1, s1  }
0x8c: {  	s14 =	sshll.u32 s0, $0xA;
	s2 =	sadd.s32 s3, s2  }
0x8d: {  	s2 =	sadd.s32 s2, s14  }
0x8e: {  	[smem:$0x3FC0] =	sst s2  }
0x8f: {  	_ = 	snop  }
0x90: {  	s2 =	sld [smem:$0x3FD0];
	_ =	sdelay $0x2  }
0x91: {  	s4 =	simm.s32 $0xA;
	s5 =	simm.s32 $0x10;
	s15 =	sld [smem:$0x3FC2]  }
0x92: {  	[smem:s5], [sflag:s4] =	dma.local [hbm:s2], $0x1  }
0x93: {  	_ =	swait.eq [sflag:s4], $0x1  }
0x94: {  	[sflag:s4] =	ssyncset.done $0x0  }
0x95: {  	s16 =	sld [smem:$0x10];
	[sflag:s4] =	ssyncadd.s32 $0xFFFFFFFF  }
0x96: {  	s17 =	sld [smem:$0x11];
	(tm) =	ssettm $0x1  }
0x97: {  	s18 =	sld [smem:$0x3FFB];
	_ =	sdelay $0x3  }
0x98: {  	_ =	strace s18  }
0x99: {  	s5 =	sld [smem:$0x3FFC];
	_ =	sdelay $0x3  }
0x9a: {  	_ =	strace s5  }
0x9b: {  	s5 =	sld [smem:$0x3FFD];
	_ =	sdelay $0x3  }
0x9c: {  	_ =	strace s5  }
0x9d: {  	_ =	strace $0x8FFFFFFF  }
0x9e: {  	s19 =	sld [smem:$0x3FDB];
	_ =	sdelay $0x1  }
0x9f: {  	s6 =	simm.s32 $_scs_section_size  }
0xa0: {  	s7 =	simm.s32 $_size__tile_overlayer_lowered;
	s8 =	simm.s32 $_tile_overlayer_lowered  }
0xa1: {  	s22 =	simm.s32 $0x1BFF;
	s21 =	sshll.u32 s8, $0x1;
	s5 =	sadd.s32 s6, s19  }
0xa2: {  	s9 =	simm.s32 $0x0;
	s20 =	sshll.u32 s7, $0x1;
	s7 =	sadd.s32 s21, s5  }
0xa3: {  	[timem:s9], [sflag:s22] =	dma.local [hbm:s7], s20  }
0xa4: {  	_ =	swait.ge [sflag:s22], s20  }
0xa5: {  	s6 =	ssub.s32 $0x0, s20;
	[sflag:s22] =	ssyncset.done $0x0  }
0xa6: {  	[sflag:s22] =	ssyncadd.s32 s6;
	_ =	sdelay $0x1  }
0xa7: {  	s23 =	simm.s32 $0x1B8B  }
0xa8: {  	_ =	swait.ge [sflag:s23], $0x1  }
0xa9: {  	[sflag:s23] =	ssyncset.done $0x0  }
0xaa: {  	s25 =	simm.s32 $0x1B8E;
	s24 =	sld [smem:$0x3FFE];
	[sflag:s23] =	ssyncadd.s32 $0xFFFFFFFF  }
0xab: {  	s26 =	simm.s32 $execute0_lowered;
	[smem:$0x3FD2] =	sst s25  }
0xac: {  	s7 =	sshll.u32 s26, $0x1;
	_ =	strace $0x80000046;
	[dreg:$0x1] =	wrdreg $0xFFFFFFFF  }
0xad: {  	s28 =	simm.s32 $_size_execute0_lowered;
	s5 =	sadd.s32 s5, s7;
	[dreg:$0x0] =	wrdreg $0x0  }
0xae: {  	s7 =	sshll.u32 s28, $0x1;
	[dreg:$0x2] =	wrdreg s5  }
0xaf: {  	[dreg:$0x3] =	wrdreg s7  }
0xb0: {  	[dreg:$0x4] =	wrdreg $0xC0  }
0xb1: {  	_ =	task [dreg:s9], $0x5FFFF  }
0xb2: {  	[dreg:$0x1] =	wrdreg $0xFFFFFFFF  }
0xb3: {  	[dreg:$0x0] =	wrdreg $0x60  }
0xb4: {  	[dreg:$0x2] =	wrdreg s24  }
0xb5: {  	[dreg:$0x3] =	wrdreg s15  }
0xb6: {  	[dreg:$0x4] =	wrdreg s16  }
0xb7: {  	[dreg:$0x5] =	wrdreg s17  }
0xb8: {  	[dreg:$0x6] =	wrdreg $0x0  }
0xb9: {  	[dreg:$0x7] =	wrdreg $0x9  }
0xba: {  	_ =	task.clear_ibuf [dreg:s9], $0x8FFFF;
	_ =	strace $0x90000046  }
0xbb: {  	s29 =	simm.s32 $0x9;
	_ =	strace $0x80000048  }
0xbc: {  	_ =	swait.ge [sflag:s29], $0x1  }
0xbd: {  	[sflag:s29] =	ssyncadd.s32 $0xFFFFFFFF  }
0xbe: {  	_ =	strace $0x90000048  }
0xbf: {  	_ =	sfence  }
0xc0: {  	s30 =	sld [smem:$0x0];
	_ =	sdelay $0x2  }
0xc1: {  	s31 =	sshll.u32 s1, $0xD;
	s1 =	sshrl.u32 s1, $0x2  }
0xc2: {  	s3 =	sand.u32 $0x4000, s31;
	s1 =	sadd.s32 s1, s30  }
0xc3: {  	s0 =	sor.u32 s3, s0;
	s1 =	sshll.u32 s1, $0x11  }
0xc4: {  	s0 =	sor.u32 s1, s0  }
0xc5: {  	s0 =	sadd.s32 $0x8F2B, s0  }
0xc6: {  	[sflag:s0] =	ssyncadd.remote.s32 $0x1  }
0xc7: {  	_ =	sfence.sel $0xFFFF  }
0xc8: {  	[dreg:$0x0] =	wrdreg $0xFFFFFFFF;
	(pc) =	sbr.abs _section_cstart, $3  }
0xc9: {  	[dreg:$0x1] =	wrdreg $0xFFFFFFFF  }
0xca: {  	_ =	task.clear_ibuf [dreg:s9], $0x2FFFF;
	_ =	strace $0x9FFFFFFF  }
0xcb: {  	(tm) =	ssettm $0x7FFFFFFF  }
tec
execute0_lowered:
.L_overlay_start_1:
0x0: {  	(tag) =	ssettag $0x1  }
0x1: {  	s0 =	rddreg [dreg:$0x0]  }
0x2: {  	s1 =	rddreg [dreg:$0x1]  }
0x3: {  	s2 =	rddreg [dreg:$0x3]  }
0x4: {  	s3 =	rddreg [dreg:$0x4]  }
0x5: {  	s4 =	simm.s32 $0x0;
	s14 =	stileid.u32;
	s5 =	srdreg.scid  }
0x6: {  	s28 =	simm.s32 $0x8900;
	s29 =	simm.s32 $0x9900;
	s30 =	simm.s32 $0x1  }
0x7: {  	s31 =	simm.s32 $0xFA0;
	[smem:$0x7FF] =	sst s4;
	s6 =	sadd.s32 $0xC4E00, s0  }
0x8: {  	s7 =	sadd.s32 $0x63200, s0;
	s10 =	smul.u32 $0x1880, s14;
	s5 =	sand.u32 $0x1, s5  }
0x9: {  	s9 =	sshll.u32 s14, $0x1;
	s8 =	sadd.s32 $0x1600, s0;
	s20 =	smul.u32 $0x3100, s14  }
0xa: {  	s21 =	sshll.u32 s14, $0x6;
	_ =	strace $0x80000047;
	s11 =	ssub.s32 $0x2, s5  }
0xb: {  	s9 =	sor.u32 s5, s9;
	s5 =	sshll.u32 s5, $0x7;
	s12 =	sshrl.u32 s10, $0x3  }
0xc: {  	s13 =	sshrl.u32 s11, $0x1;
	s9 =	smul.u32 $0x186A0, s9;
	s10 =	sadd.s32 s10, s3  }
0xd: {  	s5 =	sor.u32 s5, s20;
	s20 =	simm.s32 $0x3;
	s0 =	sadd.s32 s12, s0  }
0xe: {  	s11 =	ssub.s32 s11, s13;
	s13 =	sor.u32 $0x1C05, s21;
	s5 =	sshrl.u32 s5, $0x3  }
0xf: {  	s14 =	sshrl.u32 s10, $0x3;
	s21 =	simm.s32 $0x1900;
	s10 =	simm.s32 $0x4  }
0x10: {  	s12 =	simm.s32 $0x0;
	s0 =	sadd.s32 $0x126C00, s0;
	[dreg:$0xd] =	wrdreg s14  }
0x11: {  	s19 =	sshrl.u32 s9, $0x3;
	s25 =	sadd.s32 s2, s5;
	[dreg:$0x6] =	wrdreg s0  }
0x12: {  	s26 =	smax.u32 s11, $0x1;
	s0 =	sadd.s32 $0x2EE0, s19;
	[dreg:$0xb] =	wrdreg s25  }
0x13: {  	s5 =	simm.s32 $0x2;
	[dreg:$0xc] =	wrdreg s26;
	s22 =	sadd.s32 s6, s0  }
0x14: {  	s2 =	simm.s32 $0xA900;
	s23 =	sadd.s32 s7, s0;
	[dreg:$0x7] =	wrdreg s22  }
0x15: {  	s19 =	simm.s32 $0x5;
	s24 =	sadd.s32 s8, s0;
	[dreg:$0x8] =	wrdreg s23  }
0x16: {  	s25 =	simm.s32 $0x6900;
	s0 =	sadd.s32 s1, s0;
	[dreg:$0x9] =	wrdreg s24  }
0x17: {  	s26 =	simm.s32 $0x7900;
	[dreg:$0xa] =	wrdreg s0;
	s22 =	simm.s32 $0x2900  }
0x18: {  	s23 =	simm.s32 $0x3900;
	s24 =	simm.s32 $0x4900;
	s0 =	simm.s32 $0x5900  }
.LBB2_1:
0x19: {  	s11 =	rddreg [dreg:$0x6]  }
0x1a: {  	[spmem:s14], [sflag:s13] =	dma.local [hbm:s11], $0x310  }
0x1b: {  	_ =	swait.ge [sflag:s19], $0x310  }
0x1c: {  	[sflag:s19] =	ssyncset.done $0x0  }
0x1d: {  	[sflag:s19] =	ssyncadd.s32 $0xFFFFFCF0  }
0x1e: {  	s16 =	simm.s32 $0x1880;
	s15 =	rddreg [dreg:$0x2]  }
0x1f: {  	[tilespmem:s16], [sflag:$0x5] =	stream.linear.gather [hbm4b:s15+s4], $0x80, $0x38;
	[tilespmem:$0xB900] =	vst v63  }
0x20: {  	_ =	swait.ge [sflag:s19], $0x80  }
0x21: {  	[sflag:s19] =	ssyncset.done $0x0  }
0x22: {  	[sflag:s19] =	ssyncadd.s32 $0xFFFFFF80  }
0x23: {  	[bflag:$0x0] =	sbarrier.arrive $0xFFFF  }
0x24: {  	v0 =	vld [tilespmem:$0x1880];
	_ =	sdelay $0x4  }
0x25: {  	(v2sf) =	vpush v0, $0x1;
	_ =	sdelay $0xe  }
0x26: {  	s17 =	spop (v2sf)  }
0x27: {  	s11 =	ssub.f32 $0.0e+00, s17;
	_ =	sdelay $0x1  }
0x28: {  	s18 =	smov.u32 s13;
	s13 =	simm.s32 $0x0;
	v0 =	vbroadcast v0, $0x0;
	v1 =	vmov s11  }
.LBB2_2:
0x29: {  	s11 =	smul.u32 $0x1F40, s13;
	_ =	sdelay $0x1  }
0x2a: {  	s11 =	sadd.s32 s9, s11  }
0x2b: {  	s11 =	sshrl.u32 s11, $0x3  }
0x2c: {  	s14 =	sadd.s32 s6, s11  }
0x2d: {  	[tilespmem:s21], [sflag:$0x1] =	stream.linear.gather [hbm4b:s14+s4], $0xFA0, $0x38;
	[tilespmem:$0xB900] =	vst v63  }
0x2e: {  	s17 =	sadd.s32 s7, s11  }
0x2f: {  	[tilespmem:s22], [sflag:$0x1] =	stream.linear.gather [hbm4b:s17+s4], $0xFA0, $0x38;
	[tilespmem:$0xB900] =	vst v63  }
0x30: {  	s15 =	sadd.s32 s8, s11  }
0x31: {  	[tilespmem:s23], [sflag:$0x1] =	stream.linear.gather [hbm4b:s15+s4], $0xFA0, $0x38;
	[tilespmem:$0xB900] =	vst v63  }
0x32: {  	s16 =	sadd.s32 s1, s11;
	s11 =	sadd.s32 $0x1F4, s11  }
0x33: {  	[tilespmem:s24], [sflag:$0x1] =	stream.linear.gather [hbm4b:s16+s4], $0xFA0, $0x38;
	[tilespmem:$0xB900] =	vst v63  }
0x34: {  	s17 =	sadd.s32 s6, s11  }
0x35: {  	[tilespmem:s25], [sflag:$0x2] =	stream.linear.gather [hbm4b:s17+s4], $0xFA0, $0x38;
	[tilespmem:$0xB900] =	vst v63  }
0x36: {  	s15 =	sadd.s32 s7, s11  }
0x37: {  	[tilespmem:s26], [sflag:$0x2] =	stream.linear.gather [hbm4b:s15+s4], $0xFA0, $0x38;
	[tilespmem:$0xB900] =	vst v63  }
0x38: {  	s16 =	sadd.s32 s8, s11  }
0x39: {  	[tilespmem:s28], [sflag:$0x2] =	stream.linear.gather [hbm4b:s16+s4], $0xFA0, $0x38;
	[tilespmem:$0xB900] =	vst v63  }
0x3a: {  	s11 =	sadd.s32 s1, s11  }
0x3b: {  	[tilespmem:s29], [sflag:$0x2] =	stream.linear.gather [hbm4b:s11+s4], $0xFA0, $0x38;
	[tilespmem:$0xB900] =	vst v63  }
0x3c: {  	_ =	swait.ge [sflag:s30], $0xFA0  }
0x3d: {  	[sflag:s30] =	ssyncset.done $0x0  }
0x3e: {  	[sflag:s30] =	ssyncadd.s32 $0xFFFFF060  }
0x3f: {  	_ =	swait.ge [sflag:s30], $0xFA0  }
0x40: {  	[sflag:s30] =	ssyncset.done $0x0  }
0x41: {  	[sflag:s30] =	ssyncadd.s32 $0xFFFFF060  }
0x42: {  	_ =	swait.ge [sflag:s30], $0xFA0  }
0x43: {  	[sflag:s30] =	ssyncset.done $0x0  }
0x44: {  	[sflag:s30] =	ssyncadd.s32 $0xFFFFF060  }
0x45: {  	_ =	swait.ge [sflag:s30], $0xFA0  }
0x46: {  	[sflag:s30] =	ssyncset.done $0x0  }
0x47: {  	s17 =	simm.s32 $0x1910;
	[sflag:s30] =	ssyncadd.s32 $0xFFFFF060  }
0x48: {  	s16 =	simm.s32 $0x2910;
	v2 =	vld [tilespmem:s17+$0x0]  }
0x49: {  	v3 =	vld [tilespmem:s16+$0x0]  }
0x4a: {  	s15 =	simm.s32 $0x3910  }
0x4b: {  	v4 =	vld [tilespmem:s15+$0x0];
	_ =	sdelay $0x2  }
0x4c: {  	v2 =	vmul.f32 v2, v2;
	v3 =	vmul.f32 v3, v3  }
0x4d: {  	v5 =	vld [tilespmem:s16+$0xFFFFFFF0]  }
0x4e: {  	v6 =	vld [tilespmem:s17+$0xFFFFFFF0];
	v2 =	vadd.f32 v3, v2;
	v3 =	vmul.f32 v4, v4;
	_ =	sdelay $0x1  }
0x4f: {  	v2 =	vadd.f32 v3, v2  }
0x50: {  	v4 =	vld [tilespmem:s15+$0xFFFFFFF0]  }
0x51: {  	v3 =	vmul.f32 v5, v5;
	v2 =	vmax.f32 v2, $1.000000000e-30  }
0x52: {  	v5 =	vmul.f32 v6, v6;
	v6 =	vshra.s32 v2, $0x1;
	v7 =	vmul.f32 $5.000000000e-01, v2  }
0x53: {  	v6 =	vsub.s32 $0x5F3759DF, v6  }
0x54: {  	v3 =	vadd.f32 v3, v5;
	v5 =	vmul.f32 v6, v7  }
0x55: {  	s15 =	simm.s32 $0x2930;
	v4 =	vmul.f32 v4, v4  }
0x56: {  	s17 =	simm.s32 $0x1930;
	v8 =	vld [tilespmem:s15+$0x0];
	v5 =	vmul.f32 v6, v5  }
0x57: {  	v3 =	vadd.f32 v4, v3;
	v4 =	vld [tilespmem:s17+$0x0]  }
0x58: {  	s16 =	simm.s32 $0x3930;
	v5 =	vsub.f32 $1.500000000e+00, v5  }
0x59: {  	v11 =	vld [tilespmem:s16+$0x0]  }
0x5a: {  	v3 =	vmax.f32 v3, $1.000000000e-30;
	v5 =	vmul.f32 v6, v5  }
0x5b: {  	v13 =	vld [tilespmem:s17+$0xFFFFFFF0];
	v8 =	vmul.f32 v8, v8;
	v9 =	vshra.s32 v3, $0x1;
	v10 =	vmul.f32 $5.000000000e-01, v3  }
0x5c: {  	v9 =	vsub.s32 $0x5F3759DF, v9;
	v4 =	vmul.f32 v4, v4;
	v6 =	vld [tilespmem:s15+$0xFFFFFFF0];
	v7 =	vmul.f32 v5, v7  }
0x5d: {  	v12 =	vmul.f32 v9, v10  }
0x5e: {  	v4 =	vadd.f32 v8, v4;
	v8 =	vmul.f32 v11, v11;
	v7 =	vmul.f32 v7, v5  }
0x5f: {  	v14 =	vld [tilespmem:s16+$0xFFFFFFF0]  }
0x60: {  	v12 =	vmul.f32 v9, v12;
	v4 =	vadd.f32 v8, v4;
	v7 =	vsub.f32 $1.500000000e+00, v7  }
0x61: {  	s16 =	simm.s32 $0x3950;
	v8 =	vmul.f32 v13, v13;
	v6 =	vmul.f32 v6, v6  }
0x62: {  	v17 =	vld [tilespmem:s16+$0x0];
	v11 =	vsub.f32 $1.500000000e+00, v12;
	v58 =	vmax.f32 v4, $1.000000000e-30;
	v4 =	vmul.f32 v7, v5  }
0x63: {  	v5 =	vadd.f32 v6, v8;
	v6 =	vshra.s32 v58, $0x1;
	v7 =	vmul.f32 $5.000000000e-01, v58  }
0x64: {  	v9 =	vmul.f32 v9, v11;
	v11 =	vmul.f32 v14, v14;
	v6 =	vsub.s32 $0x5F3759DF, v6  }
0x65: {  	v8 =	vmul.f32 v6, v7  }
0x66: {  	v2 =	vmul.f32 v4, v2;
	v4 =	vmul.f32 v9, v10;
	v5 =	vadd.f32 v11, v5  }
0x67: {  	s14 =	simm.s32 $0x2950;
	v61 =	vmul.f32 v17, v17;
	v8 =	vmul.f32 v6, v8  }
0x68: {  	v60 =	vld [tilespmem:s14+$0x0];
	s17 =	simm.s32 $0x1950;
	v10 =	vmul.f32 v2, v1;
	v4 =	vmul.f32 v4, v9;
	v2 =	vmax.f32 v5, $1.000000000e-30  }
0x69: {  	v5 =	vld [tilespmem:s17+$0x0];
	v11 =	vshra.s32 v2, $0x1;
	v59 =	vmul.f32 $5.000000000e-01, v2;
	v8 =	vsub.f32 $1.500000000e+00, v8  }
0x6a: {  	v10 =	vmul.f32 $1.442695020e+00, v10;
	v11 =	vsub.s32 $0x5F3759DF, v11;
	v4 =	vsub.f32 $1.500000000e+00, v4  }
0x6b: {  	v15 =	vld [tilespmem:s14+$0xFFFFFFF0];
	v16 =	vmul.f32 v11, v59;
	v6 =	vmul.f32 v6, v8  }
0x6c: {  	(erf) = vpow2.f32 v10;
	v4 =	vmul.f32 v4, v9;
	v9 =	vld [tilespmem:s17+$0xFFFFFFF0]  }
0x6d: {  	v14 =	vmul.f32 v60, v60;
	v7 =	vmul.f32 v6, v7  }
0x6e: {  	v10 =	vld [tilespmem:s16+$0xFFFFFFF0];
	v8 =	vmul.f32 v11, v16;
	v5 =	vmul.f32 v5, v5  }
0x6f: {  	v3 =	vmul.f32 v4, v3;
	v7 =	vmul.f32 v7, v6  }
0x70: {  	v4 =	vsub.f32 $1.500000000e+00, v8;
	v8 =	vmul.f32 v15, v15;
	v5 =	vadd.f32 v14, v5  }
0x71: {  	v3 =	vmul.f32 v3, v1;
	v9 =	vmul.f32 v9, v9;
	v7 =	vsub.f32 $1.500000000e+00, v7  }
0x72: {  	v4 =	vmul.f32 v11, v4;
	v5 =	vadd.f32 v61, v5  }
0x73: {  	v10 =	vmul.f32 v10, v10;
	v11 =	vmul.f32 $1.442695020e+00, v3;
	v8 =	vadd.f32 v8, v9  }
0x74: {  	v9 =	vmul.f32 v4, v59;
	v3 =	vmax.f32 v5, $1.000000000e-30;
	v6 =	vmul.f32 v7, v6  }
0x75: {  	v62 =	vshra.s32 v3, $0x1;
	v5 =	vmul.f32 $5.000000000e-01, v3;
	v8 =	vadd.f32 v10, v8;
	v7 =	vpop (erf)  }
0x76: {  	v12 =	vmul.f32 v6, v58;
	v63 =	vmul.f32 v7, v0;
	v7 =	vsub.s32 $0x5F3759DF, v62  }
0x77: {  	s15 =	simm.s32 $0x5910;
	v9 =	vmul.f32 v9, v4;
	v10 =	vmul.f32 v7, v5  }
0x78: {  	s11 =	simm.s32 $0x1970;
	s17 =	simm.s32 $0x4;
	(erf) = vpow2.f32 v11;
	v6 =	vmax.f32 v8, $1.000000000e-30;
	v8 =	vmul.f32 v12, v1;
	[tilespmem:s15+$0x0] =	vst v63  }
.LBB2_3:
0x79: {  	v11 =	vld [tilespmem:s11+$0x0];
	v12 =	vshra.s32 v6, $0x1;
	v13 =	vmul.f32 $5.000000000e-01, v6;
	v10 =	vmul.f32 v7, v10;
	s14 =	sadd.s32 $0x20, s14  }
0x7a: {  	s17 =	sadd.s32 $0x2, s17;
	v9 =	vsub.f32 $1.500000000e+00, v9;
	v14 =	vld [tilespmem:s14+$0x0];
	v12 =	vsub.s32 $0x5F3759DF, v12;
	v8 =	vmul.f32 $1.442695020e+00, v8  }
0x7b: {  	s16 =	sadd.s32 $0x20, s16;
	p0 =	slt.u32 s17, $0xF8;
	v15 =	vld [tilespmem:s14+$0xFFFFFFF0];
	v16 =	vmul.f32 v12, v13;
	v10 =	vsub.f32 $1.500000000e+00, v10  }
0x7c: {  	v4 =	vmul.f32 v9, v4;
	v17 =	vld [tilespmem:s16+$0x0];
	(erf) = vpow2.f32 v8  }
0x7d: {  	v8 =	vld [tilespmem:s11+$0xFFFFFFF0];
	v9 =	vmul.f32 v12, v16;
	v7 =	vmul.f32 v7, v10  }
0x7e: {  	v4 =	vmul.f32 v4, v2;
	v2 =	vmov v6;
	v10 =	vld [tilespmem:s16+$0xFFFFFFF0];
	v11 =	vmul.f32 v11, v11  }
0x7f: {  	v6 =	vmul.f32 v14, v14;
	v9 =	vsub.f32 $1.500000000e+00, v9;
	v5 =	vmul.f32 v7, v5  }
0x80: {  	v14 =	vmul.f32 v15, v15;
	v15 =	vmul.f32 v4, v1  }
0x81: {  	v6 =	vadd.f32 v6, v11;
	v11 =	vmul.f32 v17, v17;
	v5 =	vmul.f32 v5, v7;
	v16 =	vpop (erf)  }
0x82: {  	v4 =	vmul.f32 v12, v9;
	v8 =	vmul.f32 v8, v8  }
0x83: {  	v9 =	vmul.f32 v10, v10;
	v6 =	vadd.f32 v11, v6;
	v5 =	vsub.f32 $1.500000000e+00, v5  }
0x84: {  	v12 =	vmul.f32 $1.442695020e+00, v15;
	v11 =	vmul.f32 v4, v13;
	v8 =	vadd.f32 v14, v8  }
.Ltmp0:
0x85: {  	v13 =	vmul.f32 v16, v0;
	v6 =	vmax.f32 v6, $1.000000000e-30;
	v10 =	vmul.f32 v5, v7;
	v7 =	vpop (erf);
	(pc) =	sbr.rel @p0 .LBB2_3-.Ltmp0, $4  }
0x86: {  	v14 =	vshra.s32 v6, $0x1;
	v5 =	vmul.f32 $5.000000000e-01, v6;
	v15 =	vmul.f32 v7, v0  }
0x87: {  	v8 =	vadd.f32 v9, v8;
	v7 =	vsub.s32 $0x5F3759DF, v14;
	v14 =	vmul.f32 v10, v3;
	[tilespmem:s15+$0xFFFFFFF0] =	vst v13;
	s15 =	sadd.s32 $0x20, s15;
	v3 =	vmovc v6  }
0x88: {  	v9 =	vmul.f32 v11, v4;
	v10 =	vmul.f32 v7, v5;
	[tilespmem:s15+$0x0] =	vst v15  }
0x89: {  	s11 =	sadd.s32 $0x20, s11;
	v6 =	vmax.f32 v8, $1.000000000e-30;
	v8 =	vmul.f32 v14, v1;
	(erf) = vpow2.f32 v12  }
0x8a: {  	v11 =	vshra.s32 v6, $0x1;
	v12 =	vmul.f32 $5.000000000e-01, v6  }
0x8b: {  	v11 =	vsub.s32 $0x5F3759DF, v11  }
0x8c: {  	v13 =	vmul.f32 v11, v12  }
0x8d: {  	v10 =	vmul.f32 v7, v10  }
0x8e: {  	v13 =	vmul.f32 v11, v13  }
0x8f: {  	v10 =	vsub.f32 $1.500000000e+00, v10  }
0x90: {  	v13 =	vsub.f32 $1.500000000e+00, v13  }
0x91: {  	v7 =	vmul.f32 v7, v10  }
0x92: {  	v10 =	vmul.f32 v11, v13  }
0x93: {  	v5 =	vmul.f32 v7, v5  }
0x94: {  	v11 =	vmul.f32 v10, v12  }
0x95: {  	v5 =	vmul.f32 v5, v7  }
0x96: {  	v9 =	vsub.f32 $1.500000000e+00, v9;
	v11 =	vmul.f32 v11, v10  }
0x97: {  	v5 =	vsub.f32 $1.500000000e+00, v5  }
0x98: {  	v4 =	vmul.f32 v9, v4;
	v9 =	vsub.f32 $1.500000000e+00, v11  }
0x99: {  	v5 =	vmul.f32 v5, v7  }
0x9a: {  	v2 =	vmul.f32 v4, v2;
	v4 =	vmul.f32 v9, v10  }
0x9b: {  	v3 =	vmul.f32 v5, v3;
	v5 =	vmul.f32 $1.442695020e+00, v8  }
0x9c: {  	v2 =	vmul.f32 v2, v1;
	v4 =	vmul.f32 v4, v6  }
0x9d: {  	v3 =	vmul.f32 v3, v1;
	(erf) = vpow2.f32 v5  }
0x9e: {  	v2 =	vmul.f32 $1.442695020e+00, v2;
	v4 =	vmul.f32 v4, v1  }
0x9f: {  	v3 =	vmul.f32 $1.442695020e+00, v3  }
0xa0: {  	(erf) = vpow2.f32 v2;
	v2 =	vmul.f32 $1.442695020e+00, v4  }
0xa1: {  	(erf) = vpow2.f32 v3  }
0xa2: {  	(erf) = vpow2.f32 v2;
	_ =	sdelay $0x2  }
0xa3: {  	v2 =	vpop (erf)  }
0xa4: {  	v3 =	vpop (erf);
	v2 =	vmul.f32 v2, v0  }
0xa5: {  	v3 =	vmul.f32 v3, v0;
	_ =	sdelay $0x1  }
0xa6: {  	v4 =	vpop (erf)  }
0xa7: {  	s11 =	sadd.s32 $0x20, s15;
	[tilespmem:s15+$0xFFFFFFF0] =	vst v2;
	v4 =	vmul.f32 v4, v0;
	v2 =	vpop (erf)  }
0xa8: {  	[tilespmem:s11+$0x0] =	vst v3;
	v2 =	vmul.f32 v2, v0;
	v3 =	vpop (erf)  }
0xa9: {  	[tilespmem:s11+$0xFFFFFFF0] =	vst v4;
	s11 =	sadd.s32 $0x20, s11;
	v3 =	vmul.f32 v3, v0  }
0xaa: {  	[tilespmem:s11+$0x0] =	vst v2  }
0xab: {  	[tilespmem:s11+$0xFFFFFFF0] =	vst v3  }
0xac: {  	[spmem:s3] =	stream.indirect.scatter.add.f32 [tilespmem:s0], [sflag:$0x3], $0x1, s24, s31, $0xb8;
	[tilespmem:$0xB900] =	vst v63  }
0xad: {  	_ =	swait.ge [sflag:s5], $0xFA0  }
0xae: {  	[sflag:s5] =	ssyncset.done $0x0  }
0xaf: {  	[sflag:s5] =	ssyncadd.s32 $0xFFFFF060  }
0xb0: {  	_ =	swait.ge [sflag:s5], $0xFA0  }
0xb1: {  	[sflag:s5] =	ssyncset.done $0x0  }
0xb2: {  	[sflag:s5] =	ssyncadd.s32 $0xFFFFF060  }
0xb3: {  	_ =	swait.ge [sflag:s5], $0xFA0  }
0xb4: {  	[sflag:s5] =	ssyncset.done $0x0  }
0xb5: {  	[sflag:s5] =	ssyncadd.s32 $0xFFFFF060  }
0xb6: {  	_ =	swait.ge [sflag:s5], $0xFA0  }
0xb7: {  	[sflag:s5] =	ssyncset.done $0x0  }
0xb8: {  	s15 =	simm.s32 $0x6910;
	[sflag:s5] =	ssyncadd.s32 $0xFFFFF060  }
0xb9: {  	s14 =	simm.s32 $0x7910;
	v2 =	vld [tilespmem:s15+$0x0]  }
0xba: {  	v3 =	vld [tilespmem:s14+$0x0]  }
0xbb: {  	s16 =	simm.s32 $0x8910  }
0xbc: {  	v4 =	vld [tilespmem:s16+$0x0];
	_ =	sdelay $0x2  }
0xbd: {  	v2 =	vmul.f32 v2, v2;
	v3 =	vmul.f32 v3, v3  }
0xbe: {  	v5 =	vld [tilespmem:s14+$0xFFFFFFF0]  }
0xbf: {  	v6 =	vld [tilespmem:s15+$0xFFFFFFF0];
	v2 =	vadd.f32 v3, v2;
	v3 =	vmul.f32 v4, v4;
	_ =	sdelay $0x1  }
0xc0: {  	v2 =	vadd.f32 v3, v2  }
0xc1: {  	v4 =	vld [tilespmem:s16+$0xFFFFFFF0]  }
0xc2: {  	v3 =	vmul.f32 v5, v5;
	v2 =	vmax.f32 v2, $1.000000000e-30  }
0xc3: {  	v5 =	vmul.f32 v6, v6;
	v6 =	vshra.s32 v2, $0x1;
	v7 =	vmul.f32 $5.000000000e-01, v2  }
0xc4: {  	v6 =	vsub.s32 $0x5F3759DF, v6  }
0xc5: {  	v3 =	vadd.f32 v3, v5;
	v5 =	vmul.f32 v6, v7  }
0xc6: {  	s15 =	simm.s32 $0x7930;
	v4 =	vmul.f32 v4, v4  }
0xc7: {  	s17 =	simm.s32 $0x6930;
	v8 =	vld [tilespmem:s15+$0x0];
	v5 =	vmul.f32 v6, v5  }
0xc8: {  	v3 =	vadd.f32 v4, v3;
	v4 =	vld [tilespmem:s17+$0x0]  }
0xc9: {  	s16 =	simm.s32 $0x8930;
	v5 =	vsub.f32 $1.500000000e+00, v5  }
0xca: {  	v11 =	vld [tilespmem:s16+$0x0]  }
0xcb: {  	v3 =	vmax.f32 v3, $1.000000000e-30;
	v5 =	vmul.f32 v6, v5  }
0xcc: {  	v57 =	vld [tilespmem:s17+$0xFFFFFFF0];
	v8 =	vmul.f32 v8, v8;
	v9 =	vshra.s32 v3, $0x1;
	v10 =	vmul.f32 $5.000000000e-01, v3  }
0xcd: {  	v9 =	vsub.s32 $0x5F3759DF, v9;
	v4 =	vmul.f32 v4, v4;
	v6 =	vld [tilespmem:s15+$0xFFFFFFF0];
	v7 =	vmul.f32 v5, v7  }
0xce: {  	v56 =	vmul.f32 v9, v10  }
0xcf: {  	v4 =	vadd.f32 v8, v4;
	v8 =	vmul.f32 v11, v11;
	v7 =	vmul.f32 v7, v5  }
0xd0: {  	v14 =	vld [tilespmem:s16+$0xFFFFFFF0]  }
0xd1: {  	v12 =	vmul.f32 v9, v56;
	v4 =	vadd.f32 v8, v4;
	v7 =	vsub.f32 $1.500000000e+00, v7  }
0xd2: {  	s16 =	simm.s32 $0x8950;
	v8 =	vmul.f32 v57, v57;
	v6 =	vmul.f32 v6, v6  }
0xd3: {  	v17 =	vld [tilespmem:s16+$0x0];
	v11 =	vsub.f32 $1.500000000e+00, v12;
	v58 =	vmax.f32 v4, $1.000000000e-30;
	v4 =	vmul.f32 v7, v5  }
0xd4: {  	v5 =	vadd.f32 v6, v8;
	v6 =	vshra.s32 v58, $0x1;
	v7 =	vmul.f32 $5.000000000e-01, v58  }
0xd5: {  	v9 =	vmul.f32 v9, v11;
	v11 =	vmul.f32 v14, v14;
	v6 =	vsub.s32 $0x5F3759DF, v6  }
0xd6: {  	v8 =	vmul.f32 v6, v7  }
0xd7: {  	v2 =	vmul.f32 v4, v2;
	v4 =	vmul.f32 v9, v10;
	v5 =	vadd.f32 v11, v5  }
0xd8: {  	s14 =	simm.s32 $0x7950;
	v61 =	vmul.f32 v17, v17;
	v8 =	vmul.f32 v6, v8  }
0xd9: {  	v60 =	vld [tilespmem:s14+$0x0];
	s17 =	simm.s32 $0x6950;
	v10 =	vmul.f32 v2, v1;
	v4 =	vmul.f32 v4, v9;
	v2 =	vmax.f32 v5, $1.000000000e-30  }
0xda: {  	v5 =	vld [tilespmem:s17+$0x0];
	v11 =	vshra.s32 v2, $0x1;
	v59 =	vmul.f32 $5.000000000e-01, v2;
	v8 =	vsub.f32 $1.500000000e+00, v8  }
0xdb: {  	v10 =	vmul.f32 $1.442695020e+00, v10;
	v11 =	vsub.s32 $0x5F3759DF, v11;
	v4 =	vsub.f32 $1.500000000e+00, v4  }
0xdc: {  	v15 =	vld [tilespmem:s14+$0xFFFFFFF0];
	v16 =	vmul.f32 v11, v59;
	v6 =	vmul.f32 v6, v8  }
0xdd: {  	(erf) = vpow2.f32 v10;
	v4 =	vmul.f32 v4, v9;
	v9 =	vld [tilespmem:s17+$0xFFFFFFF0]  }
0xde: {  	v14 =	vmul.f32 v60, v60;
	v7 =	vmul.f32 v6, v7  }
0xdf: {  	v10 =	vld [tilespmem:s16+$0xFFFFFFF0];
	v8 =	vmul.f32 v11, v16;
	v5 =	vmul.f32 v5, v5  }
0xe0: {  	v3 =	vmul.f32 v4, v3;
	v7 =	vmul.f32 v7, v6  }
0xe1: {  	v4 =	vsub.f32 $1.500000000e+00, v8;
	v8 =	vmul.f32 v15, v15;
	v5 =	vadd.f32 v14, v5  }
0xe2: {  	v3 =	vmul.f32 v3, v1;
	v9 =	vmul.f32 v9, v9;
	v7 =	vsub.f32 $1.500000000e+00, v7  }
0xe3: {  	v4 =	vmul.f32 v11, v4;
	v5 =	vadd.f32 v61, v5  }
0xe4: {  	v10 =	vmul.f32 v10, v10;
	v11 =	vmul.f32 $1.442695020e+00, v3;
	v8 =	vadd.f32 v8, v9  }
0xe5: {  	v9 =	vmul.f32 v4, v59;
	v3 =	vmax.f32 v5, $1.000000000e-30;
	v6 =	vmul.f32 v7, v6  }
0xe6: {  	v62 =	vshra.s32 v3, $0x1;
	v5 =	vmul.f32 $5.000000000e-01, v3;
	v8 =	vadd.f32 v10, v8;
	v7 =	vpop (erf)  }
0xe7: {  	v12 =	vmul.f32 v6, v58;
	v63 =	vmul.f32 v7, v0;
	v7 =	vsub.s32 $0x5F3759DF, v62  }
0xe8: {  	s15 =	simm.s32 $0xA910;
	v9 =	vmul.f32 v9, v4;
	v10 =	vmul.f32 v7, v5  }
0xe9: {  	s11 =	simm.s32 $0x6970;
	s17 =	simm.s32 $0x4;
	(erf) = vpow2.f32 v11;
	v6 =	vmax.f32 v8, $1.000000000e-30;
	v8 =	vmul.f32 v12, v1;
	[tilespmem:s15+$0x0] =	vst v63  }
.LBB2_5:
0xea: {  	v11 =	vld [tilespmem:s11+$0x0];
	v12 =	vshra.s32 v6, $0x1;
	v13 =	vmul.f32 $5.000000000e-01, v6;
	v10 =	vmul.f32 v7, v10;
	s14 =	sadd.s32 $0x20, s14  }
0xeb: {  	s17 =	sadd.s32 $0x2, s17;
	v9 =	vsub.f32 $1.500000000e+00, v9;
	v14 =	vld [tilespmem:s14+$0x0];
	v12 =	vsub.s32 $0x5F3759DF, v12;
	v8 =	vmul.f32 $1.442695020e+00, v8  }
0xec: {  	s16 =	sadd.s32 $0x20, s16;
	p0 =	slt.u32 s17, $0xF8;
	v15 =	vld [tilespmem:s14+$0xFFFFFFF0];
	v16 =	vmul.f32 v12, v13;
	v10 =	vsub.f32 $1.500000000e+00, v10  }
0xed: {  	v4 =	vmul.f32 v9, v4;
	v17 =	vld [tilespmem:s16+$0x0];
	(erf) = vpow2.f32 v8  }
0xee: {  	v8 =	vld [tilespmem:s11+$0xFFFFFFF0];
	v9 =	vmul.f32 v12, v16;
	v7 =	vmul.f32 v7, v10  }
0xef: {  	v4 =	vmul.f32 v4, v2;
	v2 =	vmov v6;
	v10 =	vld [tilespmem:s16+$0xFFFFFFF0];
	v11 =	vmul.f32 v11, v11  }
0xf0: {  	v6 =	vmul.f32 v14, v14;
	v9 =	vsub.f32 $1.500000000e+00, v9;
	v5 =	vmul.f32 v7, v5  }
0xf1: {  	v14 =	vmul.f32 v15, v15;
	v15 =	vmul.f32 v4, v1  }
0xf2: {  	v6 =	vadd.f32 v6, v11;
	v11 =	vmul.f32 v17, v17;
	v5 =	vmul.f32 v5, v7;
	v16 =	vpop (erf)  }
0xf3: {  	v4 =	vmul.f32 v12, v9;
	v8 =	vmul.f32 v8, v8  }
0xf4: {  	v9 =	vmul.f32 v10, v10;
	v6 =	vadd.f32 v11, v6;
	v5 =	vsub.f32 $1.500000000e+00, v5  }
0xf5: {  	v12 =	vmul.f32 $1.442695020e+00, v15;
	v11 =	vmul.f32 v4, v13;
	v8 =	vadd.f32 v14, v8  }
.Ltmp1:
0xf6: {  	v13 =	vmul.f32 v16, v0;
	v6 =	vmax.f32 v6, $1.000000000e-30;
	v10 =	vmul.f32 v5, v7;
	v7 =	vpop (erf);
	(pc) =	sbr.rel @p0 .LBB2_5-.Ltmp1, $4  }
0xf7: {  	v14 =	vshra.s32 v6, $0x1;
	v5 =	vmul.f32 $5.000000000e-01, v6;
	v15 =	vmul.f32 v7, v0  }
0xf8: {  	v8 =	vadd.f32 v9, v8;
	v7 =	vsub.s32 $0x5F3759DF, v14;
	v14 =	vmul.f32 v10, v3;
	[tilespmem:s15+$0xFFFFFFF0] =	vst v13;
	s15 =	sadd.s32 $0x20, s15;
	v3 =	vmovc v6  }
0xf9: {  	v9 =	vmul.f32 v11, v4;
	v10 =	vmul.f32 v7, v5;
	[tilespmem:s15+$0x0] =	vst v15  }
0xfa: {  	s11 =	sadd.s32 $0x20, s11;
	v6 =	vmax.f32 v8, $1.000000000e-30;
	v8 =	vmul.f32 v14, v1;
	(erf) = vpow2.f32 v12  }
0xfb: {  	v11 =	vshra.s32 v6, $0x1;
	v12 =	vmul.f32 $5.000000000e-01, v6  }
0xfc: {  	v11 =	vsub.s32 $0x5F3759DF, v11  }
0xfd: {  	v13 =	vmul.f32 v11, v12  }
0xfe: {  	v10 =	vmul.f32 v7, v10  }
0xff: {  	v13 =	vmul.f32 v11, v13  }
0x100: {  	v10 =	vsub.f32 $1.500000000e+00, v10  }
0x101: {  	v13 =	vsub.f32 $1.500000000e+00, v13  }
0x102: {  	v58 =	vmul.f32 v7, v10  }
0x103: {  	v59 =	vmul.f32 v11, v13  }
0x104: {  	v5 =	vmul.f32 v58, v5  }
0x105: {  	v11 =	vmul.f32 v59, v12  }
0x106: {  	v5 =	vmul.f32 v5, v58  }
0x107: {  	v9 =	vsub.f32 $1.500000000e+00, v9;
	v11 =	vmul.f32 v11, v59  }
0x108: {  	v5 =	vsub.f32 $1.500000000e+00, v5  }
0x109: {  	v4 =	vmul.f32 v9, v4;
	v60 =	vsub.f32 $1.500000000e+00, v11  }
0x10a: {  	v5 =	vmul.f32 v5, v58  }
0x10b: {  	v2 =	vmul.f32 v4, v2;
	v61 =	vmul.f32 v60, v59  }
0x10c: {  	v62 =	vmul.f32 $1.442695020e+00, v8;
	v3 =	vmul.f32 v5, v3  }
0x10d: {  	v2 =	vmul.f32 v2, v1;
	v4 =	vmul.f32 v61, v6  }
0x10e: {  	(erf) = vpow2.f32 v62;
	v3 =	vmul.f32 v3, v1  }
0x10f: {  	v2 =	vmul.f32 $1.442695020e+00, v2;
	v4 =	vmul.f32 v4, v1  }
0x110: {  	v3 =	vmul.f32 $1.442695020e+00, v3  }
0x111: {  	(erf) = vpow2.f32 v2;
	v2 =	vmul.f32 $1.442695020e+00, v4  }
0x112: {  	(erf) = vpow2.f32 v3  }
0x113: {  	(erf) = vpow2.f32 v2;
	_ =	sdelay $0x2  }
0x114: {  	v2 =	vpop (erf)  }
0x115: {  	v3 =	vpop (erf);
	v2 =	vmul.f32 v2, v0  }
0x116: {  	v3 =	vmul.f32 v3, v0;
	_ =	sdelay $0x1  }
0x117: {  	v63 =	vpop (erf)  }
0x118: {  	s11 =	sadd.s32 $0x20, s15;
	[tilespmem:s15+$0xFFFFFFF0] =	vst v2;
	v4 =	vmul.f32 v63, v0;
	v2 =	vpop (erf)  }
0x119: {  	[tilespmem:s11+$0x0] =	vst v3;
	v2 =	vmul.f32 v2, v0;
	v3 =	vpop (erf)  }
0x11a: {  	[tilespmem:s11+$0xFFFFFFF0] =	vst v4;
	s11 =	sadd.s32 $0x20, s11;
	v3 =	vmul.f32 v3, v0  }
0x11b: {  	[tilespmem:s11+$0x0] =	vst v2  }
0x11c: {  	s13 =	sadd.s32 $0x1, s13;
	[tilespmem:s11+$0xFFFFFFF0] =	vst v3  }
0x11d: {  	[spmem:s3] =	stream.indirect.scatter.add.f32 [tilespmem:s2], [sflag:$0x4], $0x1, s29, s31, $0xb8;
	[tilespmem:$0xB900] =	vst v63  }
0x11e: {  	p0 =	sne.s32 s13, $0xC;
	_ =	swait.ge [sflag:s20], $0xFA0  }
.Ltmp2:
0x11f: {  	[sflag:s20] =	ssyncset.done $0x0;
	(pc) =	sbr.rel @p0 .LBB2_2-.Ltmp2, $4  }
0x120: {  	[sflag:s20] =	ssyncadd.s32 $0xFFFFF060  }
0x121: {  	_ =	swait.ge [sflag:s10], $0xFA0  }
0x122: {  	[sflag:s10] =	ssyncset.done $0x0  }
0x123: {  	[sflag:s10] =	ssyncadd.s32 $0xFFFFF060  }
0x124: {  	s11 =	rddreg [dreg:$0x7]  }
0x125: {  	[tilespmem:s21], [sflag:$0x1] =	stream.linear.gather [hbm4b:s11+s4], $0xFA0, $0x38;
	[tilespmem:$0xB900] =	vst v63  }
0x126: {  	s14 =	rddreg [dreg:$0x8]  }
0x127: {  	[tilespmem:s22], [sflag:$0x1] =	stream.linear.gather [hbm4b:s14+s4], $0xFA0, $0x38;
	[tilespmem:$0xB900] =	vst v63  }
0x128: {  	s15 =	rddreg [dreg:$0x9]  }
0x129: {  	[tilespmem:s23], [sflag:$0x1] =	stream.linear.gather [hbm4b:s15+s4], $0xFA0, $0x38;
	[tilespmem:$0xB900] =	vst v63  }
0x12a: {  	s16 =	rddreg [dreg:$0xa]  }
0x12b: {  	[tilespmem:s24], [sflag:$0x1] =	stream.linear.gather [hbm4b:s16+s4], $0xFA0, $0x38;
	[tilespmem:$0xB900] =	vst v63  }
0x12c: {  	_ =	swait.ge [sflag:s30], $0xFA0  }
0x12d: {  	[sflag:s30] =	ssyncset.done $0x0  }
0x12e: {  	[sflag:s30] =	ssyncadd.s32 $0xFFFFF060  }
0x12f: {  	_ =	swait.ge [sflag:s30], $0xFA0  }
0x130: {  	[sflag:s30] =	ssyncset.done $0x0  }
0x131: {  	[sflag:s30] =	ssyncadd.s32 $0xFFFFF060  }
0x132: {  	_ =	swait.ge [sflag:s30], $0xFA0  }
0x133: {  	[sflag:s30] =	ssyncset.done $0x0  }
0x134: {  	[sflag:s30] =	ssyncadd.s32 $0xFFFFF060  }
0x135: {  	_ =	swait.ge [sflag:s30], $0xFA0  }
0x136: {  	[sflag:s30] =	ssyncset.done $0x0  }
0x137: {  	s17 =	simm.s32 $0x1910;
	[sflag:s30] =	ssyncadd.s32 $0xFFFFF060  }
0x138: {  	s13 =	simm.s32 $0x2910;
	v2 =	vld [tilespmem:s17+$0x0]  }
0x139: {  	v3 =	vld [tilespmem:s13+$0x0]  }
0x13a: {  	s14 =	simm.s32 $0x3910  }
0x13b: {  	v4 =	vld [tilespmem:s14+$0x0];
	_ =	sdelay $0x2  }
0x13c: {  	v2 =	vmul.f32 v2, v2;
	v3 =	vmul.f32 v3, v3  }
0x13d: {  	v5 =	vld [tilespmem:s13+$0xFFFFFFF0]  }
0x13e: {  	v6 =	vld [tilespmem:s17+$0xFFFFFFF0];
	v2 =	vadd.f32 v3, v2;
	v3 =	vmul.f32 v4, v4;
	_ =	sdelay $0x1  }
0x13f: {  	v2 =	vadd.f32 v3, v2  }
0x140: {  	v4 =	vld [tilespmem:s14+$0xFFFFFFF0]  }
0x141: {  	v3 =	vmul.f32 v5, v5;
	v2 =	vmax.f32 v2, $1.000000000e-30  }
0x142: {  	v5 =	vmul.f32 v6, v6;
	v6 =	vshra.s32 v2, $0x1;
	v7 =	vmul.f32 $5.000000000e-01, v2  }
0x143: {  	v6 =	vsub.s32 $0x5F3759DF, v6  }
0x144: {  	v3 =	vadd.f32 v3, v5;
	v5 =	vmul.f32 v6, v7  }
0x145: {  	s15 =	simm.s32 $0x2930;
	v4 =	vmul.f32 v4, v4  }
0x146: {  	v8 =	vld [tilespmem:s15+$0x0];
	s14 =	simm.s32 $0x1930;
	v5 =	vmul.f32 v6, v5  }
0x147: {  	v3 =	vadd.f32 v4, v3;
	v4 =	vld [tilespmem:s14+$0x0]  }
0x148: {  	s16 =	simm.s32 $0x3930;
	v5 =	vsub.f32 $1.500000000e+00, v5  }
0x149: {  	v11 =	vld [tilespmem:s16+$0x0]  }
0x14a: {  	v3 =	vmax.f32 v3, $1.000000000e-30;
	v5 =	vmul.f32 v6, v5  }
0x14b: {  	v8 =	vmul.f32 v8, v8;
	v13 =	vld [tilespmem:s14+$0xFFFFFFF0];
	v9 =	vshra.s32 v3, $0x1;
	v10 =	vmul.f32 $5.000000000e-01, v3  }
0x14c: {  	v9 =	vsub.s32 $0x5F3759DF, v9;
	v4 =	vmul.f32 v4, v4;
	v6 =	vld [tilespmem:s15+$0xFFFFFFF0];
	v7 =	vmul.f32 v5, v7  }
0x14d: {  	v12 =	vmul.f32 v9, v10  }
0x14e: {  	v4 =	vadd.f32 v8, v4;
	v8 =	vmul.f32 v11, v11;
	v7 =	vmul.f32 v7, v5  }
0x14f: {  	v14 =	vld [tilespmem:s16+$0xFFFFFFF0]  }
0x150: {  	v12 =	vmul.f32 v9, v12;
	v4 =	vadd.f32 v8, v4;
	v7 =	vsub.f32 $1.500000000e+00, v7  }
0x151: {  	s13 =	simm.s32 $0x2950;
	v8 =	vmul.f32 v13, v13;
	v6 =	vmul.f32 v6, v6  }
0x152: {  	v60 =	vld [tilespmem:s13+$0x0];
	v11 =	vsub.f32 $1.500000000e+00, v12;
	v58 =	vmax.f32 v4, $1.000000000e-30;
	v4 =	vmul.f32 v7, v5  }
0x153: {  	v5 =	vadd.f32 v6, v8;
	v6 =	vshra.s32 v58, $0x1;
	v7 =	vmul.f32 $5.000000000e-01, v58  }
0x154: {  	v9 =	vmul.f32 v9, v11;
	v11 =	vmul.f32 v14, v14;
	v6 =	vsub.s32 $0x5F3759DF, v6  }
0x155: {  	v8 =	vmul.f32 v6, v7  }
0x156: {  	v2 =	vmul.f32 v4, v2;
	v4 =	vmul.f32 v9, v10;
	v5 =	vadd.f32 v11, v5  }
0x157: {  	s15 =	simm.s32 $0x3950;
	v14 =	vmul.f32 v60, v60;
	v8 =	vmul.f32 v6, v8  }
0x158: {  	s17 =	simm.s32 $0x1950;
	v17 =	vld [tilespmem:s15+$0x0];
	v10 =	vmul.f32 v2, v1;
	v4 =	vmul.f32 v4, v9;
	v2 =	vmax.f32 v5, $1.000000000e-30  }
0x159: {  	v5 =	vld [tilespmem:s17+$0x0];
	v11 =	vshra.s32 v2, $0x1;
	v59 =	vmul.f32 $5.000000000e-01, v2;
	v8 =	vsub.f32 $1.500000000e+00, v8  }
0x15a: {  	v10 =	vmul.f32 $1.442695020e+00, v10;
	v11 =	vsub.s32 $0x5F3759DF, v11;
	v4 =	vsub.f32 $1.500000000e+00, v4  }
0x15b: {  	v15 =	vld [tilespmem:s13+$0xFFFFFFF0];
	v16 =	vmul.f32 v11, v59;
	v6 =	vmul.f32 v6, v8  }
0x15c: {  	(erf) = vpow2.f32 v10;
	v4 =	vmul.f32 v4, v9;
	v9 =	vld [tilespmem:s17+$0xFFFFFFF0]  }
0x15d: {  	v61 =	vmul.f32 v17, v17;
	v7 =	vmul.f32 v6, v7  }
0x15e: {  	v10 =	vld [tilespmem:s15+$0xFFFFFFF0];
	v8 =	vmul.f32 v11, v16;
	v5 =	vmul.f32 v5, v5  }
0x15f: {  	v3 =	vmul.f32 v4, v3;
	v7 =	vmul.f32 v7, v6  }
0x160: {  	v4 =	vsub.f32 $1.500000000e+00, v8;
	v8 =	vmul.f32 v15, v15;
	v5 =	vadd.f32 v14, v5  }
0x161: {  	v3 =	vmul.f32 v3, v1;
	v9 =	vmul.f32 v9, v9;
	v7 =	vsub.f32 $1.500000000e+00, v7  }
0x162: {  	v4 =	vmul.f32 v11, v4;
	v5 =	vadd.f32 v61, v5  }
0x163: {  	v10 =	vmul.f32 v10, v10;
	v11 =	vmul.f32 $1.442695020e+00, v3;
	v8 =	vadd.f32 v8, v9  }
0x164: {  	v9 =	vmul.f32 v4, v59;
	v3 =	vmax.f32 v5, $1.000000000e-30;
	v6 =	vmul.f32 v7, v6  }
0x165: {  	v62 =	vshra.s32 v3, $0x1;
	v5 =	vmul.f32 $5.000000000e-01, v3;
	v8 =	vadd.f32 v10, v8;
	v7 =	vpop (erf)  }
0x166: {  	v12 =	vmul.f32 v6, v58;
	v63 =	vmul.f32 v7, v0;
	v7 =	vsub.s32 $0x5F3759DF, v62  }
0x167: {  	s14 =	simm.s32 $0x5910;
	v9 =	vmul.f32 v9, v4;
	v10 =	vmul.f32 v7, v5  }
0x168: {  	s11 =	simm.s32 $0x1970;
	s16 =	simm.s32 $0x4;
	(erf) = vpow2.f32 v11;
	v6 =	vmax.f32 v8, $1.000000000e-30;
	v8 =	vmul.f32 v12, v1;
	[tilespmem:s14+$0x0] =	vst v63  }
.LBB2_8:
0x169: {  	v11 =	vld [tilespmem:s11+$0x0];
	v12 =	vshra.s32 v6, $0x1;
	v13 =	vmul.f32 $5.000000000e-01, v6;
	v10 =	vmul.f32 v7, v10;
	s13 =	sadd.s32 $0x20, s13  }
0x16a: {  	s16 =	sadd.s32 $0x2, s16;
	v9 =	vsub.f32 $1.500000000e+00, v9;
	v14 =	vld [tilespmem:s13+$0x0];
	v12 =	vsub.s32 $0x5F3759DF, v12;
	v8 =	vmul.f32 $1.442695020e+00, v8  }
0x16b: {  	s15 =	sadd.s32 $0x20, s15;
	p0 =	slt.u32 s16, $0xF8;
	v15 =	vld [tilespmem:s13+$0xFFFFFFF0];
	v16 =	vmul.f32 v12, v13;
	v10 =	vsub.f32 $1.500000000e+00, v10  }
0x16c: {  	v4 =	vmul.f32 v9, v4;
	v17 =	vld [tilespmem:s15+$0x0];
	(erf) = vpow2.f32 v8  }
0x16d: {  	v8 =	vld [tilespmem:s11+$0xFFFFFFF0];
	v9 =	vmul.f32 v12, v16;
	v7 =	vmul.f32 v7, v10  }
0x16e: {  	v4 =	vmul.f32 v4, v2;
	v2 =	vmov v6;
	v10 =	vld [tilespmem:s15+$0xFFFFFFF0];
	v11 =	vmul.f32 v11, v11  }
0x16f: {  	v6 =	vmul.f32 v14, v14;
	v9 =	vsub.f32 $1.500000000e+00, v9;
	v5 =	vmul.f32 v7, v5  }
0x170: {  	v14 =	vmul.f32 v15, v15;
	v15 =	vmul.f32 v4, v1  }
0x171: {  	v6 =	vadd.f32 v6, v11;
	v11 =	vmul.f32 v17, v17;
	v5 =	vmul.f32 v5, v7;
	v16 =	vpop (erf)  }
0x172: {  	v4 =	vmul.f32 v12, v9;
	v8 =	vmul.f32 v8, v8  }
0x173: {  	v9 =	vmul.f32 v10, v10;
	v6 =	vadd.f32 v11, v6;
	v5 =	vsub.f32 $1.500000000e+00, v5  }
0x174: {  	v12 =	vmul.f32 $1.442695020e+00, v15;
	v11 =	vmul.f32 v4, v13;
	v8 =	vadd.f32 v14, v8  }
.Ltmp3:
0x175: {  	v13 =	vmul.f32 v16, v0;
	v6 =	vmax.f32 v6, $1.000000000e-30;
	v10 =	vmul.f32 v5, v7;
	v7 =	vpop (erf);
	(pc) =	sbr.rel @p0 .LBB2_8-.Ltmp3, $4  }
0x176: {  	v14 =	vshra.s32 v6, $0x1;
	v5 =	vmul.f32 $5.000000000e-01, v6;
	v15 =	vmul.f32 v7, v0  }
0x177: {  	v8 =	vadd.f32 v9, v8;
	v7 =	vsub.s32 $0x5F3759DF, v14;
	v14 =	vmul.f32 v10, v3;
	[tilespmem:s14+$0xFFFFFFF0] =	vst v13;
	s14 =	sadd.s32 $0x20, s14;
	v3 =	vmovc v6  }
0x178: {  	v9 =	vmul.f32 v11, v4;
	v10 =	vmul.f32 v7, v5;
	[tilespmem:s14+$0x0] =	vst v15  }
0x179: {  	s11 =	sadd.s32 $0x20, s11;
	v6 =	vmax.f32 v8, $1.000000000e-30;
	v8 =	vmul.f32 v14, v1;
	(erf) = vpow2.f32 v12  }
0x17a: {  	v11 =	vshra.s32 v6, $0x1;
	v12 =	vmul.f32 $5.000000000e-01, v6  }
0x17b: {  	v11 =	vsub.s32 $0x5F3759DF, v11  }
0x17c: {  	v13 =	vmul.f32 v11, v12  }
0x17d: {  	v10 =	vmul.f32 v7, v10  }
0x17e: {  	v13 =	vmul.f32 v11, v13  }
0x17f: {  	v10 =	vsub.f32 $1.500000000e+00, v10  }
0x180: {  	v13 =	vsub.f32 $1.500000000e+00, v13  }
0x181: {  	v52 =	vmul.f32 v7, v10  }
0x182: {  	v53 =	vmul.f32 v11, v13  }
0x183: {  	v5 =	vmul.f32 v52, v5  }
0x184: {  	v11 =	vmul.f32 v53, v12  }
0x185: {  	v5 =	vmul.f32 v5, v52  }
0x186: {  	v9 =	vsub.f32 $1.500000000e+00, v9;
	v11 =	vmul.f32 v11, v53  }
0x187: {  	v5 =	vsub.f32 $1.500000000e+00, v5  }
0x188: {  	v4 =	vmul.f32 v9, v4;
	v54 =	vsub.f32 $1.500000000e+00, v11  }
0x189: {  	v5 =	vmul.f32 v5, v52  }
0x18a: {  	v2 =	vmul.f32 v4, v2;
	v55 =	vmul.f32 v54, v53  }
0x18b: {  	v56 =	vmul.f32 $1.442695020e+00, v8;
	v3 =	vmul.f32 v5, v3  }
0x18c: {  	v2 =	vmul.f32 v2, v1;
	v4 =	vmul.f32 v55, v6  }
0x18d: {  	(erf) = vpow2.f32 v56;
	v3 =	vmul.f32 v3, v1  }
0x18e: {  	v2 =	vmul.f32 $1.442695020e+00, v2;
	v57 =	vmul.f32 v4, v1  }
0x18f: {  	v3 =	vmul.f32 $1.442695020e+00, v3  }
0x190: {  	(erf) = vpow2.f32 v2;
	v1 =	vmul.f32 $1.442695020e+00, v57  }
0x191: {  	(erf) = vpow2.f32 v3  }
0x192: {  	(erf) = vpow2.f32 v1;
	_ =	sdelay $0x3  }
0x193: {  	v58 =	vpop (erf)  }
0x194: {  	v59 =	vpop (erf)  }
0x195: {  	v2 =	vmul.f32 v59, v0  }
0x196: {  	s11 =	sadd.s32 $0x20, s14;
	v60 =	vpop (erf);
	v1 =	vmul.f32 v58, v0  }
0x197: {  	[tilespmem:s11+$0x0] =	vst v2;
	v3 =	vmul.f32 v60, v0;
	v61 =	vpop (erf)  }
0x198: {  	[tilespmem:s14+$0xFFFFFFF0] =	vst v1;
	v1 =	vmul.f32 v61, v0;
	v62 =	vpop (erf)  }
0x199: {  	[tilespmem:s11+$0xFFFFFFF0] =	vst v3;
	s11 =	sadd.s32 $0x20, s11;
	v63 =	vmul.f32 v62, v0  }
0x19a: {  	[tilespmem:s11+$0x0] =	vst v1  }
0x19b: {  	[tilespmem:s11+$0xFFFFFFF0] =	vst v63  }
0x19c: {  	[spmem:s3] =	stream.indirect.scatter.add.f32 [tilespmem:s0], [sflag:$0x3], $0x1, s24, s31, $0xb8;
	[tilespmem:$0xB900] =	vst v63  }
0x19d: {  	_ =	swait.ge [sflag:s20], $0xFA0  }
0x19e: {  	[sflag:s20] =	ssyncset.done $0x0  }
0x19f: {  	[sflag:s20] =	ssyncadd.s32 $0xFFFFF060  }
0x1a0: {  	[bflag:$0x0] =	sbarrier.arrive $0xFFFF  }
0x1a1: {  	s17 =	rddreg [dreg:$0xb]  }
0x1a2: {  	s15 =	simm.s32 $0x20;
	s16 =	simm.s32 $0x10;
	s14 =	rddreg [dreg:$0xd]  }
0x1a3: {  	[hbm:s17@s15], [sflag:s18] =	dma.strided [spmem:s14@s16], $0x310, s30, $0x10   }
0x1a4: {  	_ =	swait.ge [sflag:s19], $0x310  }
0x1a5: {  	s13 =	smov.u32 s18;
	s12 =	sadd.s32 $0x1, s12;
	s18 =	rddreg [dreg:$0xc]  }
0x1a6: {  	p0 =	sne.s32 s12, s18  }
.Ltmp4:
0x1a7: {  	_ = 	snop;
	(pc) =	sbr.rel @p0 .LBB2_1-.Ltmp4, $3  }
0x1a8: {  	_ =	sdelay $0x1  }
0x1a9: {  	[sflag:s19] =	ssyncset.done $0x0  }
0x1aa: {  	[sflag:s19] =	ssyncadd.s32 $0xFFFFFCF0  }
0x1ab: {  	_ =	sfence.sel $0x180000  }
0x1ac: {  	[bflag:$0x0] =	sbarrier.arrive $0xFFFF  }
0x1ad: {  	_ =	strace $0x90000047  }
0x1ae: {  	s0 =	stileid.u32;
	[bflag:$0x2] =	sbarrier.arrive $0xFFFF  }
0x1af: {  	p0 =	sne.s32 s0, $0x0;
	s0 =	rddreg [dreg:$0x5]  }
0x1b0: {  	s0 =	sadd.s32 @!p0 $0x100000, s0  }
0x1b1: {  	[sflag:s0] =	ssyncadd.tile.s32 @!p0 $0x1;
	_ =	shalt  }
.Lfunc_end2:
_tile_overlayer_lowered:
.L_overlay_start_2:
0x1b2: {  	(tag) =	ssettag $0x2  }
0x1b3: {  	s0 =	rddreg [dreg:$0x0];
	s2 =	stileid.u32  }
0x1b4: {  	s1 =	rddreg [dreg:$0x1];
	p0 =	sne.s32 s2, $0x0  }
0x1b5: {  	s3 =	rddreg [dreg:$0x2];
	[bflag:$0x3] =	sbarrier.arrive $0xFFFF;
	s2 =	simm.s32 @!p0 $0x1C05  }
0x1b6: {  	[timem:s3], [sflag:s2] =	dma.local @!p0 [hbm:s0], s1  }
0x1b7: {  	s0 =	simm.s32 @!p0 $0x5  }
0x1b8: {  	_ =	swait.ge @!p0 [sflag:s0], s1  }
0x1b9: {  	s1 =	ssub.s32 @!p0 $0x0, s1;
	[sflag:s0] =	ssyncset.done @!p0 $0x0  }
0x1ba: {  	[sflag:s0] =	ssyncadd.s32 @!p0 s1  }
0x1bb: {  	[bflag:$0x3] =	sbarrier.arrive $0xFFFF  }
0x1bc: {  	_ =	shalt  }

// kernel: kernel.8.cloned.1.call-start
scs
__scs_entry_jumppad:
0x0: {  	(pc) =	sbr.rel $0x88, $3  }
0x1: {  	(tag) =	ssettag $0x0;
	lr =	simm.s32 $0x1  }
0x2: {  	[smem:$0x3F99] =	sst lr;
	_ =	strace $0xD0000000  }
0x3: {  	_ = 	snop  }
0x4: {  	_ = 	snop  }
0x5: {  	_ = 	snop  }
0x6: {  	_ = 	snop  }
0x7: {  	_ = 	snop  }
__scs_overlays_trampoline_lowered:
0x8: {  	[smem:$0x3FA8] =	sst s0  }
0x9: {  	[smem:$0x3FA9] =	sst s1  }
0xa: {  	[smem:$0x3FAA] =	sst s2  }
0xb: {  	[smem:$0x3FAB] =	sst s3  }
0xc: {  	[smem:$0x3FAC] =	sst s4  }
0xd: {  	[smem:$0x3FAD] =	sst s5  }
0xe: {  	[smem:$0x3FAE] =	sst s6  }
0xf: {  	[smem:$0x3FAF] =	sst s7  }
0x10: {  	[smem:$0x3FB0] =	sst s8  }
0x11: {  	[smem:$0x3FB1] =	sst s9;
	s0 =	simm.s32 @!p0 $0x0  }
0x12: {  	s1 =	sld [smem:$0x3F97];
	s0 =	simm.s32 @p0 $0x1  }
0x13: {  	[smem:$0x3FB2] =	sst s0;
	s0 =	simm.s32 @!p1 $0x0  }
0x14: {  	s2 =	sld [smem:$0x3F96];
	s0 =	simm.s32 @p1 $0x1  }
0x15: {  	[smem:$0x3FB3] =	sst s0;
	s0 =	simm.s32 @!p2 $0x0  }
0x16: {  	s3 =	sld [smem:$0x3FDB];
	s0 =	simm.s32 @p2 $0x1  }
0x17: {  	s4 =	simm.s32 $0x1BF5;
	[smem:$0x3FB5] =	sst s0  }
0x18: {  	s0 =	sld [smem:$0x3F98];
	_ =	swait.ge [sflag:s4], $0x0  }
0x19: {  	s7 =	sld [smem:$0x3F99]  }
0x1a: {  	s8 =	sadd.s32 $0xFFFFE003, lr  }
0x1b: {  	s9 =	sadd.s32 $0xFFFFFEF7, lr;
	s5 =	simm.s32 $0xFFFFFFFF;
	p2 =	slt.u32 s8, $0xFFFFF086  }
0x1c: {  	p1 =	slt.u32 s9, $0xF7A;
	s5 =	simm.s32 @!p2 $0x0  }
0x1d: {  	s5 =	simm.s32 @p1 $0x1;
	p0 =	seq.s32 s7, s2  }
0x1e: {  	s7 =	smul.u32 @!p0 $0xF7A, s2;
	p2 =	seq.s32 @!p0 s5, $0x0  }
0x1f: {  	s9 =	smul.u32 $0xF7A, s1;
	s8 =	simm.s32 @!p0 $0x1BF5;
	p2 =	por !p2, p0  }
0x20: {  	[sflag:s8] =	ssyncset.s32 @!p0 $0xFFFFF086;
	s6 =	sadd.s32 @!p0 s3, s7;
	s7 =	simm.s32 @!p0 $0x108  }
0x21: {  	s3 =	sadd.s32 s3, s9;
	s6 =	sadd.s32 @!p0 $0x88, s6;
	s7 =	simm.s32 @p2 $0x1082  }
0x22: {  	[simem:s7], [sflag:s8] =	dma.local @!p0 [hbm:s6], $0xF7A  }
0x23: {  	s9 =	sor.u32 $0xD0000000, s2;
	s6 =	simm.s32 $0x108;
	_ =	swait.ge @!p0 [sflag:s8], $0x0  }
0x24: {  	s3 =	sadd.s32 $0x88, s3;
	s6 =	simm.s32 @!p1 $0x1082;
	[sflag:s4] =	ssyncset.s32 $0xFFFFF086  }
0x25: {  	[simem:s6], [sflag:s4] =	dma.local [hbm:s3], $0xF7A  }
0x26: {  	[smem:$0x3F99] =	sst s1;
	(tag) =	ssettag s2;
	_ =	strace s9  }
0x27: {  	s1 =	sld [smem:$0x3FA9]  }
0x28: {  	s2 =	sld [smem:$0x3FAA]  }
0x29: {  	s4 =	sld [smem:$0x3FAC]  }
0x2a: {  	p0 =	seq.s32 s5, $0x0;
	s5 =	sld [smem:$0x3FAD]  }
0x2b: {  	s6 =	sld [smem:$0x3FAE]  }
0x2c: {  	s7 =	sld [smem:$0x3FAF]  }
0x2d: {  	s3 =	simm.s32 $0x108;
	s8 =	sld [smem:$0x3FB0]  }
0x2e: {  	s3 =	simm.s32 @!p0 $0x1082;
	s9 =	sld [smem:$0x3FB1]  }
0x2f: {  	lr =	sadd.s32 s0, s3;
	s0 =	sld [smem:$0x3FA8]  }
0x30: {  	s3 =	sld [smem:$0x3FAB]  }
0x31: {  	[smem:$0x3FB4] =	sst s10  }
0x32: {  	s10 =	sld [smem:$0x3FB2];
	_ =	sdelay $0x3  }
0x33: {  	p0 =	seq.s32 s10, $0x1;
	s10 =	sld [smem:$0x3FB4];
	_ =	sdelay $0x3  }
0x34: {  	[smem:$0x3FB4] =	sst s10  }
0x35: {  	s10 =	sld [smem:$0x3FB3];
	_ =	sdelay $0x3  }
0x36: {  	p1 =	seq.s32 s10, $0x1;
	s10 =	sld [smem:$0x3FB4];
	_ =	sdelay $0x3  }
0x37: {  	[smem:$0x3FB4] =	sst s10  }
0x38: {  	s10 =	sld [smem:$0x3FB5]  }
0x39: {  	_ = 	snop;
	(pc) =	sbr.ind lr, $3  }
0x3a: {  	_ = 	snop  }
0x3b: {  	_ = 	snop  }
0x3c: {  	p2 =	seq.s32 s10, $0x1;
	s10 =	sld [smem:$0x3FB4]  }
0x3d: {  	_ =	shalt  }
0x3e: {  	_ =	shalt  }
0x3f: {  	_ =	shalt  }
0x40: {  	_ =	shalt  }
0x41: {  	_ =	shalt  }
0x42: {  	_ =	shalt  }
0x43: {  	_ =	shalt  }
0x44: {  	_ =	shalt  }
0x45: {  	_ =	shalt  }
0x46: {  	_ =	shalt  }
0x47: {  	_ =	shalt  }
0x48: {  	_ =	shalt  }
0x49: {  	_ =	shalt  }
0x4a: {  	_ =	shalt  }
0x4b: {  	_ =	shalt  }
0x4c: {  	_ =	shalt  }
0x4d: {  	_ =	shalt  }
0x4e: {  	_ =	shalt  }
0x4f: {  	_ =	shalt  }
0x50: {  	_ =	shalt  }
0x51: {  	_ =	shalt  }
0x52: {  	_ =	shalt  }
0x53: {  	_ =	shalt  }
0x54: {  	_ =	shalt  }
0x55: {  	_ =	shalt  }
0x56: {  	_ =	shalt  }
0x57: {  	_ =	shalt  }
0x58: {  	_ =	shalt  }
0x59: {  	_ =	shalt  }
0x5a: {  	_ =	shalt  }
0x5b: {  	_ =	shalt  }
0x5c: {  	_ =	shalt  }
0x5d: {  	_ =	shalt  }
0x5e: {  	_ =	shalt  }
0x5f: {  	_ =	shalt  }
0x60: {  	_ =	shalt  }
0x61: {  	_ =	shalt  }
0x62: {  	_ =	shalt  }
0x63: {  	_ =	shalt  }
0x64: {  	_ =	shalt  }
0x65: {  	_ =	shalt  }
0x66: {  	_ =	shalt  }
0x67: {  	_ =	shalt  }
0x68: {  	_ =	shalt  }
0x69: {  	_ =	shalt  }
0x6a: {  	_ =	shalt  }
0x6b: {  	_ =	shalt  }
0x6c: {  	_ =	shalt  }
0x6d: {  	_ =	shalt  }
0x6e: {  	_ =	shalt  }
0x6f: {  	_ =	shalt  }
0x70: {  	_ =	shalt  }
0x71: {  	_ =	shalt  }
0x72: {  	_ =	shalt  }
0x73: {  	_ =	shalt  }
0x74: {  	_ =	shalt  }
0x75: {  	_ =	shalt  }
0x76: {  	_ =	shalt  }
0x77: {  	_ =	shalt  }
0x78: {  	_ =	shalt  }
0x79: {  	_ =	shalt  }
0x7a: {  	_ =	shalt  }
0x7b: {  	_ =	shalt  }
0x7c: {  	_ =	shalt  }
0x7d: {  	_ =	shalt  }
0x7e: {  	_ =	shalt  }
0x7f: {  	_ =	shalt  }
0x80: {  	_ =	shalt  }
0x81: {  	_ =	shalt  }
0x82: {  	_ =	shalt  }
0x83: {  	_ =	shalt  }
0x84: {  	_ =	shalt  }
0x85: {  	_ =	shalt  }
0x86: {  	_ =	shalt  }
0x87: {  	_ =	shalt  }
.Lfunc_end0:
.L_simem_size_0:
called_computation.1_lowered:
.L_overlay_start_0:
0x88: {  	s2 =	sld [smem:$0x3FD9]  }
0x89: {  	s3 =	sld [smem:$0x3FFE];
	_ =	sdelay $0x1  }
0x8a: {  	s1 =	srdreg.scid  }
0x8b: {  	s0 =	sand.u32 $0x1, s1  }
0x8c: {  	s14 =	sshll.u32 s0, $0xA;
	s2 =	sadd.s32 s3, s2  }
0x8d: {  	s2 =	sadd.s32 s2, s14  }
0x8e: {  	[smem:$0x3FC0] =	sst s2  }
0x8f: {  	_ = 	snop  }
0x90: {  	s2 =	sld [smem:$0x3FD0];
	_ =	sdelay $0x1  }
0x91: {  	s15 =	sld [smem:$0x3FC3]  }
0x92: {  	s5 =	simm.s32 $0xA;
	s6 =	simm.s32 $0x10;
	s4 =	sld [smem:$0x3FC2]  }
0x93: {  	[smem:s6], [sflag:s5] =	dma.local [hbm:s2], $0x1  }
0x94: {  	_ =	swait.eq [sflag:s5], $0x1  }
0x95: {  	[sflag:s5] =	ssyncset.done $0x0  }
0x96: {  	s16 =	sld [smem:$0x10];
	[sflag:s5] =	ssyncadd.s32 $0xFFFFFFFF  }
0x97: {  	s17 =	sld [smem:$0x11];
	(tm) =	ssettm $0x1  }
0x98: {  	s18 =	sld [smem:$0x3FFB];
	_ =	sdelay $0x3  }
0x99: {  	_ =	strace s18  }
0x9a: {  	s6 =	sld [smem:$0x3FFC];
	_ =	sdelay $0x3  }
0x9b: {  	_ =	strace s6  }
0x9c: {  	s6 =	sld [smem:$0x3FFD];
	_ =	sdelay $0x3  }
0x9d: {  	_ =	strace s6  }
0x9e: {  	_ =	strace $0x8FFFFFFF  }
0x9f: {  	s19 =	sld [smem:$0x3FDB];
	_ =	sdelay $0x1  }
0xa0: {  	s7 =	simm.s32 $_scs_section_size  }
0xa1: {  	s8 =	simm.s32 $_size__tile_overlayer_lowered;
	s9 =	simm.s32 $_tile_overlayer_lowered  }
0xa2: {  	s22 =	simm.s32 $0x1BFF;
	s21 =	sshll.u32 s9, $0x1;
	s6 =	sadd.s32 s7, s19  }
0xa3: {  	s10 =	simm.s32 $0x0;
	s20 =	sshll.u32 s8, $0x1;
	s8 =	sadd.s32 s21, s6  }
0xa4: {  	[timem:s10], [sflag:s22] =	dma.local [hbm:s8], s20  }
0xa5: {  	_ =	swait.ge [sflag:s22], s20  }
0xa6: {  	s7 =	ssub.s32 $0x0, s20;
	[sflag:s22] =	ssyncset.done $0x0  }
0xa7: {  	[sflag:s22] =	ssyncadd.s32 s7;
	_ =	sdelay $0x1  }
0xa8: {  	s23 =	simm.s32 $0x1B8B  }
0xa9: {  	_ =	swait.ge [sflag:s23], $0x1  }
0xaa: {  	[sflag:s23] =	ssyncset.done $0x0  }
0xab: {  	s25 =	simm.s32 $0x1B8E;
	s24 =	sld [smem:$0x3FFE];
	[sflag:s23] =	ssyncadd.s32 $0xFFFFFFFF  }
0xac: {  	s26 =	simm.s32 $execute0_lowered;
	[smem:$0x3FD2] =	sst s25  }
0xad: {  	s8 =	sshll.u32 s26, $0x1;
	_ =	strace $0x80000049;
	[dreg:$0x1] =	wrdreg $0xFFFFFFFF  }
0xae: {  	s28 =	simm.s32 $_size_execute0_lowered;
	s6 =	sadd.s32 s6, s8;
	[dreg:$0x0] =	wrdreg $0x0  }
0xaf: {  	s8 =	sshll.u32 s28, $0x1;
	[dreg:$0x2] =	wrdreg s6  }
0xb0: {  	[dreg:$0x3] =	wrdreg s8  }
0xb1: {  	[dreg:$0x4] =	wrdreg $0xC0  }
0xb2: {  	_ =	task [dreg:s10], $0x5FFFF  }
0xb3: {  	[dreg:$0x1] =	wrdreg $0xFFFFFFFF  }
0xb4: {  	[dreg:$0x0] =	wrdreg $0x60  }
0xb5: {  	[dreg:$0x2] =	wrdreg s24  }
0xb6: {  	[dreg:$0x3] =	wrdreg s15  }
0xb7: {  	[dreg:$0x4] =	wrdreg s4  }
0xb8: {  	[dreg:$0x5] =	wrdreg s17  }
0xb9: {  	[dreg:$0x6] =	wrdreg s16  }
0xba: {  	[dreg:$0x7] =	wrdreg $0x18800  }
0xbb: {  	[dreg:$0x8] =	wrdreg $0x31000  }
0xbc: {  	[dreg:$0x9] =	wrdreg $0x49800  }
0xbd: {  	[dreg:$0xa] =	wrdreg $0x0  }
0xbe: {  	[dreg:$0xb] =	wrdreg $0x9  }
0xbf: {  	_ =	task.clear_ibuf [dreg:s10], $0xCFFFF;
	_ =	strace $0x90000049  }
0xc0: {  	s29 =	simm.s32 $0x9;
	_ =	strace $0x8000004B  }
0xc1: {  	_ =	swait.ge [sflag:s29], $0x1  }
0xc2: {  	[sflag:s29] =	ssyncadd.s32 $0xFFFFFFFF  }
0xc3: {  	_ =	strace $0x9000004B  }
0xc4: {  	_ =	sfence  }
0xc5: {  	s30 =	sld [smem:$0x0];
	_ =	sdelay $0x2  }
0xc6: {  	s31 =	sshll.u32 s1, $0xD;
	s1 =	sshrl.u32 s1, $0x2  }
0xc7: {  	s3 =	sand.u32 $0x4000, s31;
	s1 =	sadd.s32 s1, s30  }
0xc8: {  	s0 =	sor.u32 s3, s0;
	s1 =	sshll.u32 s1, $0x11  }
0xc9: {  	s0 =	sor.u32 s1, s0  }
0xca: {  	s0 =	sadd.s32 $0x8F2B, s0  }
0xcb: {  	[sflag:s0] =	ssyncadd.remote.s32 $0x1  }
0xcc: {  	_ =	sfence.sel $0xFFFF  }
0xcd: {  	[dreg:$0x0] =	wrdreg $0xFFFFFFFF;
	(pc) =	sbr.abs _section_cstart, $3  }
0xce: {  	[dreg:$0x1] =	wrdreg $0xFFFFFFFF  }
0xcf: {  	_ =	task.clear_ibuf [dreg:s10], $0x2FFFF;
	_ =	strace $0x9FFFFFFF  }
0xd0: {  	(tm) =	ssettm $0x7FFFFFFF  }
0xd1: {  	_ =	shalt  }
tec
execute0_lowered:
.L_overlay_start_1:
0x0: {  	(tag) =	ssettag $0x1  }
0x1: {  	s0 =	rddreg [dreg:$0x0]  }
0x2: {  	s1 =	rddreg [dreg:$0x3]  }
0x3: {  	s4 =	rddreg [dreg:$0x5]  }
0x4: {  	s5 =	rddreg [dreg:$0x6]  }
0x5: {  	s7 =	rddreg [dreg:$0x7]  }
0x6: {  	s18 =	rddreg [dreg:$0x8]  }
0x7: {  	s25 =	simm.s32 $0x0;
	s17 =	stileid.u32;
	s6 =	srdreg.scid  }
0x8: {  	s31 =	simm.s32 $0x3;
	s29 =	simm.s32 $0x1;
	s30 =	simm.s32 $0xF480  }
0x9: {  	[smem:$0x7FF] =	sst s25;
	s2 =	smul.u32 $0x1880, s17;
	s10 =	sadd.s32 $0xC4E00, s0  }
0xa: {  	s11 =	sadd.s32 $0x63200, s0;
	s12 =	sadd.s32 $0x1600, s0;
	s8 =	sadd.s32 $0x129E00, s0  }
0xb: {  	s6 =	sand.u32 $0x1, s6;
	s9 =	sshll.u32 s17, $0x1;
	s14 =	smul.u32 $0x620, s17  }
0xc: {  	s17 =	smul.u32 $0xC400, s17;
	_ =	strace $0x8000004A;
	s9 =	sor.u32 s6, s9  }
0xd: {  	s13 =	ssub.s32 $0x2, s6;
	s6 =	smul.u32 $0x180, s6;
	s3 =	sshrl.u32 s2, $0x3  }
0xe: {  	s15 =	sshll.u32 s9, $0x4;
	s16 =	sshrl.u32 s13, $0x1;
	s14 =	sadd.s32 s1, s14  }
0xf: {  	s28 =	sadd.s32 s2, s4;
	s19 =	sadd.s32 s2, s7;
	s24 =	sadd.s32 s2, s18  }
0x10: {  	s18 =	simm.s32 $0xE480;
	s3 =	sadd.s32 s3, s0;
	[dreg:$0xb] =	wrdreg s28  }
0x11: {  	s0 =	sadd.s32 s15, s0;
	s13 =	ssub.s32 s13, s16;
	[dreg:$0xe] =	wrdreg s19  }
0x12: {  	s16 =	sadd.s32 s2, s5;
	s20 =	sor.u32 s6, s17;
	[dreg:$0x13] =	wrdreg s24  }
0x13: {  	[dreg:$0xa] =	wrdreg s14;
	s28 =	sadd.s32 $0x10, s14;
	s14 =	simm.s32 $0xC480  }
0x14: {  	s17 =	simm.s32 $0xFA0;
	s19 =	simm.s32 $0x10480;
	s24 =	simm.s32 $0x14480  }
0x15: {  	s2 =	simm.s32 $0x0;
	s15 =	sadd.s32 $0x126C00, s3;
	[dreg:$0xd] =	wrdreg s16  }
0x16: {  	s21 =	sshrl.u32 s20, $0x3;
	s6 =	sadd.s32 $0x80, s20;
	s1 =	sadd.s32 $0x100, s20  }
0x17: {  	s23 =	sadd.s32 $0x142800, s0;
	s0 =	sadd.s32 $0x142600, s0;
	[dreg:$0x16] =	wrdreg s28  }
0x18: {  	s26 =	smax.u32 s13, $0x1;
	s16 =	simm.s32 $0x2;
	[dreg:$0xc] =	wrdreg s15  }
0x19: {  	s20 =	simm.s32 $0x11480;
	s3 =	sadd.s32 s8, s21;
	[dreg:$0x12] =	wrdreg s23  }
0x1a: {  	s22 =	sshrl.u32 s6, $0x3;
	s1 =	sshrl.u32 s1, $0x3;
	[dreg:$0x14] =	wrdreg s0  }
0x1b: {  	s23 =	smul.u32 $0x186A0, s9;
	[dreg:$0x15] =	wrdreg s26;
	s21 =	simm.s32 $0x12480  }
0x1c: {  	[dreg:$0xf] =	wrdreg s3;
	s3 =	sadd.s32 s8, s22;
	s1 =	sadd.s32 s8, s1  }
0x1d: {  	s8 =	simm.s32 $0x6200;
	s22 =	simm.s32 $0x13480;
	[dreg:$0x10] =	wrdreg s3  }
0x1e: {  	[dreg:$0x11] =	wrdreg s1;
	s1 =	simm.s32 $0x80;
	s3 =	simm.s32 $0xD480  }
.LBB2_1:
0x1f: {  	[dreg:$0x17] =	wrdreg s2  }
0x20: {  	s0 =	rddreg [dreg:$0xa];
	s13 =	simm.s32 $0x100  }
0x21: {  	[tilespmem:s8], [sflag:$0x3] =	stream.strided.gather [hbm4b:s0+s1], $0x1880, s13, s1, $0x38;
	[tilespmem:$0x15480] =	vst v63  }
0x22: {  	_ =	swait.ge [sflag:s31], $0x1880  }
0x23: {  	[sflag:s31] =	ssyncset.done $0x0  }
0x24: {  	s6 =	simm.s32 $0x7A80;
	s15 =	rddreg [dreg:$0x16];
	[sflag:s31] =	ssyncadd.s32 $0xFFFFE780  }
0x25: {  	[tilespmem:s6], [sflag:$0x3] =	stream.strided.gather [hbm4b:s15+s1], $0x1880, s13, s1, $0x38;
	[tilespmem:$0x15480] =	vst v63  }
0x26: {  	s26 =	stileid.u32;
	_ =	swait.ge [sflag:s31], $0x1880  }
0x27: {  	s0 =	sshll.u32 s26, $0x6;
	s1 =	rddreg [dreg:$0xb]  }
0x28: {  	[sflag:s31] =	ssyncset.done $0x0;
	s9 =	rddreg [dreg:$0xc];
	s6 =	sshrl.u32 s1, $0x3  }
0x29: {  	s28 =	sor.u32 $0x1C03, s0;
	[sflag:s31] =	ssyncadd.s32 $0xFFFFE780;
	[dreg:$0x19] =	wrdreg s6  }
0x2a: {  	[spmem:s6], [sflag:s28] =	dma.local [hbm:s9], $0x310  }
0x2b: {  	_ =	swait.ge [sflag:s31], $0x310  }
0x2c: {  	s13 =	rddreg [dreg:$0xd]  }
0x2d: {  	[sflag:s31] =	ssyncset.done $0x0;
	s1 =	sshrl.u32 s13, $0x3  }
0x2e: {  	[sflag:s31] =	ssyncadd.s32 $0xFFFFFCF0;
	[dreg:$0x1a] =	wrdreg s1  }
0x2f: {  	[spmem:s1], [sflag:s28] =	dma.local [hbm:s9], $0x310  }
0x30: {  	_ =	swait.ge [sflag:s31], $0x310  }
0x31: {  	s15 =	rddreg [dreg:$0xe]  }
0x32: {  	[dreg:$0x18] =	wrdreg s28;
	[sflag:s31] =	ssyncset.done $0x0;
	s1 =	sshrl.u32 s15, $0x3  }
0x33: {  	[sflag:s31] =	ssyncadd.s32 $0xFFFFFCF0;
	[dreg:$0x1b] =	wrdreg s1  }
0x34: {  	[spmem:s1], [sflag:s28] =	dma.local [hbm:s9], $0x310  }
0x35: {  	_ =	swait.ge [sflag:s31], $0x310  }
0x36: {  	[sflag:s31] =	ssyncset.done $0x0  }
0x37: {  	[sflag:s31] =	ssyncadd.s32 $0xFFFFFCF0  }
0x38: {  	s28 =	simm.s32 $0x9300;
	s26 =	rddreg [dreg:$0x4]  }
0x39: {  	[tilespmem:s28], [sflag:$0x3] =	stream.linear.gather [hbm4b:s26+s25], $0x80, $0x38;
	[tilespmem:$0x15480] =	vst v63  }
0x3a: {  	_ =	swait.ge [sflag:s31], $0x80  }
0x3b: {  	[sflag:s31] =	ssyncset.done $0x0  }
0x3c: {  	s0 =	simm.s32 $0x0;
	[sflag:s31] =	ssyncadd.s32 $0xFFFFFF80  }
0x3d: {  	v0 =	vld [tilespmem:s0+$0x7A80]  }
0x3e: {  	v1 =	vld [tilespmem:s0+$0x6200];
	_ =	sdelay $0x4  }
0x3f: {  	v0 =	vadd.f32 v0, v1;
	_ =	sdelay $0x1  }
0x40: {  	v1 =	vshra.s32 v0, $0x1;
	v2 =	vmul.f32 $5.000000000e-01, v0  }
0x41: {  	v1 =	vsub.s32 $0x5F3759DF, v1  }
0x42: {  	v3 =	vmul.f32 v1, v2;
	_ =	sdelay $0x1  }
0x43: {  	v3 =	vmul.f32 v1, v3;
	_ =	sdelay $0x1  }
0x44: {  	v3 =	vsub.f32 $1.500000000e+00, v3;
	_ =	sdelay $0x1  }
0x45: {  	v1 =	vmul.f32 v1, v3;
	_ =	sdelay $0x1  }
0x46: {  	v3 =	vmul.f32 v1, v2;
	_ =	sdelay $0x1  }
0x47: {  	v3 =	vmul.f32 v3, v1;
	_ =	sdelay $0x1  }
0x48: {  	v3 =	vsub.f32 $1.500000000e+00, v3;
	_ =	sdelay $0x1  }
0x49: {  	v3 =	vmul.f32 v3, v1;
	_ =	sdelay $0x1  }
0x4a: {  	v1 =	vmul.f32 v3, v2;
	_ =	sdelay $0x1  }
0x4b: {  	v1 =	vmul.f32 v1, v3;
	_ =	sdelay $0x1  }
0x4c: {  	v2 =	vsub.f32 $1.500000000e+00, v1;
	_ =	sdelay $0x1  }
0x4d: {  	s2 =	simm.s32 $0x80;
	s1 =	simm.s32 $0x40;
	v1 =	vimm.f32 $0.0e+00;
	v2 =	vmul.f32 v2, v3  }
.LBB2_2:
0x4e: {  	p0 =	sne.s32 s2, $0x61C0;
	s6 =	sshra.s32 s1, $0x2;
	s1 =	smov.u32 s2  }
0x4f: {  	v3 =	vld [tilespmem:s6+$0x7A80];
	[tilespmem:s0+$0x6200] =	vst v2;
	v0 =	vmul.f32 v2, v0;
	s0 =	smov.u32 s6  }
0x50: {  	v2 =	vld [tilespmem:s0+$0x6200]  }
0x51: {  	v1 =	vadd.f32 v0, v1;
	_ =	sdelay $0x3  }
0x52: {  	v0 =	vadd.f32 v3, v2;
	_ =	sdelay $0x1  }
0x53: {  	v2 =	vshra.s32 v0, $0x1;
	v3 =	vmul.f32 $5.000000000e-01, v0  }
0x54: {  	v2 =	vsub.s32 $0x5F3759DF, v2  }
0x55: {  	v4 =	vmul.f32 v2, v3;
	_ =	sdelay $0x1  }
0x56: {  	v4 =	vmul.f32 v2, v4;
	_ =	sdelay $0x1  }
0x57: {  	v4 =	vsub.f32 $1.500000000e+00, v4;
	_ =	sdelay $0x1  }
0x58: {  	v2 =	vmul.f32 v2, v4;
	_ =	sdelay $0x1  }
0x59: {  	v4 =	vmul.f32 v2, v3;
	_ =	sdelay $0x1  }
0x5a: {  	v4 =	vmul.f32 v4, v2;
	_ =	sdelay $0x1  }
0x5b: {  	v4 =	vsub.f32 $1.500000000e+00, v4;
	_ =	sdelay $0x1  }
0x5c: {  	v2 =	vmul.f32 v4, v2;
	_ =	sdelay $0x1  }
0x5d: {  	v3 =	vmul.f32 v2, v3;
	_ =	sdelay $0x1  }
.Ltmp0:
0x5e: {  	v3 =	vmul.f32 v3, v2;
	(pc) =	sbr.rel @p0 .LBB2_2-.Ltmp0, $3  }
0x5f: {  	_ = 	snop  }
0x60: {  	v3 =	vsub.f32 $1.500000000e+00, v3;
	_ =	sdelay $0x1  }
0x61: {  	s2 =	sadd.s32 $0x40, s2;
	v2 =	vmul.f32 v3, v2  }
0x62: {  	s1 =	sshra.s32 s1, $0x2  }
0x63: {  	v3 =	vld [tilespmem:s1+$0x7A80];
	[tilespmem:s0+$0x6200] =	vst v2  }
0x64: {  	v4 =	vld [tilespmem:s1+$0x6200];
	_ =	sdelay $0x4  }
0x65: {  	v3 =	vadd.f32 v3, v4;
	_ =	sdelay $0x1  }
0x66: {  	v4 =	vshra.s32 v3, $0x1;
	v5 =	vmul.f32 $5.000000000e-01, v3  }
0x67: {  	v4 =	vsub.s32 $0x5F3759DF, v4  }
0x68: {  	v6 =	vmul.f32 v4, v5;
	_ =	sdelay $0x1  }
0x69: {  	v6 =	vmul.f32 v4, v6;
	_ =	sdelay $0x1  }
0x6a: {  	v6 =	vsub.f32 $1.500000000e+00, v6;
	_ =	sdelay $0x1  }
0x6b: {  	v4 =	vmul.f32 v4, v6;
	_ =	sdelay $0x1  }
0x6c: {  	v6 =	vmul.f32 v4, v5;
	_ =	sdelay $0x1  }
0x6d: {  	v6 =	vmul.f32 v6, v4;
	_ =	sdelay $0x1  }
0x6e: {  	v6 =	vsub.f32 $1.500000000e+00, v6;
	_ =	sdelay $0x1  }
0x6f: {  	v4 =	vmul.f32 v6, v4;
	_ =	sdelay $0x1  }
0x70: {  	v5 =	vmul.f32 v4, v5;
	_ =	sdelay $0x1  }
0x71: {  	v5 =	vmul.f32 v5, v4;
	_ =	sdelay $0x1  }
0x72: {  	v5 =	vsub.f32 $1.500000000e+00, v5;
	_ =	sdelay $0x1  }
0x73: {  	v0 =	vmul.f32 v2, v0;
	v2 =	vmul.f32 v5, v4;
	_ =	sdelay $0x1  }
0x74: {  	v0 =	vadd.f32 v0, v1;
	v1 =	vmul.f32 v2, v3;
	_ =	sdelay $0x1  }
0x75: {  	v0 =	vadd.f32 v1, v0  }
0x76: {  	[tilespmem:s1+$0x6200] =	vst v2  }
0x77: {  	s25 =	simm.s32 $0x0;
	s6 =	rddreg [dreg:$0x12];
	s9 =	simm.s32 $0x9400;
	[tilespmem:$0x9400] =	vst v0  }
0x78: {  	[hbm4b:s6+s25] =	stream.linear.scatter [tilespmem:s9], [sflag:$0x3], $0x80, $0x38;
	[tilespmem:$0x15480] =	vst v63  }
0x79: {  	_ =	swait.ge [sflag:s31], $0x80  }
0x7a: {  	[sflag:s31] =	ssyncset.done $0x0  }
0x7b: {  	s13 =	rddreg [dreg:$0x13];
	[sflag:s31] =	ssyncadd.s32 $0xFFFFFF80  }
0x7c: {  	[spmem:s13] =	stream.linear.scatter [tilespmem:s8], [sflag:$0x3], $0x1880, $0x38;
	[tilespmem:$0x15480] =	vst v63  }
0x7d: {  	_ =	swait.ge [sflag:s31], $0x1880  }
0x7e: {  	[sflag:s31] =	ssyncset.done $0x0  }
0x7f: {  	[sflag:s31] =	ssyncadd.s32 $0xFFFFE780  }
0x80: {  	[bflag:$0x0] =	sbarrier.arrive $0xFFFF  }
0x81: {  	v5 =	vld [tilespmem:$0x9300];
	_ =	sdelay $0x4  }
0x82: {  	(v2sf) =	vpush v5, $0x1  }
0x83: {  	(v2sf) =	vpush v5, $0x3;
	_ =	sdelay $0xd  }
0x84: {  	s15 =	spop (v2sf)  }
0x85: {  	s26 =	spop (v2sf);
	s0 =	ssub.f32 $0.0e+00, s15  }
0x86: {  	v1 =	vbroadcast v5, $0x0;
	s1 =	ssub.f32 $0.0e+00, s26  }
0x87: {  	v17 =	vimm.f32 $0.0e+00;
	v3 =	vbroadcast v5, $0x2;
	v4 =	vbroadcast v5, $0x3  }
0x88: {  	s28 =	simm.s32 $0x0;
	v5 =	vbroadcast v5, $0x4;
	v0 =	vmov s0;
	v2 =	vmov s1  }
.LBB2_4:
0x89: {  	s0 =	smul.u32 $0xFA0, s28;
	_ =	sdelay $0x1  }
0x8a: {  	s0 =	sadd.s32 s23, s0  }
0x8b: {  	s1 =	rddreg [dreg:$0x2];
	s0 =	sshrl.u32 s0, $0x3  }
0x8c: {  	s1 =	sadd.s32 s1, s0  }
0x8d: {  	[tilespmem:s3], [sflag:$0x2] =	stream.linear.gather [hbm4b:s1+s25], $0xFA0, $0x38;
	[tilespmem:$0x15480] =	vst v63  }
0x8e: {  	s2 =	simm.s32 $0x9480;
	s26 =	sadd.s32 s10, s0  }
0x8f: {  	[tilespmem:s2], [sflag:$0x1] =	stream.linear.gather [hbm4b:s26+s25], $0xFA0, $0x38;
	[tilespmem:$0x15480] =	vst v63  }
0x90: {  	s8 =	simm.s32 $0xA480;
	s6 =	sadd.s32 s11, s0  }
0x91: {  	[tilespmem:s8], [sflag:$0x1] =	stream.linear.gather [hbm4b:s6+s25], $0xFA0, $0x38;
	[tilespmem:$0x15480] =	vst v63  }
0x92: {  	s13 =	simm.s32 $0xB480;
	s15 =	rddreg [dreg:$0x1];
	s9 =	sadd.s32 s12, s0  }
0x93: {  	[tilespmem:s13], [sflag:$0x1] =	stream.linear.gather [hbm4b:s9+s25], $0xFA0, $0x38;
	[tilespmem:$0x15480] =	vst v63  }
0x94: {  	s0 =	sadd.s32 s15, s0  }
0x95: {  	[tilespmem:s14], [sflag:$0x1] =	stream.linear.gather [hbm4b:s0+s25], $0xFA0, $0x38;
	[tilespmem:$0x15480] =	vst v63  }
0x96: {  	_ =	swait.ge [sflag:s16], $0xFA0  }
0x97: {  	[sflag:s16] =	ssyncset.done $0x0  }
0x98: {  	[sflag:s16] =	ssyncadd.s32 $0xFFFFF060  }
0x99: {  	s26 =	rddreg [dreg:$0x8]  }
0x9a: {  	[tilespmem:s18], [sflag:$0x1] =	stream.indirect.gather [spmem:s26], $0x1, s3, s17, $0xb8;
	[tilespmem:$0x15480] =	vst v63  }
0x9b: {  	_ =	swait.ge [sflag:s29], $0xFA0  }
0x9c: {  	[sflag:s29] =	ssyncset.done $0x0  }
0x9d: {  	[sflag:s29] =	ssyncadd.s32 $0xFFFFF060  }
0x9e: {  	_ =	swait.ge [sflag:s29], $0xFA0  }
0x9f: {  	[sflag:s29] =	ssyncset.done $0x0  }
0xa0: {  	[sflag:s29] =	ssyncadd.s32 $0xFFFFF060  }
0xa1: {  	_ =	swait.ge [sflag:s29], $0xFA0  }
0xa2: {  	[sflag:s29] =	ssyncset.done $0x0  }
0xa3: {  	[sflag:s29] =	ssyncadd.s32 $0xFFFFF060  }
0xa4: {  	_ =	swait.ge [sflag:s29], $0xFA0  }
0xa5: {  	[sflag:s29] =	ssyncset.done $0x0  }
0xa6: {  	[sflag:s29] =	ssyncadd.s32 $0xFFFFF060  }
0xa7: {  	_ =	swait.ge [sflag:s29], $0xFA0  }
0xa8: {  	[sflag:s29] =	ssyncset.done $0x0  }
0xa9: {  	s2 =	simm.s32 $0x0;
	[sflag:s29] =	ssyncadd.s32 $0xFFFFF060  }
0xaa: {  	v24 =	vld [tilespmem:s2+$0x9480]  }
0xab: {  	v31 =	vld [tilespmem:s2+$0xA480];
	_ =	sdelay $0x1  }
0xac: {  	v33 =	vld [tilespmem:s2+$0xB480];
	_ =	sdelay $0x2  }
0xad: {  	v6 =	vmul.f32 v24, v24;
	v7 =	vmul.f32 v31, v31  }
0xae: {  	s1 =	simm.s32 $0x10  }
0xaf: {  	v22 =	vld [tilespmem:s1+$0x9480];
	v8 =	vmul.f32 v33, v33;
	v6 =	vadd.f32 v7, v6  }
0xb0: {  	v19 =	vld [tilespmem:s1+$0xA480]  }
0xb1: {  	v6 =	vadd.f32 v8, v6  }
0xb2: {  	v25 =	vld [tilespmem:s1+$0xB480]  }
0xb3: {  	v7 =	vmax.f32 v6, $1.000000000e-30  }
0xb4: {  	v6 =	vmul.f32 $5.000000000e-01, v7;
	v8 =	vshra.s32 v7, $0x1  }
0xb5: {  	v9 =	vmul.f32 v22, v22;
	v10 =	vmul.f32 v19, v19;
	v8 =	vsub.s32 $0x5F3759DF, v8  }
0xb6: {  	s26 =	simm.s32 $0x20;
	v11 =	vmul.f32 v8, v6  }
0xb7: {  	v18 =	vld [tilespmem:s26+$0x9480];
	v12 =	vmul.f32 v25, v25;
	v9 =	vadd.f32 v10, v9  }
0xb8: {  	v13 =	vld [tilespmem:s26+$0xA480];
	v10 =	vmul.f32 v8, v11  }
0xb9: {  	v9 =	vadd.f32 v12, v9  }
0xba: {  	v14 =	vld [tilespmem:s26+$0xB480];
	v10 =	vsub.f32 $1.500000000e+00, v10  }
0xbb: {  	v12 =	vmax.f32 v9, $1.000000000e-30  }
0xbc: {  	v9 =	vshra.s32 v12, $0x1;
	v11 =	vmul.f32 $5.000000000e-01, v12;
	v8 =	vmul.f32 v8, v10  }
0xbd: {  	v15 =	vmul.f32 v13, v13;
	v16 =	vsub.s32 $0x5F3759DF, v9;
	v10 =	vmul.f32 v18, v18  }
0xbe: {  	v9 =	vmul.f32 v16, v11;
	v6 =	vmul.f32 v8, v6  }
0xbf: {  	v20 =	vmul.f32 v14, v14;
	v10 =	vadd.f32 v15, v10  }
0xc0: {  	s13 =	simm.s32 $0x30;
	v15 =	vmul.f32 v16, v9;
	v6 =	vmul.f32 v6, v8  }
0xc1: {  	v9 =	vld [tilespmem:s13+$0x9480];
	v10 =	vadd.f32 v20, v10  }
0xc2: {  	v15 =	vsub.f32 $1.500000000e+00, v15;
	v20 =	vsub.f32 $1.500000000e+00, v6;
	v6 =	vld [tilespmem:s13+$0xA480];
	_ =	sdelay $0x1  }
0xc3: {  	v21 =	vmax.f32 v10, $1.000000000e-30;
	v15 =	vmul.f32 v16, v15;
	v36 =	vmul.f32 v20, v8;
	v8 =	vld [tilespmem:s13+$0xB480]  }
0xc4: {  	v16 =	vmul.f32 $5.000000000e-01, v21  }
0xc5: {  	v10 =	vshra.s32 v21, $0x1;
	v20 =	vmul.f32 v36, v7;
	v7 =	vmul.f32 v15, v11  }
0xc6: {  	v26 =	vsub.s32 $0x5F3759DF, v10;
	v11 =	vmul.f32 v9, v9;
	v23 =	vmul.f32 v6, v6  }
0xc7: {  	v27 =	vmul.f32 v26, v16  }
0xc8: {  	v10 =	vmul.f32 v20, v0;
	v28 =	vmul.f32 v8, v8;
	v11 =	vadd.f32 v23, v11  }
0xc9: {  	s15 =	simm.s32 $0x40;
	v7 =	vmul.f32 v7, v15;
	v20 =	vmul.f32 v20, v2  }
0xca: {  	v27 =	vmul.f32 v26, v27;
	v23 =	vmul.f32 $1.442695020e+00, v10;
	v10 =	vld [tilespmem:s15+$0x9480];
	v11 =	vadd.f32 v28, v11  }
0xcb: {  	v20 =	vmul.f32 $1.442695020e+00, v20;
	v28 =	vsub.f32 $1.500000000e+00, v7;
	v7 =	vld [tilespmem:s15+$0xA480]  }
0xcc: {  	(erf) = vpow2.f32 v23;
	v23 =	vsub.f32 $1.500000000e+00, v27;
	v35 =	vmax.f32 v11, $1.000000000e-30;
	v11 =	vld [tilespmem:s15+$0xB480]  }
0xcd: {  	v27 =	vmul.f32 v28, v15;
	(erf) = vpow2.f32 v20  }
0xce: {  	v29 =	vmul.f32 $5.000000000e-01, v35;
	v15 =	vmul.f32 v26, v23  }
0xcf: {  	v23 =	vmul.f32 v27, v12;
	v12 =	vmul.f32 v10, v10  }
0xd0: {  	v28 =	vshra.s32 v35, $0x1;
	v26 =	vmul.f32 v7, v7;
	v16 =	vmul.f32 v15, v16  }
0xd1: {  	v32 =	vsub.s32 $0x5F3759DF, v28;
	v30 =	vmul.f32 v23, v0;
	v28 =	vmul.f32 v11, v11  }
0xd2: {  	v12 =	vadd.f32 v26, v12;
	v26 =	vmul.f32 v32, v29;
	v16 =	vmul.f32 v16, v15  }
0xd3: {  	v23 =	vmul.f32 v23, v2;
	v20 =	vmul.f32 $1.442695020e+00, v30  }
0xd4: {  	s0 =	simm.s32 $0x50;
	v12 =	vadd.f32 v28, v12;
	v26 =	vmul.f32 v32, v26;
	v28 =	vsub.f32 $1.500000000e+00, v16  }
0xd5: {  	v23 =	vmul.f32 $1.442695020e+00, v23;
	v16 =	vld [tilespmem:s0+$0x9480];
	(erf) = vpow2.f32 v20  }
0xd6: {  	v30 =	vmax.f32 v12, $1.000000000e-30;
	v20 =	vsub.f32 $1.500000000e+00, v26;
	v28 =	vmul.f32 v28, v15;
	v15 =	vpop (erf)  }
0xd7: {  	v12 =	vld [tilespmem:s0+$0xA480];
	v37 =	vmul.f32 $5.000000000e-01, v30;
	v49 =	vmul.f32 v15, v1  }
0xd8: {  	v26 =	vld [tilespmem:s2+$0xE480];
	v39 =	vpop (erf);
	(erf) = vpow2.f32 v23;
	v20 =	vmul.f32 v32, v20  }
0xd9: {  	v15 =	vld [tilespmem:s0+$0xB480];
	v21 =	vmul.f32 v28, v21;
	v39 =	vmul.f32 v39, v3  }
0xda: {  	v32 =	vmul.f32 v49, v5;
	v38 =	vmul.f32 v16, v16  }
0xdb: {  	v29 =	vmul.f32 v20, v29;
	v34 =	vmul.f32 v21, v0  }
0xdc: {  	v53 =	vmul.f32 v39, v4;
	v42 =	vmul.f32 v21, v2  }
0xdd: {  	s8 =	simm.s32 $0x60;
	v40 =	vmul.f32 v12, v12;
	v41 =	vmul.f32 v32, v26;
	v26 =	vshra.s32 v30, $0x1  }
0xde: {  	v21 =	vld [tilespmem:s8+$0x9480];
	v50 =	vmul.f32 v15, v15;
	v51 =	vsub.s32 $0x5F3759DF, v26;
	v34 =	vmul.f32 $1.442695020e+00, v34  }
0xdf: {  	v52 =	vmul.f32 v29, v20;
	v26 =	vmul.f32 v51, v37  }
0xe0: {  	v55 =	vmul.f32 $1.442695020e+00, v42;
	v38 =	vadd.f32 v40, v38;
	v41 =	vsub.f32 v53, v41  }
0xe1: {  	(erf) = vpow2.f32 v34;
	v54 =	vpop (erf);
	v23 =	vmul.f32 v51, v26;
	v26 =	vsub.f32 $1.500000000e+00, v52  }
0xe2: {  	v32 =	vadd.f32 v50, v38;
	v38 =	vmul.f32 v54, v1;
	v41 =	vmul.f32 v41, v36  }
0xe3: {  	v59 =	vmul.f32 v21, v21;
	v23 =	vsub.f32 $1.500000000e+00, v23;
	v26 =	vmul.f32 v26, v20;
	v20 =	vld [tilespmem:s8+$0xA480]  }
0xe4: {  	v43 =	vld [tilespmem:s1+$0xE480];
	v56 =	vmul.f32 v38, v5;
	v58 =	vmul.f32 v41, v24  }
0xe5: {  	v47 =	vmul.f32 v41, v33;
	v34 =	vmul.f32 v51, v23;
	v23 =	vld [tilespmem:s8+$0xB480]  }
0xe6: {  	v29 =	vmax.f32 v32, $1.000000000e-30;
	v24 =	vpop (erf);
	v31 =	vmul.f32 v41, v31;
	(erf) = vpow2.f32 v55  }
0xe7: {  	v17 =	vadd.f32 v39, v17;
	v32 =	vmul.f32 $5.000000000e-01, v29;
	v35 =	vmul.f32 v26, v35  }
0xe8: {  	v24 =	vmul.f32 v24, v3;
	v46 =	vshra.s32 v29, $0x1;
	v60 =	vmul.f32 v20, v20  }
0xe9: {  	v36 =	vmul.f32 v56, v43;
	v33 =	vsub.s32 $0x5F3759DF, v46;
	v57 =	vmul.f32 v35, v0  }
0xea: {  	[tilespmem:s2+$0xF480] =	vst v58;
	v37 =	vmul.f32 v34, v37;
	v45 =	vmul.f32 v23, v23;
	v39 =	vadd.f32 v60, v59  }
0xeb: {  	v44 =	vsub.f32 $0.0e+00, v58;
	[tilespmem:s2+$0x11480] =	vst v47;
	v61 =	vmul.f32 v33, v32;
	v38 =	vmul.f32 $1.442695020e+00, v57  }
0xec: {  	v62 =	vsub.f32 $0.0e+00, v47;
	[tilespmem:s2+$0x10480] =	vst v31;
	v63 =	vmul.f32 v37, v34;
	v43 =	vadd.f32 v45, v39  }
0xed: {  	[tilespmem:s2+$0x12480] =	vst v44;
	(erf) = vpow2.f32 v38;
	v38 =	vsub.f32 $0.0e+00, v31;
	v39 =	vmul.f32 v33, v61  }
0xee: {  	s6 =	simm.s32 $0x1C0;
	v40 =	vmul.f32 v24, v4;
	[tilespmem:s2+$0x14480] =	vst v62;
	v37 =	vpop (erf);
	v41 =	vsub.f32 $1.500000000e+00, v63;
	v31 =	vmax.f32 v43, $1.000000000e-30  }
.LBB2_5:
0xef: {  	s9 =	sshra.s32 s6, $0x2;
	p0 =	sne.s32 s6, $0x3E40;
	s6 =	sadd.s32 $0x40, s6;
	v42 =	vmul.f32 $5.000000000e-01, v31;
	v39 =	vsub.f32 $1.500000000e+00, v39;
	v35 =	vmul.f32 v35, v2;
	v43 =	vld [tilespmem:s26+$0xE480];
	[tilespmem:s2+$0x13480] =	vst v38;
	v44 =	vmovc v8;
	v8 =	vmovc v11  }
0xf0: {  	v37 =	vmul.f32 v37, v1;
	v11 =	vmovc v15;
	s2 =	smov.u32 s1;
	s1 =	smov.u32 s26;
	s26 =	smov.u32 s13;
	v38 =	vld [tilespmem:s9+$0x9480];
	v41 =	vmul.f32 v41, v34;
	v36 =	vsub.f32 v40, v36  }
0xf1: {  	v17 =	vadd.f32 v24, v17;
	v15 =	vmovc v23;
	s13 =	smov.u32 s15;
	s15 =	smov.u32 s0;
	s0 =	smov.u32 s8;
	v40 =	vld [tilespmem:s9+$0xA480];
	v34 =	vmul.f32 v33, v39;
	v39 =	vmul.f32 $1.442695020e+00, v35  }
0xf2: {  	s8 =	smov.u32 s9;
	v23 =	vld [tilespmem:s9+$0xB480];
	v35 =	vmul.f32 v41, v30;
	v45 =	vmul.f32 v36, v27;
	v27 =	vmovc v28;
	v28 =	vmovc v26;
	v26 =	vmov v41  }
0xf3: {  	v46 =	vmul.f32 v37, v5;
	v30 =	vmovc v29;
	v29 =	vmovc v31;
	v41 =	vmul.f32 v34, v32;
	v32 =	vmov v42  }
0xf4: {  	v31 =	vmul.f32 v35, v0;
	v33 =	vmul.f32 v45, v22;
	v22 =	vmovc v18;
	v18 =	vmovc v9;
	v9 =	vmov v10  }
0xf5: {  	v36 =	vmul.f32 v46, v43;
	v10 =	vmov v16;
	v42 =	vmul.f32 v38, v38;
	v24 =	vpop (erf)  }
0xf6: {  	v43 =	vmul.f32 v40, v40;
	v37 =	vpop (erf);
	v24 =	vmul.f32 v24, v3;
	[tilespmem:s2+$0xF480] =	vst v33;
	v46 =	vsub.f32 $0.0e+00, v33  }
0xf7: {  	v25 =	vmul.f32 v45, v25;
	v16 =	vmovc v21;
	v21 =	vmovc v38;
	v33 =	vshra.s32 v29, $0x1;
	v47 =	vmul.f32 v23, v23  }
.Ltmp1:
0xf8: {  	v33 =	vsub.s32 $0x5F3759DF, v33;
	v38 =	vadd.f32 v43, v42;
	v42 =	vmul.f32 v45, v19;
	[tilespmem:s2+$0x12480] =	vst v46;
	v19 =	vmovc v13;
	(pc) =	sbr.rel @p0 .LBB2_5-.Ltmp1, $4  }
0xf9: {  	v31 =	vmul.f32 $1.442695020e+00, v31;
	v43 =	vmul.f32 v33, v32;
	v46 =	vsub.f32 $0.0e+00, v25;
	v13 =	vmovc v6;
	v6 =	vmovc v7;
	[tilespmem:s2+$0x11480] =	vst v25  }
0xfa: {  	v41 =	vmul.f32 v41, v34;
	v7 =	vmovc v12;
	v45 =	vadd.f32 v47, v38;
	(erf) = vpow2.f32 v39;
	[tilespmem:s2+$0x10480] =	vst v42  }
0xfb: {  	v12 =	vmovc v20;
	v20 =	vmovc v40;
	v39 =	vmul.f32 v33, v43;
	v38 =	vsub.f32 $0.0e+00, v42;
	(erf) = vpow2.f32 v31;
	[tilespmem:s2+$0x14480] =	vst v46  }
0xfc: {  	v41 =	vsub.f32 $1.500000000e+00, v41;
	v40 =	vmul.f32 v24, v4;
	v25 =	vmovc v14;
	v14 =	vmovc v44;
	v31 =	vmax.f32 v45, $1.000000000e-30  }
0xfd: {  	v42 =	vmul.f32 $5.000000000e-01, v31  }
0xfe: {  	v39 =	vsub.f32 $1.500000000e+00, v39;
	v35 =	vmul.f32 v35, v2;
	v37 =	vmul.f32 v37, v1  }
0xff: {  	v49 =	vshra.s32 v31, $0x1;
	v34 =	vmul.f32 v41, v34;
	v36 =	vsub.f32 v40, v36  }
0x100: {  	v43 =	vld [tilespmem:s26+$0xE480];
	v40 =	vsub.s32 $0x5F3759DF, v49;
	v33 =	vmul.f32 v33, v39;
	v35 =	vmul.f32 $1.442695020e+00, v35  }
0x101: {  	v37 =	vmul.f32 v37, v5;
	v50 =	vmul.f32 v40, v42  }
0x102: {  	v30 =	vmul.f32 v34, v30;
	v36 =	vmul.f32 v36, v27  }
0x103: {  	v32 =	vmul.f32 v33, v32;
	v56 =	vmul.f32 v40, v50  }
0x104: {  	v48 =	vmul.f32 v30, v0;
	v22 =	vmul.f32 v36, v22  }
0x105: {  	v37 =	vmul.f32 v37, v43;
	v53 =	vmul.f32 v36, v25;
	v47 =	vpop (erf)  }
0x106: {  	v19 =	vmul.f32 v36, v19;
	v27 =	vmul.f32 v47, v3  }
0x107: {  	[tilespmem:s2+$0x13480] =	vst v38;
	v32 =	vmul.f32 v32, v33;
	(erf) = vpow2.f32 v35  }
0x108: {  	v30 =	vmul.f32 v30, v2;
	[tilespmem:s1+$0xF480] =	vst v22;
	v51 =	vmul.f32 v27, v4  }
0x109: {  	v52 =	vsub.f32 $0.0e+00, v22;
	v55 =	vmul.f32 $1.442695020e+00, v48;
	[tilespmem:s1+$0x11480] =	vst v53;
	v32 =	vsub.f32 $1.500000000e+00, v32  }
0x10a: {  	v22 =	vsub.f32 $0.0e+00, v53;
	[tilespmem:s1+$0x10480] =	vst v19;
	v59 =	vmul.f32 $1.442695020e+00, v30;
	v54 =	vsub.f32 v51, v37  }
0x10b: {  	v58 =	vpop (erf);
	v19 =	vsub.f32 $0.0e+00, v19;
	[tilespmem:s1+$0x12480] =	vst v52;
	(erf) = vpow2.f32 v55;
	v32 =	vmul.f32 v32, v33  }
0x10c: {  	v57 =	vsub.f32 $1.500000000e+00, v56;
	[tilespmem:s1+$0x14480] =	vst v22;
	v33 =	vmul.f32 v58, v1;
	v25 =	vmul.f32 v54, v28  }
0x10d: {  	v60 =	vld [tilespmem:s13+$0xE480];
	[tilespmem:s1+$0x13480] =	vst v19;
	(erf) = vpow2.f32 v59;
	v19 =	vmul.f32 v32, v29  }
0x10e: {  	v28 =	vmul.f32 v40, v57;
	v18 =	vmul.f32 v25, v18  }
0x10f: {  	v35 =	vmul.f32 v19, v0;
	v14 =	vmul.f32 v25, v14  }
0x110: {  	v19 =	vmul.f32 v19, v2;
	v63 =	vpop (erf);
	v13 =	vmul.f32 v25, v13;
	[tilespmem:s26+$0xF480] =	vst v18  }
0x111: {  	v62 =	vmul.f32 v28, v42;
	v36 =	vmul.f32 v63, v3;
	v61 =	vsub.f32 $0.0e+00, v18;
	[tilespmem:s26+$0x11480] =	vst v14  }
0x112: {  	v25 =	vmul.f32 $1.442695020e+00, v35;
	v18 =	vmul.f32 v33, v5;
	v14 =	vsub.f32 $0.0e+00, v14;
	[tilespmem:s26+$0x10480] =	vst v13  }
0x113: {  	v19 =	vmul.f32 $1.442695020e+00, v19;
	v22 =	vmul.f32 v62, v28;
	[tilespmem:s26+$0x12480] =	vst v61  }
0x114: {  	v37 =	vmul.f32 v36, v4;
	v18 =	vmul.f32 v18, v60;
	[tilespmem:s26+$0x14480] =	vst v14  }
0x115: {  	v38 =	vpop (erf);
	(erf) = vpow2.f32 v25;
	v22 =	vsub.f32 $1.500000000e+00, v22;
	v39 =	vld [tilespmem:s15+$0xE480]  }
0x116: {  	v40 =	vmul.f32 v38, v1;
	v42 =	vpop (erf);
	(erf) = vpow2.f32 v19;
	v14 =	vsub.f32 v37, v18  }
0x117: {  	v25 =	vmul.f32 v42, v3;
	v18 =	vmul.f32 v22, v28  }
0x118: {  	v41 =	vmul.f32 v40, v5;
	v14 =	vmul.f32 v14, v26  }
0x119: {  	v13 =	vsub.f32 $0.0e+00, v13;
	v19 =	vmul.f32 v25, v4;
	v43 =	vmul.f32 v18, v31  }
0x11a: {  	v9 =	vmul.f32 v14, v9;
	v22 =	vmul.f32 v41, v39  }
0x11b: {  	[tilespmem:s26+$0x13480] =	vst v13;
	v44 =	vmul.f32 v43, v0;
	v8 =	vmul.f32 v14, v8  }
0x11c: {  	v6 =	vmul.f32 v14, v6;
	[tilespmem:s13+$0xF480] =	vst v9;
	v46 =	vsub.f32 v19, v22  }
0x11d: {  	v47 =	vmul.f32 v43, v2;
	v45 =	vsub.f32 $0.0e+00, v9;
	v13 =	vmul.f32 $1.442695020e+00, v44;
	[tilespmem:s13+$0x11480] =	vst v8  }
0x11e: {  	v8 =	vsub.f32 $0.0e+00, v8;
	[tilespmem:s13+$0x10480] =	vst v6;
	v9 =	vmul.f32 v46, v34  }
0x11f: {  	v48 =	vmul.f32 $1.442695020e+00, v47;
	[tilespmem:s13+$0x12480] =	vst v45;
	(erf) = vpow2.f32 v13  }
0x120: {  	v6 =	vsub.f32 $0.0e+00, v6;
	[tilespmem:s13+$0x14480] =	vst v8;
	v50 =	vmul.f32 v9, v10  }
0x121: {  	v49 =	vpop (erf);
	v51 =	vld [tilespmem:s0+$0xE480];
	(erf) = vpow2.f32 v48  }
0x122: {  	v14 =	vmul.f32 v49, v1;
	v52 =	vpop (erf);
	[tilespmem:s13+$0x13480] =	vst v6;
	v53 =	vmul.f32 v9, v11;
	v6 =	vsub.f32 $0.0e+00, v50  }
0x123: {  	v54 =	vmul.f32 v52, v3;
	[tilespmem:s15+$0xF480] =	vst v50  }
0x124: {  	v14 =	vmul.f32 v14, v5;
	v7 =	vmul.f32 v9, v7;
	[tilespmem:s15+$0x12480] =	vst v6;
	v6 =	vsub.f32 $0.0e+00, v53  }
0x125: {  	[tilespmem:s15+$0x11480] =	vst v53  }
0x126: {  	v56 =	vmul.f32 v54, v4;
	[tilespmem:s15+$0x10480] =	vst v7;
	v55 =	vmul.f32 v14, v51  }
0x127: {  	[tilespmem:s15+$0x14480] =	vst v6  }
0x128: {  	v8 =	vsub.f32 v56, v55;
	v57 =	vld [tilespmem:s8+$0xE480];
	v6 =	vpop (erf)  }
0x129: {  	v6 =	vmul.f32 v6, v1  }
0x12a: {  	v8 =	vmul.f32 v8, v32;
	v58 =	vpop (erf)  }
0x12b: {  	v9 =	vmul.f32 v58, v3;
	v6 =	vmul.f32 v6, v5  }
0x12c: {  	v7 =	vsub.f32 $0.0e+00, v7;
	v59 =	vmul.f32 v8, v16  }
0x12d: {  	v60 =	vmul.f32 v9, v4;
	v6 =	vmul.f32 v6, v57  }
0x12e: {  	[tilespmem:s15+$0x13480] =	vst v7;
	v61 =	vmul.f32 v8, v15  }
0x12f: {  	v8 =	vmul.f32 v8, v12;
	[tilespmem:s0+$0xF480] =	vst v59;
	v6 =	vsub.f32 v60, v6  }
0x130: {  	v7 =	vsub.f32 $0.0e+00, v59;
	[tilespmem:s0+$0x11480] =	vst v61  }
0x131: {  	[tilespmem:s0+$0x10480] =	vst v8;
	v8 =	vsub.f32 $0.0e+00, v8;
	v6 =	vmul.f32 v6, v18  }
0x132: {  	[tilespmem:s0+$0x12480] =	vst v7;
	v7 =	vsub.f32 $0.0e+00, v61  }
0x133: {  	[tilespmem:s0+$0x13480] =	vst v8;
	v62 =	vmul.f32 v6, v21  }
0x134: {  	[tilespmem:s0+$0x14480] =	vst v7;
	v63 =	vmul.f32 v6, v23  }
0x135: {  	v6 =	vmul.f32 v6, v20;
	[tilespmem:s8+$0xF480] =	vst v62  }
0x136: {  	v7 =	vsub.f32 $0.0e+00, v62;
	[tilespmem:s8+$0x11480] =	vst v63  }
0x137: {  	[tilespmem:s8+$0x10480] =	vst v6;
	v6 =	vsub.f32 $0.0e+00, v6  }
0x138: {  	[tilespmem:s8+$0x12480] =	vst v7;
	v7 =	vsub.f32 $0.0e+00, v63  }
0x139: {  	[tilespmem:s8+$0x13480] =	vst v6  }
0x13a: {  	[tilespmem:s8+$0x14480] =	vst v7  }
0x13b: {  	[spmem:s4] =	stream.indirect.scatter.add.f32 [tilespmem:s30], [sflag:$0x3], $0x1, s3, s17, $0xb8;
	[tilespmem:$0x15480] =	vst v63  }
0x13c: {  	_ =	swait.ge [sflag:s31], $0xFA0  }
0x13d: {  	[sflag:s31] =	ssyncset.done $0x0  }
0x13e: {  	[sflag:s31] =	ssyncadd.s32 $0xFFFFF060  }
0x13f: {  	[spmem:s5] =	stream.indirect.scatter.add.f32 [tilespmem:s19], [sflag:$0x3], $0x1, s3, s17, $0xb8;
	[tilespmem:$0x15480] =	vst v63  }
0x140: {  	_ =	swait.ge [sflag:s31], $0xFA0  }
0x141: {  	[sflag:s31] =	ssyncset.done $0x0  }
0x142: {  	[sflag:s31] =	ssyncadd.s32 $0xFFFFF060  }
0x143: {  	[spmem:s7] =	stream.indirect.scatter.add.f32 [tilespmem:s20], [sflag:$0x3], $0x1, s3, s17, $0xb8;
	[tilespmem:$0x15480] =	vst v63  }
0x144: {  	_ =	swait.ge [sflag:s31], $0xFA0  }
0x145: {  	[sflag:s31] =	ssyncset.done $0x0  }
0x146: {  	[sflag:s31] =	ssyncadd.s32 $0xFFFFF060  }
0x147: {  	[spmem:s4] =	stream.indirect.scatter.add.f32 [tilespmem:s21], [sflag:$0x3], $0x1, s14, s17, $0xb8;
	[tilespmem:$0x15480] =	vst v63  }
0x148: {  	v6 =	vadd.f32 v24, v17;
	_ =	swait.ge [sflag:s31], $0xFA0  }
0x149: {  	[sflag:s31] =	ssyncset.done $0x0  }
0x14a: {  	v6 =	vadd.f32 v27, v6;
	[sflag:s31] =	ssyncadd.s32 $0xFFFFF060  }
0x14b: {  	[spmem:s5] =	stream.indirect.scatter.add.f32 [tilespmem:s22], [sflag:$0x3], $0x1, s14, s17, $0xb8;
	[tilespmem:$0x15480] =	vst v63  }
0x14c: {  	s28 =	sadd.s32 $0x1, s28;
	v6 =	vadd.f32 v36, v6;
	_ =	swait.ge [sflag:s31], $0xFA0  }
0x14d: {  	p0 =	sne.s32 s28, $0x19;
	[sflag:s31] =	ssyncset.done $0x0  }
.Ltmp2:
0x14e: {  	v6 =	vadd.f32 v25, v6;
	[sflag:s31] =	ssyncadd.s32 $0xFFFFF060;
	(pc) =	sbr.rel @p0 .LBB2_4-.Ltmp2, $4  }
0x14f: {  	[spmem:s7] =	stream.indirect.scatter.add.f32 [tilespmem:s24], [sflag:$0x3], $0x1, s14, s17, $0xb8;
	[tilespmem:$0x15480] =	vst v63  }
0x150: {  	v6 =	vadd.f32 v54, v6;
	_ =	swait.ge [sflag:s31], $0xFA0  }
0x151: {  	[sflag:s31] =	ssyncset.done $0x0  }
0x152: {  	v17 =	vadd.f32 v9, v6;
	[sflag:s31] =	ssyncadd.s32 $0xFFFFF060  }
0x153: {  	_ = 	snop  }
0x154: {  	s25 =	simm.s32 $0x0;
	s0 =	rddreg [dreg:$0x14];
	s1 =	simm.s32 $0x9380;
	[tilespmem:$0x9380] =	vst v17  }
0x155: {  	[hbm4b:s0+s25] =	stream.linear.scatter [tilespmem:s1], [sflag:$0x3], $0x80, $0x38;
	[tilespmem:$0x15480] =	vst v63  }
0x156: {  	_ =	swait.ge [sflag:s31], $0x80  }
0x157: {  	[sflag:s31] =	ssyncset.done $0x0  }
0x158: {  	[sflag:s31] =	ssyncadd.s32 $0xFFFFFF80  }
0x159: {  	[bflag:$0x0] =	sbarrier.arrive $0xFFFF  }
0x15a: {  	s28 =	rddreg [dreg:$0xf]  }
0x15b: {  	s6 =	rddreg [dreg:$0x18]  }
0x15c: {  	s2 =	simm.s32 $0x10;
	s1 =	simm.s32 $0x80;
	s8 =	rddreg [dreg:$0x19]  }
0x15d: {  	[hbm:s28@s1], [sflag:s6] =	dma.strided [spmem:s8@s2], $0x310, s29, $0x10   }
0x15e: {  	_ =	swait.ge [sflag:s31], $0x310  }
0x15f: {  	[sflag:s31] =	ssyncset.done $0x0;
	s8 =	rddreg [dreg:$0x10]  }
0x160: {  	s9 =	rddreg [dreg:$0x1a];
	[sflag:s31] =	ssyncadd.s32 $0xFFFFFCF0  }
0x161: {  	[hbm:s8@s1], [sflag:s6] =	dma.strided [spmem:s9@s2], $0x310, s29, $0x10   }
0x162: {  	_ =	swait.ge [sflag:s31], $0x310  }
0x163: {  	[sflag:s31] =	ssyncset.done $0x0;
	s13 =	rddreg [dreg:$0x11]  }
0x164: {  	s15 =	rddreg [dreg:$0x1b];
	[sflag:s31] =	ssyncadd.s32 $0xFFFFFCF0  }
0x165: {  	[hbm:s13@s1], [sflag:s6] =	dma.strided [spmem:s15@s2], $0x310, s29, $0x10   }
0x166: {  	_ =	swait.ge [sflag:s31], $0x310  }
0x167: {  	s26 =	rddreg [dreg:$0x17]  }
0x168: {  	s28 =	rddreg [dreg:$0x15];
	s2 =	sadd.s32 $0x1, s26  }
0x169: {  	p0 =	sne.s32 s2, s28  }
.Ltmp3:
0x16a: {  	_ = 	snop;
	(pc) =	sbr.rel @p0 .LBB2_1-.Ltmp3, $3  }
0x16b: {  	_ =	sdelay $0x1  }
0x16c: {  	[sflag:s31] =	ssyncset.done $0x0  }
0x16d: {  	s8 =	simm.s32 $0x6200;
	[sflag:s31] =	ssyncadd.s32 $0xFFFFFCF0  }
0x16e: {  	_ =	sfence.sel $0x180000  }
0x16f: {  	[bflag:$0x0] =	sbarrier.arrive $0xFFFF  }
0x170: {  	_ =	strace $0x9000004A  }
0x171: {  	s0 =	stileid.u32;
	[bflag:$0x2] =	sbarrier.arrive $0xFFFF  }
0x172: {  	p0 =	sne.s32 s0, $0x0;
	s0 =	rddreg [dreg:$0x9]  }
0x173: {  	s0 =	sadd.s32 @!p0 $0x100000, s0  }
0x174: {  	[sflag:s0] =	ssyncadd.tile.s32 @!p0 $0x1;
	_ =	shalt  }
.Lfunc_end2:
_tile_overlayer_lowered:
.L_overlay_start_2:
0x175: {  	(tag) =	ssettag $0x2  }
0x176: {  	s0 =	rddreg [dreg:$0x0];
	s2 =	stileid.u32  }
0x177: {  	s1 =	rddreg [dreg:$0x1];
	p0 =	sne.s32 s2, $0x0  }
0x178: {  	s3 =	rddreg [dreg:$0x2];
	[bflag:$0x3] =	sbarrier.arrive $0xFFFF;
	s2 =	simm.s32 @!p0 $0x1C03  }
0x179: {  	[timem:s3], [sflag:s2] =	dma.local @!p0 [hbm:s0], s1  }
0x17a: {  	s0 =	simm.s32 @!p0 $0x3  }
0x17b: {  	_ =	swait.ge @!p0 [sflag:s0], s1  }
0x17c: {  	s1 =	ssub.s32 @!p0 $0x0, s1;
	[sflag:s0] =	ssyncset.done @!p0 $0x0  }
0x17d: {  	[sflag:s0] =	ssyncadd.s32 @!p0 s1  }
0x17e: {  	[bflag:$0x3] =	sbarrier.arrive $0xFFFF  }
0x17f: {  	_ =	shalt  }

</sc_bundles>
